<compile_context>
chip_gen: v7x
topology: tpu7x:2x2x1
jax: 0.10.2.dev20260603
libtpu: 0.0.44.dev20260713+nightly
codegen_flags: <defaults>
</compile_context>

<pallas_src>
import functools

import jax
import jax.numpy as jnp
from jax import lax
from jax.experimental import pallas as pl
from jax.experimental.pallas import tpu as pltpu
from jax.experimental.pallas import tpu_sc as plsc

_N = 100000
_E = 6400000
_B = 64
_CH = 4000
_NW = 32
_NCHUNK = _E // _CH
_CPW = _NCHUNK // _NW
_ZCH = 2000
_RC = 2000

_mesh = plsc.VectorSubcoreMesh(core_axis_name="c", subcore_axis_name="s")


def _zero_vmem(ref, nwords):
    z16 = jnp.zeros((16,), jnp.float32)

    def body(i, _):
        ref[pl.ds(i * 16, 16)] = z16
        return 0

    lax.fori_loop(0, nwords // 16, body, 0)


def _deg_body(attr_hbm, dst_hbm, degp_hbm, ew_hbm,
              attr_v, dst_v, ew_v, zb_v, deg_sh, sem):
    cid = lax.axis_index("c")
    sid = lax.axis_index("s")
    wid = sid * 2 + cid

    _zero_vmem(zb_v, _ZCH)

    def zero_sh(k, _):
        c = sid + k * 16

        @pl.when(c < _N // _ZCH)
        def _():
            pltpu.sync_copy(zb_v, deg_sh.at[pl.ds(c * _ZCH, _ZCH)])

        return 0

    lax.fori_loop(0, 4, zero_sh, 0)
    plsc.subcore_barrier()

    base4 = lax.iota(jnp.int32, 16) * 4

    def chunk(k, _):
        c = wid + k * _NW
        pltpu.sync_copy(dst_hbm.at[pl.ds(c * _CH, _CH)], dst_v)
        pltpu.sync_copy(attr_hbm.at[pl.ds(c * _CH * 4, _CH * 4)], attr_v)

        def extract(j, _):
            ew_v[pl.ds(j * 16, 16)] = plsc.load_gather(attr_v, [base4 + j * 64])
            return 0

        lax.fori_loop(0, _CH // 16, extract, 0)
        pltpu.sync_copy(ew_v, ew_hbm.at[pl.ds(c * _CH, _CH)])
        pltpu.sync_copy(ew_v, deg_sh.at[dst_v], add=True)
        return 0

    lax.fori_loop(0, _CPW, chunk, 0)
    plsc.subcore_barrier()

    @pl.when(sid == 0)
    def _():
        pltpu.sync_copy(deg_sh, degp_hbm.at[cid])


_deg_call = pl.kernel(
    _deg_body,
    out_type=[jax.ShapeDtypeStruct((2, _N), jnp.float32),
              jax.ShapeDtypeStruct((_E,), jnp.float32)],
    mesh=_mesh,
    compiler_params=pltpu.CompilerParams(needs_layout_passes=False),
    scratch_types=[
        pltpu.VMEM((_CH * 4,), jnp.float32),
        pltpu.VMEM((_CH,), jnp.int32),
        pltpu.VMEM((_CH,), jnp.float32),
        pltpu.VMEM((_ZCH,), jnp.float32),
        pltpu.VMEM_SHARED((_N,), jnp.float32),
        pltpu.SemaphoreType.DMA,
    ],
)


def _make_conv(F):
    n_rc = _N // _RC

    def body(*refs):
        (src_hbm, dst_hbm, ew_hbm, yt_hbm, zpt_hbm,
         src_v, dst_v, ew_v, col_v, zb_v) = refs[:10]
        y_sh = refs[10:10 + F]
        z_sh = refs[10 + F:10 + 2 * F]
        sem = refs[10 + 2 * F]
        cid = lax.axis_index("c")
        sid = lax.axis_index("s")
        wid = sid * 2 + cid

        _zero_vmem(zb_v, _RC)

        def stage(k, _):
            c = sid + k * 16

            @pl.when(c < n_rc)
            def _():
                sl = pl.ds(c * _RC, _RC)
                for f in range(F):
                    pltpu.sync_copy(yt_hbm.at[pl.ds(f * _N + c * _RC, _RC)],
                                    y_sh[f].at[sl])
                    pltpu.sync_copy(zb_v, z_sh[f].at[sl])

            return 0

        lax.fori_loop(0, pl.cdiv(n_rc, 16), stage, 0)
        plsc.subcore_barrier()

        def chunk(k, _):
            c = wid + k * _NW
            pltpu.sync_copy(src_hbm.at[pl.ds(c * _CH, _CH)], src_v)
            pltpu.sync_copy(dst_hbm.at[pl.ds(c * _CH, _CH)], dst_v)
            pltpu.sync_copy(ew_hbm.at[pl.ds(c * _CH, _CH)], ew_v)
            for f in range(F):
                pltpu.async_copy(y_sh[f].at[src_v], col_v, sem).wait()

                def scale(j, _):
                    sl = pl.ds(j * 16, 16)
                    col_v[sl] = col_v[sl] * ew_v[sl]
                    return 0

                lax.fori_loop(0, _CH // 16, scale, 0)
                pltpu.sync_copy(col_v, z_sh[f].at[dst_v], add=True)
            return 0

        lax.fori_loop(0, _CPW, chunk, 0)
        plsc.subcore_barrier()

        def wb(k, _):
            c = sid + k * 16

            @pl.when(c < n_rc)
            def _():
                for f in range(F):
                    pltpu.sync_copy(
                        z_sh[f].at[pl.ds(c * _RC, _RC)],
                        zpt_hbm.at[pl.ds(cid * F * _N + f * _N + c * _RC, _RC)])

            return 0

        lax.fori_loop(0, pl.cdiv(n_rc, 16), wb, 0)

    return pl.kernel(
        body,
        out_type=jax.ShapeDtypeStruct((2 * F * _N,), jnp.float32),
        mesh=_mesh,
        compiler_params=pltpu.CompilerParams(
            needs_layout_passes=False, use_tc_tiling_on_sc=False),
        scratch_types=(
            [pltpu.VMEM((_CH,), jnp.int32),
             pltpu.VMEM((_CH,), jnp.int32),
             pltpu.VMEM((_CH,), jnp.float32),
             pltpu.VMEM((_CH,), jnp.float32),
             pltpu.VMEM((_RC,), jnp.float32)]
            + [pltpu.VMEM_SHARED((_N,), jnp.float32) for _ in range(2 * F)]
            + [pltpu.SemaphoreType.DMA]
        ),
    )


_conv4 = _make_conv(4)
_conv2 = _make_conv(2)


def _tc_prep_body(degp_r, xt_r, w1_r, dinv_o, y1t_o):
    deg = degp_r[0] + degp_r[1] + 1.0
    dinv = jnp.where(deg > 0, lax.rsqrt(deg), 0.0)
    xt = xt_r[...]
    w = w1_r[...]
    dinv_o[...] = dinv
    for j in range(4):
        acc = w[0, j] * xt[0] + w[1, j] * xt[1] + w[2, j] * xt[2] + w[3, j] * xt[3]
        y1t_o[j, :] = dinv * acc


_tc_prep = pl.pallas_call(
    _tc_prep_body,
    out_shape=(jax.ShapeDtypeStruct((_N,), jnp.float32),
               jax.ShapeDtypeStruct((4, _N), jnp.float32)),
)


def _tc_mid_body(zpt_r, y1t_r, dinv_r, w2_r, b1_r, y2t_o):
    dinv = dinv_r[...]
    w = w2_r[...]
    h = [None] * 4
    for k in range(4):
        zk = zpt_r[0, k] + zpt_r[1, k] + y1t_r[k]
        h[k] = jnp.maximum(dinv * zk + b1_r[k], 0.0)
    for j in range(2):
        acc = w[0, j] * h[0] + w[1, j] * h[1] + w[2, j] * h[2] + w[3, j] * h[3]
        y2t_o[j, :] = dinv * acc


_tc_mid = pl.pallas_call(
    _tc_mid_body,
    out_shape=jax.ShapeDtypeStruct((2, _N), jnp.float32),
)


def _tc_final_body(zpt_r, y2t_r, dinv_r, b2_r, batch_r, gf_r, wfc_r, bfc_r, out_o):
    dinv = dinv_r[...]
    h0 = jnp.maximum(dinv * (zpt_r[0, 0] + zpt_r[1, 0] + y2t_r[0]) + b2_r[0], 0.0)
    h1 = jnp.maximum(dinv * (zpt_r[0, 1] + zpt_r[1, 1] + y2t_r[1]) + b2_r[1], 0.0)

    rb = 12800
    gids = lax.broadcasted_iota(jnp.int32, (_B, 1), 0)
    cnt = jnp.zeros((_B,), jnp.float32)
    s0 = jnp.zeros((_B,), jnp.float32)
    s1 = jnp.zeros((_B,), jnp.float32)
    off = 0
    while off < _N:
        nb = min(rb, _N - off)
        mb = lax.slice(batch_r[...], (off,), (off + nb,))[None, :] == gids
        mf = mb.astype(jnp.float32)
        cnt = cnt + jnp.sum(mf, axis=1)
        s0 = s0 + jnp.sum(mf * lax.slice(h0, (off,), (off + nb,))[None, :], axis=1)
        s1 = s1 + jnp.sum(mf * lax.slice(h1, (off,), (off + nb,))[None, :], axis=1)
        off += nb

    denom = jnp.maximum(cnt, 1.0)
    pooled0 = s0 / denom
    pooled1 = s1 / denom
    gf = gf_r[...]
    wfc = wfc_r[...]
    out = (pooled0[:, None] * wfc[0:1, :] + pooled1[:, None] * wfc[1:2, :]
           + gf[:, 0:1] * wfc[2:3, :] + gf[:, 1:2] * wfc[3:4, :]
           + gf[:, 2:3] * wfc[4:5, :] + gf[:, 3:4] * wfc[5:6, :])
    out_o[...] = out + bfc_r[...][None, :]


_tc_final = pl.pallas_call(
    _tc_final_body,
    out_shape=jax.ShapeDtypeStruct((_B, 1), jnp.float32),
)


def kernel(x, edge_index, edge_attr, batch, graph_features, W1, b1, W2, b2, Wfc, bfc):
    src = edge_index[0]
    dst = edge_index[1]
    attr_flat = edge_attr.reshape(-1)

    degp, ew = _deg_call(attr_flat, dst)
    dinv, y1t = _tc_prep(degp, x.T, W1)
    z1pt = _conv4(src, dst, ew, y1t.reshape(-1)).reshape(2, 4, _N)
    y2t = _tc_mid(z1pt, y1t, dinv, W2, b1)
    z2pt = _conv2(src, dst, ew, y2t.reshape(-1)).reshape(2, 2, _N)
    return _tc_final(z2pt, y2t, dinv, b2, batch,
                     graph_features, Wfc, bfc)

# --- scband reference (transcript-rebuilt; emitter-appended) ---
"""Pipeline reference for scband-gcn-2843268350294 (READ-ONLY COPY).

The authoritative reference and input builder live on the scoring server;
editing this copy changes nothing except your own understanding.
"""

import jax, jax.numpy as jnp
import numpy as np

N = 100000
E = 6400000
B = 64


def _gcn_conv(x, src, dst, ew, W, b):
    n = x.shape[0]
    loop = jnp.arange(n, dtype=src.dtype)
    src2 = jnp.concatenate([src, loop])
    dst2 = jnp.concatenate([dst, loop])
    ew2 = jnp.concatenate([ew, jnp.ones((n,), dtype=ew.dtype)])
    deg = jax.ops.segment_sum(ew2, dst2, num_segments=n)
    dinv = jnp.where(deg > 0, deg ** -0.5, 0.0)
    norm = dinv[src2] * ew2 * dinv[dst2]
    xl = x @ W
    out = jax.ops.segment_sum(norm[:, None] * xl[src2], dst2, num_segments=n)
    return out + b


def setup_inputs(seed: int = 0) -> dict:
    key = jax.random.key(seed)
    ks = jax.random.split(key, 11)
    x = jax.random.normal(ks[0], (N, 4), dtype=jnp.float32)
    edge_index = jax.random.randint(ks[1], (2, E), 0, N, dtype=jnp.int32)
    edge_attr = jax.random.uniform(ks[2], (E, 4), dtype=jnp.float32)
    batch = jnp.sort(jax.random.randint(ks[3], (N,), 0, B, dtype=jnp.int32))
    graph_features = jax.random.normal(ks[4], (B, 4), dtype=jnp.float32)
    W1 = jax.random.normal(ks[5], (4, 4), dtype=jnp.float32) * 0.5
    b1 = jnp.zeros((4,), dtype=jnp.float32)
    W2 = jax.random.normal(ks[6], (4, 2), dtype=jnp.float32) * 0.5
    b2 = jnp.zeros((2,), dtype=jnp.float32)
    Wfc = jax.random.normal(ks[7], (6, 1), dtype=jnp.float32) * 0.4
    bfc = jnp.zeros((1,), dtype=jnp.float32)
    return {"x": x, "edge_index": edge_index, "edge_attr": edge_attr, "batch": batch,
            "graph_features": graph_features, "W1": W1, "b1": b1, "W2": W2, "b2": b2,
            "Wfc": Wfc, "bfc": bfc}


def reference(x, edge_index, edge_attr, batch, graph_features, W1, b1, W2, b2, Wfc, bfc):
    src, dst = edge_index[0], edge_index[1]
    ew = edge_attr[:, 0]
    h = jax.nn.relu(_gcn_conv(x, src, dst, ew, W1, b1))
    h = jax.nn.relu(_gcn_conv(h, src, dst, ew, W2, b2))
    nb = graph_features.shape[0]
    counts = jax.ops.segment_sum(jnp.ones((h.shape[0],), dtype=h.dtype), batch, num_segments=nb)
    sums = jax.ops.segment_sum(h, batch, num_segments=nb)
    pooled = sums / jnp.maximum(counts, 1.0)[:, None]
    feat = jnp.concatenate([pooled, graph_features], axis=1)
    return feat @ Wfc + bfc

if __name__ == "__main__":
    import jax
    _d = setup_inputs()
    print(jax.jit(kernel)(*tuple(_d.values())))

</pallas_src>

<mosaic_0001>
#map = affine_map<(d0, d1) -> (0)>
module attributes {stable_mosaic.version = 14 : i64} {
  func.func @body(%arg0: i32, %arg1: i32, %arg2: memref<6400000xi32, #tpu.memory_space<hbm>>, %arg3: memref<6400000xi32, #tpu.memory_space<hbm>>, %arg4: memref<6400000xf32, #tpu.memory_space<hbm>>, %arg5: memref<400000xf32, #tpu.memory_space<hbm>>, %arg6: memref<800000xf32, #tpu.memory_space<hbm>>, %arg7: memref<4000xi32, #tpu.memory_space<vmem>>, %arg8: memref<4000xi32, #tpu.memory_space<vmem>>, %arg9: memref<4000xf32, #tpu.memory_space<vmem>>, %arg10: memref<4000xf32, #tpu.memory_space<vmem>>, %arg11: memref<2000xf32, #tpu.memory_space<vmem>>, %arg12: memref<100000xf32, #tpu.memory_space<vmem_shared>>, %arg13: memref<100000xf32, #tpu.memory_space<vmem_shared>>, %arg14: memref<100000xf32, #tpu.memory_space<vmem_shared>>, %arg15: memref<100000xf32, #tpu.memory_space<vmem_shared>>, %arg16: memref<100000xf32, #tpu.memory_space<vmem_shared>>, %arg17: memref<100000xf32, #tpu.memory_space<vmem_shared>>, %arg18: memref<100000xf32, #tpu.memory_space<vmem_shared>>, %arg19: memref<100000xf32, #tpu.memory_space<vmem_shared>>, %arg20: memref<!tpu.dma_semaphore, #tpu.memory_space<semaphore_mem>>) attributes {dimension_semantics = [#tpu.dimension_semantics<core_parallel>, #tpu.dimension_semantics<subcore_parallel>], iteration_bounds = array<i64: 2, 16>, scalar_prefetch = 0 : i64, scratch_operands = 14 : i64, tpu.core_type = #tpu.core_type<sc_vector_subcore>, window_params = [{transform_indices = #map}, {transform_indices = #map}, {transform_indices = #map}, {transform_indices = #map}, {transform_indices = #map}]} {
    %mul3A = arith.constant 2 : i32
    %mul3A_0 = arith.muli %arg1, %mul3A : i32
    %add3A = arith.addi %mul3A_0, %arg0 : i32
    %broadcast_in_dim3A = arith.constant 0.000000e+00 : f32
    %broadcast_in_dim3A_1 = vector.broadcast %broadcast_in_dim3A : f32 to vector<16xf32>
    %scan3A = arith.constant 0 : i32
    %scan3A_2 = arith.constant 0 : i32
    %scan3A_3 = arith.constant 125 : i32
    %scan3A_4 = arith.addi %scan3A_2, %scan3A_3 : i32
    %scan3A_5 = arith.constant 1 : i32
    %scan3A_6 = scf.for %scan3A_30 = %scan3A_2 to %scan3A_4 step %scan3A_5 iter_args(%scan3A_31 = %scan3A) -> (i32)  : i32 {
      %mul3A_32 = arith.constant 16 : i32
      %mul3A_33 = arith.muli %scan3A_30, %mul3A_32 : i32
      %swap3A = arith.index_cast %mul3A_33 : i32 to index
      %swap3A_34 = tpu.vector_load %arg11[%swap3A] {strides = array<i32>} : memref<2000xf32, #tpu.memory_space<vmem>>, vector<16xf32>,
      tpu.vector_store %arg11[%swap3A], %broadcast_in_dim3A_1 {strides = array<i32>} : memref<2000xf32, #tpu.memory_space<vmem>>, vector<16xf32>,
      %scan3A_35 = arith.constant 0 : i32
      scf.yield %scan3A_35 : i32
    }
    %scan3A_7 = arith.constant 125 : i32
    %scan3A_8 = arith.constant 0 : i32
    %scan3A_9 = arith.constant 0 : i32
    %scan3A_10 = arith.constant 4 : i32
    %scan3A_11 = arith.addi %scan3A_9, %scan3A_10 : i32
    %scan3A_12 = arith.constant 1 : i32
    %scan3A_13 = scf.for %scan3A_30 = %scan3A_9 to %scan3A_11 step %scan3A_12 iter_args(%scan3A_31 = %scan3A_8) -> (i32)  : i32 {
      %mul3A_32 = arith.constant 16 : i32
      %mul3A_33 = arith.muli %scan3A_30, %mul3A_32 : i32
      %add3A_34 = arith.addi %arg1, %mul3A_33 : i32
      %lt3A = arith.constant 50 : i32
      %lt3A_35 = arith.cmpi slt, %add3A_34, %lt3A : i32
      %convert_element_type3A = arith.extui %lt3A_35 : i1 to i32
      %cond3A = arith.constant 0 : i32
      %cond3A_36 = arith.cmpi ne, %convert_element_type3A, %cond3A : i32
      scf.if %cond3A_36 {
        %mul3A_38 = arith.constant 2000 : i32
        %mul3A_39 = arith.muli %add3A_34, %mul3A_38 : i32
        %mul3A_40 = arith.constant 2000 : i32
        %mul3A_41 = arith.muli %add3A_34, %mul3A_40 : i32
        %add3A_42 = arith.constant 0 : i32
        %add3A_43 = arith.addi %add3A_42, %mul3A_41 : i32
        "tpu.region"() ({
          %run_scoped3A = tpu.sem_alloc : memref<!tpu.dma_semaphore, #tpu.memory_space<semaphore_mem>>
          %dma_start3A = tpu.memref_slice %arg12[%mul3A_39] : memref<100000xf32, #tpu.memory_space<vmem_shared>> -> memref<2000xf32, #tpu.memory_space<vmem_shared>>
          %dma_start3A_56 = tpu.memref_slice %arg5[%add3A_43] : memref<400000xf32, #tpu.memory_space<hbm>> -> memref<2000xf32, #tpu.memory_space<hbm>>
          tpu.enqueue_dma source(%dma_start3A_56 : memref<2000xf32, #tpu.memory_space<hbm>>) target(%dma_start3A : memref<2000xf32, #tpu.memory_space<vmem_shared>>) target_semaphore(%run_scoped3A : memref<!tpu.dma_semaphore, #tpu.memory_space<semaphore_mem>>)
          %dma_wait3A = tpu.memref_slice %arg12[%mul3A_39] : memref<100000xf32, #tpu.memory_space<vmem_shared>> -> memref<2000xf32, #tpu.memory_space<vmem_shared>>
          %dma_wait3A_57 = tpu.memref_slice %arg5[%add3A_43] : memref<400000xf32, #tpu.memory_space<hbm>> -> memref<2000xf32, #tpu.memory_space<hbm>>
          tpu.wait_dma2 semaphore(%run_scoped3A : memref<!tpu.dma_semaphore, #tpu.memory_space<semaphore_mem>>) src(%dma_wait3A_57 : memref<2000xf32, #tpu.memory_space<hbm>>) dst(%dma_wait3A : memref<2000xf32, #tpu.memory_space<vmem_shared>>)
          tpu.yield
        }) : () -> ()
        "tpu.region"() ({
          %run_scoped3A = tpu.sem_alloc : memref<!tpu.dma_semaphore, #tpu.memory_space<semaphore_mem>>
          %dma_start3A = tpu.memref_slice %arg16[%mul3A_39] : memref<100000xf32, #tpu.memory_space<vmem_shared>> -> memref<2000xf32, #tpu.memory_space<vmem_shared>>
          %dma_start3A_56 = tpu.memref_slice %arg16[%mul3A_39] : memref<100000xf32, #tpu.memory_space<vmem_shared>> -> memref<2000xf32, #tpu.memory_space<vmem_shared>>
          tpu.enqueue_dma source(%arg11 : memref<2000xf32, #tpu.memory_space<vmem>>) target(%dma_start3A_56 : memref<2000xf32, #tpu.memory_space<vmem_shared>>) target_semaphore(%run_scoped3A : memref<!tpu.dma_semaphore, #tpu.memory_space<semaphore_mem>>)
          %dma_wait3A = tpu.memref_slice %arg16[%mul3A_39] : memref<100000xf32, #tpu.memory_space<vmem_shared>> -> memref<2000xf32, #tpu.memory_space<vmem_shared>>
          %dma_wait3A_57 = tpu.memref_slice %arg16[%mul3A_39] : memref<100000xf32, #tpu.memory_space<vmem_shared>> -> memref<2000xf32, #tpu.memory_space<vmem_shared>>
          tpu.wait_dma2 semaphore(%run_scoped3A : memref<!tpu.dma_semaphore, #tpu.memory_space<semaphore_mem>>) src(%arg11 : memref<2000xf32, #tpu.memory_space<vmem>>) dst(%dma_wait3A_57 : memref<2000xf32, #tpu.memory_space<vmem_shared>>)
          tpu.yield
        }) : () -> ()
        %mul3A_44 = arith.constant 2000 : i32
        %mul3A_45 = arith.muli %add3A_34, %mul3A_44 : i32
        %add3A_46 = arith.constant 100000 : i32
        %add3A_47 = arith.addi %add3A_46, %mul3A_45 : i32
        "tpu.region"() ({
          %run_scoped3A = tpu.sem_alloc : memref<!tpu.dma_semaphore, #tpu.memory_space<semaphore_mem>>
          %dma_start3A = tpu.memref_slice %arg13[%mul3A_39] : memref<100000xf32, #tpu.memory_space<vmem_shared>> -> memref<2000xf32, #tpu.memory_space<vmem_shared>>
          %dma_start3A_56 = tpu.memref_slice %arg5[%add3A_47] : memref<400000xf32, #tpu.memory_space<hbm>> -> memref<2000xf32, #tpu.memory_space<hbm>>
          tpu.enqueue_dma source(%dma_start3A_56 : memref<2000xf32, #tpu.memory_space<hbm>>) target(%dma_start3A : memref<2000xf32, #tpu.memory_space<vmem_shared>>) target_semaphore(%run_scoped3A : memref<!tpu.dma_semaphore, #tpu.memory_space<semaphore_mem>>)
          %dma_wait3A = tpu.memref_slice %arg13[%mul3A_39] : memref<100000xf32, #tpu.memory_space<vmem_shared>> -> memref<2000xf32, #tpu.memory_space<vmem_shared>>
          %dma_wait3A_57 = tpu.memref_slice %arg5[%add3A_47] : memref<400000xf32, #tpu.memory_space<hbm>> -> memref<2000xf32, #tpu.memory_space<hbm>>
          tpu.wait_dma2 semaphore(%run_scoped3A : memref<!tpu.dma_semaphore, #tpu.memory_space<semaphore_mem>>) src(%dma_wait3A_57 : memref<2000xf32, #tpu.memory_space<hbm>>) dst(%dma_wait3A : memref<2000xf32, #tpu.memory_space<vmem_shared>>)
          tpu.yield
        }) : () -> ()
        "tpu.region"() ({
          %run_scoped3A = tpu.sem_alloc : memref<!tpu.dma_semaphore, #tpu.memory_space<semaphore_mem>>
          %dma_start3A = tpu.memref_slice %arg17[%mul3A_39] : memref<100000xf32, #tpu.memory_space<vmem_shared>> -> memref<2000xf32, #tpu.memory_space<vmem_shared>>
          %dma_start3A_56 = tpu.memref_slice %arg17[%mul3A_39] : memref<100000xf32, #tpu.memory_space<vmem_shared>> -> memref<2000xf32, #tpu.memory_space<vmem_shared>>
          tpu.enqueue_dma source(%arg11 : memref<2000xf32, #tpu.memory_space<vmem>>) target(%dma_start3A_56 : memref<2000xf32, #tpu.memory_space<vmem_shared>>) target_semaphore(%run_scoped3A : memref<!tpu.dma_semaphore, #tpu.memory_space<semaphore_mem>>)
          %dma_wait3A = tpu.memref_slice %arg17[%mul3A_39] : memref<100000xf32, #tpu.memory_space<vmem_shared>> -> memref<2000xf32, #tpu.memory_space<vmem_shared>>
          %dma_wait3A_57 = tpu.memref_slice %arg17[%mul3A_39] : memref<100000xf32, #tpu.memory_space<vmem_shared>> -> memref<2000xf32, #tpu.memory_space<vmem_shared>>
          tpu.wait_dma2 semaphore(%run_scoped3A : memref<!tpu.dma_semaphore, #tpu.memory_space<semaphore_mem>>) src(%arg11 : memref<2000xf32, #tpu.memory_space<vmem>>) dst(%dma_wait3A_57 : memref<2000xf32, #tpu.memory_space<vmem_shared>>)
          tpu.yield
        }) : () -> ()
        %mul3A_48 = arith.constant 2000 : i32
        %mul3A_49 = arith.muli %add3A_34, %mul3A_48 : i32
        %add3A_50 = arith.constant 200000 : i32
        %add3A_51 = arith.addi %add3A_50, %mul3A_49 : i32
        "tpu.region"() ({
          %run_scoped3A = tpu.sem_alloc : memref<!tpu.dma_semaphore, #tpu.memory_space<semaphore_mem>>
          %dma_start3A = tpu.memref_slice %arg14[%mul3A_39] : memref<100000xf32, #tpu.memory_space<vmem_shared>> -> memref<2000xf32, #tpu.memory_space<vmem_shared>>
          %dma_start3A_56 = tpu.memref_slice %arg5[%add3A_51] : memref<400000xf32, #tpu.memory_space<hbm>> -> memref<2000xf32, #tpu.memory_space<hbm>>
          tpu.enqueue_dma source(%dma_start3A_56 : memref<2000xf32, #tpu.memory_space<hbm>>) target(%dma_start3A : memref<2000xf32, #tpu.memory_space<vmem_shared>>) target_semaphore(%run_scoped3A : memref<!tpu.dma_semaphore, #tpu.memory_space<semaphore_mem>>)
          %dma_wait3A = tpu.memref_slice %arg14[%mul3A_39] : memref<100000xf32, #tpu.memory_space<vmem_shared>> -> memref<2000xf32, #tpu.memory_space<vmem_shared>>
          %dma_wait3A_57 = tpu.memref_slice %arg5[%add3A_51] : memref<400000xf32, #tpu.memory_space<hbm>> -> memref<2000xf32, #tpu.memory_space<hbm>>
          tpu.wait_dma2 semaphore(%run_scoped3A : memref<!tpu.dma_semaphore, #tpu.memory_space<semaphore_mem>>) src(%dma_wait3A_57 : memref<2000xf32, #tpu.memory_space<hbm>>) dst(%dma_wait3A : memref<2000xf32, #tpu.memory_space<vmem_shared>>)
          tpu.yield
        }) : () -> ()
        "tpu.region"() ({
          %run_scoped3A = tpu.sem_alloc : memref<!tpu.dma_semaphore, #tpu.memory_space<semaphore_mem>>
          %dma_start3A = tpu.memref_slice %arg18[%mul3A_39] : memref<100000xf32, #tpu.memory_space<vmem_shared>> -> memref<2000xf32, #tpu.memory_space<vmem_shared>>
          %dma_start3A_56 = tpu.memref_slice %arg18[%mul3A_39] : memref<100000xf32, #tpu.memory_space<vmem_shared>> -> memref<2000xf32, #tpu.memory_space<vmem_shared>>
          tpu.enqueue_dma source(%arg11 : memref<2000xf32, #tpu.memory_space<vmem>>) target(%dma_start3A_56 : memref<2000xf32, #tpu.memory_space<vmem_shared>>) target_semaphore(%run_scoped3A : memref<!tpu.dma_semaphore, #tpu.memory_space<semaphore_mem>>)
          %dma_wait3A = tpu.memref_slice %arg18[%mul3A_39] : memref<100000xf32, #tpu.memory_space<vmem_shared>> -> memref<2000xf32, #tpu.memory_space<vmem_shared>>
          %dma_wait3A_57 = tpu.memref_slice %arg18[%mul3A_39] : memref<100000xf32, #tpu.memory_space<vmem_shared>> -> memref<2000xf32, #tpu.memory_space<vmem_shared>>
          tpu.wait_dma2 semaphore(%run_scoped3A : memref<!tpu.dma_semaphore, #tpu.memory_space<semaphore_mem>>) src(%arg11 : memref<2000xf32, #tpu.memory_space<vmem>>) dst(%dma_wait3A_57 : memref<2000xf32, #tpu.memory_space<vmem_shared>>)
          tpu.yield
        }) : () -> ()
        %mul3A_52 = arith.constant 2000 : i32
        %mul3A_53 = arith.muli %add3A_34, %mul3A_52 : i32
        %add3A_54 = arith.constant 300000 : i32
        %add3A_55 = arith.addi %add3A_54, %mul3A_53 : i32
        "tpu.region"() ({
          %run_scoped3A = tpu.sem_alloc : memref<!tpu.dma_semaphore, #tpu.memory_space<semaphore_mem>>
          %dma_start3A = tpu.memref_slice %arg15[%mul3A_39] : memref<100000xf32, #tpu.memory_space<vmem_shared>> -> memref<2000xf32, #tpu.memory_space<vmem_shared>>
          %dma_start3A_56 = tpu.memref_slice %arg5[%add3A_55] : memref<400000xf32, #tpu.memory_space<hbm>> -> memref<2000xf32, #tpu.memory_space<hbm>>
          tpu.enqueue_dma source(%dma_start3A_56 : memref<2000xf32, #tpu.memory_space<hbm>>) target(%dma_start3A : memref<2000xf32, #tpu.memory_space<vmem_shared>>) target_semaphore(%run_scoped3A : memref<!tpu.dma_semaphore, #tpu.memory_space<semaphore_mem>>)
          %dma_wait3A = tpu.memref_slice %arg15[%mul3A_39] : memref<100000xf32, #tpu.memory_space<vmem_shared>> -> memref<2000xf32, #tpu.memory_space<vmem_shared>>
          %dma_wait3A_57 = tpu.memref_slice %arg5[%add3A_55] : memref<400000xf32, #tpu.memory_space<hbm>> -> memref<2000xf32, #tpu.memory_space<hbm>>
          tpu.wait_dma2 semaphore(%run_scoped3A : memref<!tpu.dma_semaphore, #tpu.memory_space<semaphore_mem>>) src(%dma_wait3A_57 : memref<2000xf32, #tpu.memory_space<hbm>>) dst(%dma_wait3A : memref<2000xf32, #tpu.memory_space<vmem_shared>>)
          tpu.yield
        }) : () -> ()
        "tpu.region"() ({
          %run_scoped3A = tpu.sem_alloc : memref<!tpu.dma_semaphore, #tpu.memory_space<semaphore_mem>>
          %dma_start3A = tpu.memref_slice %arg19[%mul3A_39] : memref<100000xf32, #tpu.memory_space<vmem_shared>> -> memref<2000xf32, #tpu.memory_space<vmem_shared>>
          %dma_start3A_56 = tpu.memref_slice %arg19[%mul3A_39] : memref<100000xf32, #tpu.memory_space<vmem_shared>> -> memref<2000xf32, #tpu.memory_space<vmem_shared>>
          tpu.enqueue_dma source(%arg11 : memref<2000xf32, #tpu.memory_space<vmem>>) target(%dma_start3A_56 : memref<2000xf32, #tpu.memory_space<vmem_shared>>) target_semaphore(%run_scoped3A : memref<!tpu.dma_semaphore, #tpu.memory_space<semaphore_mem>>)
          %dma_wait3A = tpu.memref_slice %arg19[%mul3A_39] : memref<100000xf32, #tpu.memory_space<vmem_shared>> -> memref<2000xf32, #tpu.memory_space<vmem_shared>>
          %dma_wait3A_57 = tpu.memref_slice %arg19[%mul3A_39] : memref<100000xf32, #tpu.memory_space<vmem_shared>> -> memref<2000xf32, #tpu.memory_space<vmem_shared>>
          tpu.wait_dma2 semaphore(%run_scoped3A : memref<!tpu.dma_semaphore, #tpu.memory_space<semaphore_mem>>) src(%arg11 : memref<2000xf32, #tpu.memory_space<vmem>>) dst(%dma_wait3A_57 : memref<2000xf32, #tpu.memory_space<vmem_shared>>)
          tpu.yield
        }) : () -> ()
      } else {
      }
      %scan3A_37 = arith.constant 0 : i32
      scf.yield %scan3A_37 : i32
    }
    %scan3A_14 = arith.constant 4 : i32
    %barrier3A = arith.constant 0 : index
    tpu.barrier barrier_id(%barrier3A)
    %scan3A_15 = arith.constant 0 : i32
    %scan3A_16 = arith.constant 0 : i32
    %scan3A_17 = arith.constant 50 : i32
    %scan3A_18 = arith.addi %scan3A_16, %scan3A_17 : i32
    %scan3A_19 = arith.constant 1 : i32
    %scan3A_20 = scf.for %scan3A_30 = %scan3A_16 to %scan3A_18 step %scan3A_19 iter_args(%scan3A_31 = %scan3A_15) -> (i32)  : i32 {
      %mul3A_32 = arith.constant 32 : i32
      %mul3A_33 = arith.muli %scan3A_30, %mul3A_32 : i32
      %add3A_34 = arith.addi %add3A, %mul3A_33 : i32
      %mul3A_35 = arith.constant 4000 : i32
      %mul3A_36 = arith.muli %add3A_34, %mul3A_35 : i32
      "tpu.region"() ({
        %run_scoped3A = tpu.sem_alloc : memref<!tpu.dma_semaphore, #tpu.memory_space<semaphore_mem>>
        %dma_start3A_84 = tpu.memref_slice %arg2[%mul3A_36] : memref<6400000xi32, #tpu.memory_space<hbm>> -> memref<4000xi32, #tpu.memory_space<hbm>>
        %dma_start3A_85 = tpu.memref_slice %arg2[%mul3A_36] : memref<6400000xi32, #tpu.memory_space<hbm>> -> memref<4000xi32, #tpu.memory_space<hbm>>
        tpu.enqueue_dma source(%dma_start3A_85 : memref<4000xi32, #tpu.memory_space<hbm>>) target(%arg7 : memref<4000xi32, #tpu.memory_space<vmem>>) target_semaphore(%run_scoped3A : memref<!tpu.dma_semaphore, #tpu.memory_space<semaphore_mem>>)
        %dma_wait3A_86 = tpu.memref_slice %arg2[%mul3A_36] : memref<6400000xi32, #tpu.memory_space<hbm>> -> memref<4000xi32, #tpu.memory_space<hbm>>
        %dma_wait3A_87 = tpu.memref_slice %arg2[%mul3A_36] : memref<6400000xi32, #tpu.memory_space<hbm>> -> memref<4000xi32, #tpu.memory_space<hbm>>
        tpu.wait_dma2 semaphore(%run_scoped3A : memref<!tpu.dma_semaphore, #tpu.memory_space<semaphore_mem>>) src(%dma_wait3A_87 : memref<4000xi32, #tpu.memory_space<hbm>>) dst(%arg7 : memref<4000xi32, #tpu.memory_space<vmem>>)
        tpu.yield
      }) : () -> ()
      %mul3A_37 = arith.constant 4000 : i32
      %mul3A_38 = arith.muli %add3A_34, %mul3A_37 : i32
      "tpu.region"() ({
        %run_scoped3A = tpu.sem_alloc : memref<!tpu.dma_semaphore, #tpu.memory_space<semaphore_mem>>
        %dma_start3A_84 = tpu.memref_slice %arg3[%mul3A_38] : memref<6400000xi32, #tpu.memory_space<hbm>> -> memref<4000xi32, #tpu.memory_space<hbm>>
        %dma_start3A_85 = tpu.memref_slice %arg3[%mul3A_38] : memref<6400000xi32, #tpu.memory_space<hbm>> -> memref<4000xi32, #tpu.memory_space<hbm>>
        tpu.enqueue_dma source(%dma_start3A_85 : memref<4000xi32, #tpu.memory_space<hbm>>) target(%arg8 : memref<4000xi32, #tpu.memory_space<vmem>>) target_semaphore(%run_scoped3A : memref<!tpu.dma_semaphore, #tpu.memory_space<semaphore_mem>>)
        %dma_wait3A_86 = tpu.memref_slice %arg3[%mul3A_38] : memref<6400000xi32, #tpu.memory_space<hbm>> -> memref<4000xi32, #tpu.memory_space<hbm>>
        %dma_wait3A_87 = tpu.memref_slice %arg3[%mul3A_38] : memref<6400000xi32, #tpu.memory_space<hbm>> -> memref<4000xi32, #tpu.memory_space<hbm>>
        tpu.wait_dma2 semaphore(%run_scoped3A : memref<!tpu.dma_semaphore, #tpu.memory_space<semaphore_mem>>) src(%dma_wait3A_87 : memref<4000xi32, #tpu.memory_space<hbm>>) dst(%arg8 : memref<4000xi32, #tpu.memory_space<vmem>>)
        tpu.yield
      }) : () -> ()
      %mul3A_39 = arith.constant 4000 : i32
      %mul3A_40 = arith.muli %add3A_34, %mul3A_39 : i32
      "tpu.region"() ({
        %run_scoped3A = tpu.sem_alloc : memref<!tpu.dma_semaphore, #tpu.memory_space<semaphore_mem>>
        %dma_start3A_84 = tpu.memref_slice %arg4[%mul3A_40] : memref<6400000xf32, #tpu.memory_space<hbm>> -> memref<4000xf32, #tpu.memory_space<hbm>>
        %dma_start3A_85 = tpu.memref_slice %arg4[%mul3A_40] : memref<6400000xf32, #tpu.memory_space<hbm>> -> memref<4000xf32, #tpu.memory_space<hbm>>
        tpu.enqueue_dma source(%dma_start3A_85 : memref<4000xf32, #tpu.memory_space<hbm>>) target(%arg9 : memref<4000xf32, #tpu.memory_space<vmem>>) target_semaphore(%run_scoped3A : memref<!tpu.dma_semaphore, #tpu.memory_space<semaphore_mem>>)
        %dma_wait3A_86 = tpu.memref_slice %arg4[%mul3A_40] : memref<6400000xf32, #tpu.memory_space<hbm>> -> memref<4000xf32, #tpu.memory_space<hbm>>
        %dma_wait3A_87 = tpu.memref_slice %arg4[%mul3A_40] : memref<6400000xf32, #tpu.memory_space<hbm>> -> memref<4000xf32, #tpu.memory_space<hbm>>
        tpu.wait_dma2 semaphore(%run_scoped3A : memref<!tpu.dma_semaphore, #tpu.memory_space<semaphore_mem>>) src(%dma_wait3A_87 : memref<4000xf32, #tpu.memory_space<hbm>>) dst(%arg9 : memref<4000xf32, #tpu.memory_space<vmem>>)
        tpu.yield
      }) : () -> ()
      %dma_start3A = arith.constant 0 : i32
      %dma_start3A_41 = tpu.memref_slice %arg12[%dma_start3A] : memref<100000xf32, #tpu.memory_space<vmem_shared>> -> memref<100000xf32, #tpu.memory_space<vmem_shared>>
      tpu.enqueue_indirect_dma source(%dma_start3A_41 : memref<100000xf32, #tpu.memory_space<vmem_shared>>) target(%arg10 : memref<4000xf32, #tpu.memory_space<vmem>>) offsets(%arg7 : memref<4000xi32, #tpu.memory_space<vmem>>) semaphore(%arg20 : memref<!tpu.dma_semaphore, #tpu.memory_space<semaphore_mem>>)
      %dma_wait3A = arith.constant 0 : i32
      %dma_wait3A_42 = tpu.memref_slice %arg12[%dma_wait3A] : memref<100000xf32, #tpu.memory_space<vmem_shared>> -> memref<100000xf32, #tpu.memory_space<vmem_shared>>
      tpu.wait_indirect_dma semaphore(%arg20 : memref<!tpu.dma_semaphore, #tpu.memory_space<semaphore_mem>>) src(%dma_wait3A_42 : memref<100000xf32, #tpu.memory_space<vmem_shared>>) dst(%arg10 : memref<4000xf32, #tpu.memory_space<vmem>>)
      %scan3A_43 = arith.constant 0 : i32
      %scan3A_44 = arith.constant 0 : i32
      %scan3A_45 = arith.constant 250 : i32
      %scan3A_46 = arith.addi %scan3A_44, %scan3A_45 : i32
      %scan3A_47 = arith.constant 1 : i32
      %scan3A_48 = scf.for %scan3A_84 = %scan3A_44 to %scan3A_46 step %scan3A_47 iter_args(%scan3A_85 = %scan3A_43) -> (i32)  : i32 {
        %mul3A_86 = arith.constant 16 : i32
        %mul3A_87 = arith.muli %scan3A_84, %mul3A_86 : i32
        %get3A = arith.index_cast %mul3A_87 : i32 to index
        %get3A_88 = tpu.vector_load %arg10[%get3A] {strides = array<i32>} : memref<4000xf32, #tpu.memory_space<vmem>>, vector<16xf32>,
        %get3A_89 = arith.index_cast %mul3A_87 : i32 to index
        %get3A_90 = tpu.vector_load %arg9[%get3A_89] {strides = array<i32>} : memref<4000xf32, #tpu.memory_space<vmem>>, vector<16xf32>,
        %mul3A_91 = arith.mulf %get3A_88, %get3A_90 : vector<16xf32>
        %swap3A = arith.index_cast %mul3A_87 : i32 to index
        %swap3A_92 = tpu.vector_load %arg10[%swap3A] {strides = array<i32>} : memref<4000xf32, #tpu.memory_space<vmem>>, vector<16xf32>,
        tpu.vector_store %arg10[%swap3A], %mul3A_91 {strides = array<i32>} : memref<4000xf32, #tpu.memory_space<vmem>>, vector<16xf32>,
        %scan3A_93 = arith.constant 0 : i32
        scf.yield %scan3A_93 : i32
      }
      %scan3A_49 = arith.constant 250 : i32
      "tpu.region"() ({
        %run_scoped3A = tpu.sem_alloc : memref<!tpu.dma_semaphore, #tpu.memory_space<semaphore_mem>>
        %dma_start3A_84 = arith.constant 0 : i32
        %dma_start3A_85 = tpu.memref_slice %arg16[%dma_start3A_84] : memref<100000xf32, #tpu.memory_space<vmem_shared>> -> memref<100000xf32, #tpu.memory_space<vmem_shared>>
        tpu.enqueue_indirect_dma source(%arg10 : memref<4000xf32, #tpu.memory_space<vmem>>) target(%dma_start3A_85 : memref<100000xf32, #tpu.memory_space<vmem_shared>>) offsets(%arg8 : memref<4000xi32, #tpu.memory_space<vmem>>) semaphore(%run_scoped3A : memref<!tpu.dma_semaphore, #tpu.memory_space<semaphore_mem>>) {add = true}
        %dma_wait3A_86 = arith.constant 0 : i32
        %dma_wait3A_87 = tpu.memref_slice %arg16[%dma_wait3A_86] : memref<100000xf32, #tpu.memory_space<vmem_shared>> -> memref<100000xf32, #tpu.memory_space<vmem_shared>>
        tpu.wait_indirect_dma semaphore(%run_scoped3A : memref<!tpu.dma_semaphore, #tpu.memory_space<semaphore_mem>>) src(%arg10 : memref<4000xf32, #tpu.memory_space<vmem>>) dst(%dma_wait3A_87 : memref<100000xf32, #tpu.memory_space<vmem_shared>>)
        tpu.yield
      }) : () -> ()
      %dma_start3A_50 = arith.constant 0 : i32
      %dma_start3A_51 = tpu.memref_slice %arg13[%dma_start3A_50] : memref<100000xf32, #tpu.memory_space<vmem_shared>> -> memref<100000xf32, #tpu.memory_space<vmem_shared>>
      tpu.enqueue_indirect_dma source(%dma_start3A_51 : memref<100000xf32, #tpu.memory_space<vmem_shared>>) target(%arg10 : memref<4000xf32, #tpu.memory_space<vmem>>) offsets(%arg7 : memref<4000xi32, #tpu.memory_space<vmem>>) semaphore(%arg20 : memref<!tpu.dma_semaphore, #tpu.memory_space<semaphore_mem>>)
      %dma_wait3A_52 = arith.constant 0 : i32
      %dma_wait3A_53 = tpu.memref_slice %arg13[%dma_wait3A_52] : memref<100000xf32, #tpu.memory_space<vmem_shared>> -> memref<100000xf32, #tpu.memory_space<vmem_shared>>
      tpu.wait_indirect_dma semaphore(%arg20 : memref<!tpu.dma_semaphore, #tpu.memory_space<semaphore_mem>>) src(%dma_wait3A_53 : memref<100000xf32, #tpu.memory_space<vmem_shared>>) dst(%arg10 : memref<4000xf32, #tpu.memory_space<vmem>>)
      %scan3A_54 = arith.constant 0 : i32
      %scan3A_55 = arith.constant 0 : i32
      %scan3A_56 = arith.constant 250 : i32
      %scan3A_57 = arith.addi %scan3A_55, %scan3A_56 : i32
      %scan3A_58 = arith.constant 1 : i32
      %scan3A_59 = scf.for %scan3A_84 = %scan3A_55 to %scan3A_57 step %scan3A_58 iter_args(%scan3A_85 = %scan3A_54) -> (i32)  : i32 {
        %mul3A_86 = arith.constant 16 : i32
        %mul3A_87 = arith.muli %scan3A_84, %mul3A_86 : i32
        %get3A = arith.index_cast %mul3A_87 : i32 to index
        %get3A_88 = tpu.vector_load %arg10[%get3A] {strides = array<i32>} : memref<4000xf32, #tpu.memory_space<vmem>>, vector<16xf32>,
        %get3A_89 = arith.index_cast %mul3A_87 : i32 to index
        %get3A_90 = tpu.vector_load %arg9[%get3A_89] {strides = array<i32>} : memref<4000xf32, #tpu.memory_space<vmem>>, vector<16xf32>,
        %mul3A_91 = arith.mulf %get3A_88, %get3A_90 : vector<16xf32>
        %swap3A = arith.index_cast %mul3A_87 : i32 to index
        %swap3A_92 = tpu.vector_load %arg10[%swap3A] {strides = array<i32>} : memref<4000xf32, #tpu.memory_space<vmem>>, vector<16xf32>,
        tpu.vector_store %arg10[%swap3A], %mul3A_91 {strides = array<i32>} : memref<4000xf32, #tpu.memory_space<vmem>>, vector<16xf32>,
        %scan3A_93 = arith.constant 0 : i32
        scf.yield %scan3A_93 : i32
      }
      %scan3A_60 = arith.constant 250 : i32
      "tpu.region"() ({
        %run_scoped3A = tpu.sem_alloc : memref<!tpu.dma_semaphore, #tpu.memory_space<semaphore_mem>>
        %dma_start3A_84 = arith.constant 0 : i32
        %dma_start3A_85 = tpu.memref_slice %arg17[%dma_start3A_84] : memref<100000xf32, #tpu.memory_space<vmem_shared>> -> memref<100000xf32, #tpu.memory_space<vmem_shared>>
        tpu.enqueue_indirect_dma source(%arg10 : memref<4000xf32, #tpu.memory_space<vmem>>) target(%dma_start3A_85 : memref<100000xf32, #tpu.memory_space<vmem_shared>>) offsets(%arg8 : memref<4000xi32, #tpu.memory_space<vmem>>) semaphore(%run_scoped3A : memref<!tpu.dma_semaphore, #tpu.memory_space<semaphore_mem>>) {add = true}
        %dma_wait3A_86 = arith.constant 0 : i32
        %dma_wait3A_87 = tpu.memref_slice %arg17[%dma_wait3A_86] : memref<100000xf32, #tpu.memory_space<vmem_shared>> -> memref<100000xf32, #tpu.memory_space<vmem_shared>>
        tpu.wait_indirect_dma semaphore(%run_scoped3A : memref<!tpu.dma_semaphore, #tpu.memory_space<semaphore_mem>>) src(%arg10 : memref<4000xf32, #tpu.memory_space<vmem>>) dst(%dma_wait3A_87 : memref<100000xf32, #tpu.memory_space<vmem_shared>>)
        tpu.yield
      }) : () -> ()
      %dma_start3A_61 = arith.constant 0 : i32
      %dma_start3A_62 = tpu.memref_slice %arg14[%dma_start3A_61] : memref<100000xf32, #tpu.memory_space<vmem_shared>> -> memref<100000xf32, #tpu.memory_space<vmem_shared>>
      tpu.enqueue_indirect_dma source(%dma_start3A_62 : memref<100000xf32, #tpu.memory_space<vmem_shared>>) target(%arg10 : memref<4000xf32, #tpu.memory_space<vmem>>) offsets(%arg7 : memref<4000xi32, #tpu.memory_space<vmem>>) semaphore(%arg20 : memref<!tpu.dma_semaphore, #tpu.memory_space<semaphore_mem>>)
      %dma_wait3A_63 = arith.constant 0 : i32
      %dma_wait3A_64 = tpu.memref_slice %arg14[%dma_wait3A_63] : memref<100000xf32, #tpu.memory_space<vmem_shared>> -> memref<100000xf32, #tpu.memory_space<vmem_shared>>
      tpu.wait_indirect_dma semaphore(%arg20 : memref<!tpu.dma_semaphore, #tpu.memory_space<semaphore_mem>>) src(%dma_wait3A_64 : memref<100000xf32, #tpu.memory_space<vmem_shared>>) dst(%arg10 : memref<4000xf32, #tpu.memory_space<vmem>>)
      %scan3A_65 = arith.constant 0 : i32
      %scan3A_66 = arith.constant 0 : i32
      %scan3A_67 = arith.constant 250 : i32
      %scan3A_68 = arith.addi %scan3A_66, %scan3A_67 : i32
      %scan3A_69 = arith.constant 1 : i32
      %scan3A_70 = scf.for %scan3A_84 = %scan3A_66 to %scan3A_68 step %scan3A_69 iter_args(%scan3A_85 = %scan3A_65) -> (i32)  : i32 {
        %mul3A_86 = arith.constant 16 : i32
        %mul3A_87 = arith.muli %scan3A_84, %mul3A_86 : i32
        %get3A = arith.index_cast %mul3A_87 : i32 to index
        %get3A_88 = tpu.vector_load %arg10[%get3A] {strides = array<i32>} : memref<4000xf32, #tpu.memory_space<vmem>>, vector<16xf32>,
        %get3A_89 = arith.index_cast %mul3A_87 : i32 to index
        %get3A_90 = tpu.vector_load %arg9[%get3A_89] {strides = array<i32>} : memref<4000xf32, #tpu.memory_space<vmem>>, vector<16xf32>,
        %mul3A_91 = arith.mulf %get3A_88, %get3A_90 : vector<16xf32>
        %swap3A = arith.index_cast %mul3A_87 : i32 to index
        %swap3A_92 = tpu.vector_load %arg10[%swap3A] {strides = array<i32>} : memref<4000xf32, #tpu.memory_space<vmem>>, vector<16xf32>,
        tpu.vector_store %arg10[%swap3A], %mul3A_91 {strides = array<i32>} : memref<4000xf32, #tpu.memory_space<vmem>>, vector<16xf32>,
        %scan3A_93 = arith.constant 0 : i32
        scf.yield %scan3A_93 : i32
      }
      %scan3A_71 = arith.constant 250 : i32
      "tpu.region"() ({
        %run_scoped3A = tpu.sem_alloc : memref<!tpu.dma_semaphore, #tpu.memory_space<semaphore_mem>>
        %dma_start3A_84 = arith.constant 0 : i32
        %dma_start3A_85 = tpu.memref_slice %arg18[%dma_start3A_84] : memref<100000xf32, #tpu.memory_space<vmem_shared>> -> memref<100000xf32, #tpu.memory_space<vmem_shared>>
        tpu.enqueue_indirect_dma source(%arg10 : memref<4000xf32, #tpu.memory_space<vmem>>) target(%dma_start3A_85 : memref<100000xf32, #tpu.memory_space<vmem_shared>>) offsets(%arg8 : memref<4000xi32, #tpu.memory_space<vmem>>) semaphore(%run_scoped3A : memref<!tpu.dma_semaphore, #tpu.memory_space<semaphore_mem>>) {add = true}
        %dma_wait3A_86 = arith.constant 0 : i32
        %dma_wait3A_87 = tpu.memref_slice %arg18[%dma_wait3A_86] : memref<100000xf32, #tpu.memory_space<vmem_shared>> -> memref<100000xf32, #tpu.memory_space<vmem_shared>>
        tpu.wait_indirect_dma semaphore(%run_scoped3A : memref<!tpu.dma_semaphore, #tpu.memory_space<semaphore_mem>>) src(%arg10 : memref<4000xf32, #tpu.memory_space<vmem>>) dst(%dma_wait3A_87 : memref<100000xf32, #tpu.memory_space<vmem_shared>>)
        tpu.yield
      }) : () -> ()
      %dma_start3A_72 = arith.constant 0 : i32
      %dma_start3A_73 = tpu.memref_slice %arg15[%dma_start3A_72] : memref<100000xf32, #tpu.memory_space<vmem_shared>> -> memref<100000xf32, #tpu.memory_space<vmem_shared>>
      tpu.enqueue_indirect_dma source(%dma_start3A_73 : memref<100000xf32, #tpu.memory_space<vmem_shared>>) target(%arg10 : memref<4000xf32, #tpu.memory_space<vmem>>) offsets(%arg7 : memref<4000xi32, #tpu.memory_space<vmem>>) semaphore(%arg20 : memref<!tpu.dma_semaphore, #tpu.memory_space<semaphore_mem>>)
      %dma_wait3A_74 = arith.constant 0 : i32
      %dma_wait3A_75 = tpu.memref_slice %arg15[%dma_wait3A_74] : memref<100000xf32, #tpu.memory_space<vmem_shared>> -> memref<100000xf32, #tpu.memory_space<vmem_shared>>
      tpu.wait_indirect_dma semaphore(%arg20 : memref<!tpu.dma_semaphore, #tpu.memory_space<semaphore_mem>>) src(%dma_wait3A_75 : memref<100000xf32, #tpu.memory_space<vmem_shared>>) dst(%arg10 : memref<4000xf32, #tpu.memory_space<vmem>>)
      %scan3A_76 = arith.constant 0 : i32
      %scan3A_77 = arith.constant 0 : i32
      %scan3A_78 = arith.constant 250 : i32
      %scan3A_79 = arith.addi %scan3A_77, %scan3A_78 : i32
      %scan3A_80 = arith.constant 1 : i32
      %scan3A_81 = scf.for %scan3A_84 = %scan3A_77 to %scan3A_79 step %scan3A_80 iter_args(%scan3A_85 = %scan3A_76) -> (i32)  : i32 {
        %mul3A_86 = arith.constant 16 : i32
        %mul3A_87 = arith.muli %scan3A_84, %mul3A_86 : i32
        %get3A = arith.index_cast %mul3A_87 : i32 to index
        %get3A_88 = tpu.vector_load %arg10[%get3A] {strides = array<i32>} : memref<4000xf32, #tpu.memory_space<vmem>>, vector<16xf32>,
        %get3A_89 = arith.index_cast %mul3A_87 : i32 to index
        %get3A_90 = tpu.vector_load %arg9[%get3A_89] {strides = array<i32>} : memref<4000xf32, #tpu.memory_space<vmem>>, vector<16xf32>,
        %mul3A_91 = arith.mulf %get3A_88, %get3A_90 : vector<16xf32>
        %swap3A = arith.index_cast %mul3A_87 : i32 to index
        %swap3A_92 = tpu.vector_load %arg10[%swap3A] {strides = array<i32>} : memref<4000xf32, #tpu.memory_space<vmem>>, vector<16xf32>,
        tpu.vector_store %arg10[%swap3A], %mul3A_91 {strides = array<i32>} : memref<4000xf32, #tpu.memory_space<vmem>>, vector<16xf32>,
        %scan3A_93 = arith.constant 0 : i32
        scf.yield %scan3A_93 : i32
      }
      %scan3A_82 = arith.constant 250 : i32
      "tpu.region"() ({
        %run_scoped3A = tpu.sem_alloc : memref<!tpu.dma_semaphore, #tpu.memory_space<semaphore_mem>>
        %dma_start3A_84 = arith.constant 0 : i32
        %dma_start3A_85 = tpu.memref_slice %arg19[%dma_start3A_84] : memref<100000xf32, #tpu.memory_space<vmem_shared>> -> memref<100000xf32, #tpu.memory_space<vmem_shared>>
        tpu.enqueue_indirect_dma source(%arg10 : memref<4000xf32, #tpu.memory_space<vmem>>) target(%dma_start3A_85 : memref<100000xf32, #tpu.memory_space<vmem_shared>>) offsets(%arg8 : memref<4000xi32, #tpu.memory_space<vmem>>) semaphore(%run_scoped3A : memref<!tpu.dma_semaphore, #tpu.memory_space<semaphore_mem>>) {add = true}
        %dma_wait3A_86 = arith.constant 0 : i32
        %dma_wait3A_87 = tpu.memref_slice %arg19[%dma_wait3A_86] : memref<100000xf32, #tpu.memory_space<vmem_shared>> -> memref<100000xf32, #tpu.memory_space<vmem_shared>>
        tpu.wait_indirect_dma semaphore(%run_scoped3A : memref<!tpu.dma_semaphore, #tpu.memory_space<semaphore_mem>>) src(%arg10 : memref<4000xf32, #tpu.memory_space<vmem>>) dst(%dma_wait3A_87 : memref<100000xf32, #tpu.memory_space<vmem_shared>>)
        tpu.yield
      }) : () -> ()
      %scan3A_83 = arith.constant 0 : i32
      scf.yield %scan3A_83 : i32
    }
    %scan3A_21 = arith.constant 50 : i32
    %barrier3A_22 = arith.constant 0 : index
    tpu.barrier barrier_id(%barrier3A_22)
    %scan3A_23 = arith.constant 0 : i32
    %scan3A_24 = arith.constant 0 : i32
    %scan3A_25 = arith.constant 4 : i32
    %scan3A_26 = arith.addi %scan3A_24, %scan3A_25 : i32
    %scan3A_27 = arith.constant 1 : i32
    %scan3A_28 = scf.for %scan3A_30 = %scan3A_24 to %scan3A_26 step %scan3A_27 iter_args(%scan3A_31 = %scan3A_23) -> (i32)  : i32 {
      %mul3A_32 = arith.constant 16 : i32
      %mul3A_33 = arith.muli %scan3A_30, %mul3A_32 : i32
      %add3A_34 = arith.addi %arg1, %mul3A_33 : i32
      %lt3A = arith.constant 50 : i32
      %lt3A_35 = arith.cmpi slt, %add3A_34, %lt3A : i32
      %convert_element_type3A = arith.extui %lt3A_35 : i1 to i32
      %cond3A = arith.constant 0 : i32
      %cond3A_36 = arith.cmpi ne, %convert_element_type3A, %cond3A : i32
      scf.if %cond3A_36 {
        %mul3A_38 = arith.constant 2000 : i32
        %mul3A_39 = arith.muli %add3A_34, %mul3A_38 : i32
        %mul3A_40 = arith.constant 4 : i32
        %mul3A_41 = arith.muli %arg0, %mul3A_40 : i32
        %mul3A_42 = arith.constant 100000 : i32
        %mul3A_43 = arith.muli %mul3A_41, %mul3A_42 : i32
        %add3A_44 = arith.constant 0 : i32
        %add3A_45 = arith.addi %mul3A_43, %add3A_44 : i32
        %mul3A_46 = arith.constant 2000 : i32
        %mul3A_47 = arith.muli %add3A_34, %mul3A_46 : i32
        %add3A_48 = arith.addi %add3A_45, %mul3A_47 : i32
        "tpu.region"() ({
          %run_scoped3A = tpu.sem_alloc : memref<!tpu.dma_semaphore, #tpu.memory_space<semaphore_mem>>
          %dma_start3A = tpu.memref_slice %arg6[%add3A_48] : memref<800000xf32, #tpu.memory_space<hbm>> -> memref<2000xf32, #tpu.memory_space<hbm>>
          %dma_start3A_82 = tpu.memref_slice %arg16[%mul3A_39] : memref<100000xf32, #tpu.memory_space<vmem_shared>> -> memref<2000xf32, #tpu.memory_space<vmem_shared>>
          tpu.enqueue_dma source(%dma_start3A_82 : memref<2000xf32, #tpu.memory_space<vmem_shared>>) target(%dma_start3A : memref<2000xf32, #tpu.memory_space<hbm>>) target_semaphore(%run_scoped3A : memref<!tpu.dma_semaphore, #tpu.memory_space<semaphore_mem>>)
          %dma_wait3A = tpu.memref_slice %arg6[%add3A_48] : memref<800000xf32, #tpu.memory_space<hbm>> -> memref<2000xf32, #tpu.memory_space<hbm>>
          %dma_wait3A_83 = tpu.memref_slice %arg16[%mul3A_39] : memref<100000xf32, #tpu.memory_space<vmem_shared>> -> memref<2000xf32, #tpu.memory_space<vmem_shared>>
          tpu.wait_dma2 semaphore(%run_scoped3A : memref<!tpu.dma_semaphore, #tpu.memory_space<semaphore_mem>>) src(%dma_wait3A_83 : memref<2000xf32, #tpu.memory_space<vmem_shared>>) dst(%dma_wait3A : memref<2000xf32, #tpu.memory_space<hbm>>)
          tpu.yield
        }) : () -> ()
        %mul3A_49 = arith.constant 2000 : i32
        %mul3A_50 = arith.muli %add3A_34, %mul3A_49 : i32
        %mul3A_51 = arith.constant 4 : i32
        %mul3A_52 = arith.muli %arg0, %mul3A_51 : i32
        %mul3A_53 = arith.constant 100000 : i32
        %mul3A_54 = arith.muli %mul3A_52, %mul3A_53 : i32
        %add3A_55 = arith.constant 100000 : i32
        %add3A_56 = arith.addi %mul3A_54, %add3A_55 : i32
        %mul3A_57 = arith.constant 2000 : i32
        %mul3A_58 = arith.muli %add3A_34, %mul3A_57 : i32
        %add3A_59 = arith.addi %add3A_56, %mul3A_58 : i32
        "tpu.region"() ({
          %run_scoped3A = tpu.sem_alloc : memref<!tpu.dma_semaphore, #tpu.memory_space<semaphore_mem>>
          %dma_start3A = tpu.memref_slice %arg6[%add3A_59] : memref<800000xf32, #tpu.memory_space<hbm>> -> memref<2000xf32, #tpu.memory_space<hbm>>
          %dma_start3A_82 = tpu.memref_slice %arg17[%mul3A_50] : memref<100000xf32, #tpu.memory_space<vmem_shared>> -> memref<2000xf32, #tpu.memory_space<vmem_shared>>
          tpu.enqueue_dma source(%dma_start3A_82 : memref<2000xf32, #tpu.memory_space<vmem_shared>>) target(%dma_start3A : memref<2000xf32, #tpu.memory_space<hbm>>) target_semaphore(%run_scoped3A : memref<!tpu.dma_semaphore, #tpu.memory_space<semaphore_mem>>)
          %dma_wait3A = tpu.memref_slice %arg6[%add3A_59] : memref<800000xf32, #tpu.memory_space<hbm>> -> memref<2000xf32, #tpu.memory_space<hbm>>
          %dma_wait3A_83 = tpu.memref_slice %arg17[%mul3A_50] : memref<100000xf32, #tpu.memory_space<vmem_shared>> -> memref<2000xf32, #tpu.memory_space<vmem_shared>>
          tpu.wait_dma2 semaphore(%run_scoped3A : memref<!tpu.dma_semaphore, #tpu.memory_space<semaphore_mem>>) src(%dma_wait3A_83 : memref<2000xf32, #tpu.memory_space<vmem_shared>>) dst(%dma_wait3A : memref<2000xf32, #tpu.memory_space<hbm>>)
          tpu.yield
        }) : () -> ()
        %mul3A_60 = arith.constant 2000 : i32
        %mul3A_61 = arith.muli %add3A_34, %mul3A_60 : i32
        %mul3A_62 = arith.constant 4 : i32
        %mul3A_63 = arith.muli %arg0, %mul3A_62 : i32
        %mul3A_64 = arith.constant 100000 : i32
        %mul3A_65 = arith.muli %mul3A_63, %mul3A_64 : i32
        %add3A_66 = arith.constant 200000 : i32
        %add3A_67 = arith.addi %mul3A_65, %add3A_66 : i32
        %mul3A_68 = arith.constant 2000 : i32
        %mul3A_69 = arith.muli %add3A_34, %mul3A_68 : i32
        %add3A_70 = arith.addi %add3A_67, %mul3A_69 : i32
        "tpu.region"() ({
          %run_scoped3A = tpu.sem_alloc : memref<!tpu.dma_semaphore, #tpu.memory_space<semaphore_mem>>
          %dma_start3A = tpu.memref_slice %arg6[%add3A_70] : memref<800000xf32, #tpu.memory_space<hbm>> -> memref<2000xf32, #tpu.memory_space<hbm>>
          %dma_start3A_82 = tpu.memref_slice %arg18[%mul3A_61] : memref<100000xf32, #tpu.memory_space<vmem_shared>> -> memref<2000xf32, #tpu.memory_space<vmem_shared>>
          tpu.enqueue_dma source(%dma_start3A_82 : memref<2000xf32, #tpu.memory_space<vmem_shared>>) target(%dma_start3A : memref<2000xf32, #tpu.memory_space<hbm>>) target_semaphore(%run_scoped3A : memref<!tpu.dma_semaphore, #tpu.memory_space<semaphore_mem>>)
          %dma_wait3A = tpu.memref_slice %arg6[%add3A_70] : memref<800000xf32, #tpu.memory_space<hbm>> -> memref<2000xf32, #tpu.memory_space<hbm>>
          %dma_wait3A_83 = tpu.memref_slice %arg18[%mul3A_61] : memref<100000xf32, #tpu.memory_space<vmem_shared>> -> memref<2000xf32, #tpu.memory_space<vmem_shared>>
          tpu.wait_dma2 semaphore(%run_scoped3A : memref<!tpu.dma_semaphore, #tpu.memory_space<semaphore_mem>>) src(%dma_wait3A_83 : memref<2000xf32, #tpu.memory_space<vmem_shared>>) dst(%dma_wait3A : memref<2000xf32, #tpu.memory_space<hbm>>)
          tpu.yield
        }) : () -> ()
        %mul3A_71 = arith.constant 2000 : i32
        %mul3A_72 = arith.muli %add3A_34, %mul3A_71 : i32
        %mul3A_73 = arith.constant 4 : i32
        %mul3A_74 = arith.muli %arg0, %mul3A_73 : i32
        %mul3A_75 = arith.constant 100000 : i32
        %mul3A_76 = arith.muli %mul3A_74, %mul3A_75 : i32
        %add3A_77 = arith.constant 300000 : i32
        %add3A_78 = arith.addi %mul3A_76, %add3A_77 : i32
        %mul3A_79 = arith.constant 2000 : i32
        %mul3A_80 = arith.muli %add3A_34, %mul3A_79 : i32
        %add3A_81 = arith.addi %add3A_78, %mul3A_80 : i32
        "tpu.region"() ({
          %run_scoped3A = tpu.sem_alloc : memref<!tpu.dma_semaphore, #tpu.memory_space<semaphore_mem>>
          %dma_start3A = tpu.memref_slice %arg6[%add3A_81] : memref<800000xf32, #tpu.memory_space<hbm>> -> memref<2000xf32, #tpu.memory_space<hbm>>
          %dma_start3A_82 = tpu.memref_slice %arg19[%mul3A_72] : memref<100000xf32, #tpu.memory_space<vmem_shared>> -> memref<2000xf32, #tpu.memory_space<vmem_shared>>
          tpu.enqueue_dma source(%dma_start3A_82 : memref<2000xf32, #tpu.memory_space<vmem_shared>>) target(%dma_start3A : memref<2000xf32, #tpu.memory_space<hbm>>) target_semaphore(%run_scoped3A : memref<!tpu.dma_semaphore, #tpu.memory_space<semaphore_mem>>)
          %dma_wait3A = tpu.memref_slice %arg6[%add3A_81] : memref<800000xf32, #tpu.memory_space<hbm>> -> memref<2000xf32, #tpu.memory_space<hbm>>
          %dma_wait3A_83 = tpu.memref_slice %arg19[%mul3A_72] : memref<100000xf32, #tpu.memory_space<vmem_shared>> -> memref<2000xf32, #tpu.memory_space<vmem_shared>>
          tpu.wait_dma2 semaphore(%run_scoped3A : memref<!tpu.dma_semaphore, #tpu.memory_space<semaphore_mem>>) src(%dma_wait3A_83 : memref<2000xf32, #tpu.memory_space<vmem_shared>>) dst(%dma_wait3A : memref<2000xf32, #tpu.memory_space<hbm>>)
          tpu.yield
        }) : () -> ()
      } else {
      }
      %scan3A_37 = arith.constant 0 : i32
      scf.yield %scan3A_37 : i32
    }
    %scan3A_29 = arith.constant 4 : i32
    return
  }
}

#map = affine_map<(d0, d1) -> (0)>
#map1 = affine_map<(d0, d1) -> (0, 0)>
module attributes {stable_mosaic.version = 14 : i64} {
  func.func @_deg_body(%arg0: i32, %arg1: i32, %arg2: memref<25600000xf32, #tpu.memory_space<hbm>>, %arg3: memref<6400000xi32, #tpu.memory_space<hbm>>, %arg4: memref<2x100000xf32, #tpu.memory_space<hbm>>, %arg5: memref<6400000xf32, #tpu.memory_space<hbm>>, %arg6: memref<16000xf32, #tpu.memory_space<vmem>>, %arg7: memref<4000xi32, #tpu.memory_space<vmem>>, %arg8: memref<4000xf32, #tpu.memory_space<vmem>>, %arg9: memref<2000xf32, #tpu.memory_space<vmem>>, %arg10: memref<100000xf32, #tpu.memory_space<vmem_shared>>, %arg11: memref<!tpu.dma_semaphore, #tpu.memory_space<semaphore_mem>>) attributes {dimension_semantics = [#tpu.dimension_semantics<core_parallel>, #tpu.dimension_semantics<subcore_parallel>], iteration_bounds = array<i64: 2, 16>, scalar_prefetch = 0 : i64, scratch_operands = 6 : i64, tpu.core_type = #tpu.core_type<sc_vector_subcore>, window_params = [{transform_indices = #map}, {transform_indices = #map}, {transform_indices = #map1}, {transform_indices = #map}]} {
    %mul3A = arith.constant 2 : i32
    %mul3A_0 = arith.muli %arg1, %mul3A : i32
    %add3A = arith.addi %mul3A_0, %arg0 : i32
    %broadcast_in_dim3A = arith.constant 0.000000e+00 : f32
    %broadcast_in_dim3A_1 = vector.broadcast %broadcast_in_dim3A : f32 to vector<16xf32>
    %scan3A = arith.constant 0 : i32
    %scan3A_2 = arith.constant 0 : i32
    %scan3A_3 = arith.constant 125 : i32
    %scan3A_4 = arith.addi %scan3A_2, %scan3A_3 : i32
    %scan3A_5 = arith.constant 1 : i32
    %scan3A_6 = scf.for %scan3A_28 = %scan3A_2 to %scan3A_4 step %scan3A_5 iter_args(%scan3A_29 = %scan3A) -> (i32)  : i32 {
      %mul3A_30 = arith.constant 16 : i32
      %mul3A_31 = arith.muli %scan3A_28, %mul3A_30 : i32
      %swap3A = arith.index_cast %mul3A_31 : i32 to index
      %swap3A_32 = tpu.vector_load %arg9[%swap3A] {strides = array<i32>} : memref<2000xf32, #tpu.memory_space<vmem>>, vector<16xf32>,
      tpu.vector_store %arg9[%swap3A], %broadcast_in_dim3A_1 {strides = array<i32>} : memref<2000xf32, #tpu.memory_space<vmem>>, vector<16xf32>,
      %scan3A_33 = arith.constant 0 : i32
      scf.yield %scan3A_33 : i32
    }
    %scan3A_7 = arith.constant 125 : i32
    %scan3A_8 = arith.constant 0 : i32
    %scan3A_9 = arith.constant 0 : i32
    %scan3A_10 = arith.constant 4 : i32
    %scan3A_11 = arith.addi %scan3A_9, %scan3A_10 : i32
    %scan3A_12 = arith.constant 1 : i32
    %scan3A_13 = scf.for %scan3A_28 = %scan3A_9 to %scan3A_11 step %scan3A_12 iter_args(%scan3A_29 = %scan3A_8) -> (i32)  : i32 {
      %mul3A_30 = arith.constant 16 : i32
      %mul3A_31 = arith.muli %scan3A_28, %mul3A_30 : i32
      %add3A_32 = arith.addi %arg1, %mul3A_31 : i32
      %lt3A = arith.constant 50 : i32
      %lt3A_33 = arith.cmpi slt, %add3A_32, %lt3A : i32
      %convert_element_type3A_34 = arith.extui %lt3A_33 : i1 to i32
      %cond3A_35 = arith.constant 0 : i32
      %cond3A_36 = arith.cmpi ne, %convert_element_type3A_34, %cond3A_35 : i32
      scf.if %cond3A_36 {
        %mul3A_38 = arith.constant 2000 : i32
        %mul3A_39 = arith.muli %add3A_32, %mul3A_38 : i32
        "tpu.region"() ({
          %run_scoped3A = tpu.sem_alloc : memref<!tpu.dma_semaphore, #tpu.memory_space<semaphore_mem>>
          %dma_start3A = tpu.memref_slice %arg10[%mul3A_39] : memref<100000xf32, #tpu.memory_space<vmem_shared>> -> memref<2000xf32, #tpu.memory_space<vmem_shared>>
          %dma_start3A_40 = tpu.memref_slice %arg10[%mul3A_39] : memref<100000xf32, #tpu.memory_space<vmem_shared>> -> memref<2000xf32, #tpu.memory_space<vmem_shared>>
          tpu.enqueue_dma source(%arg9 : memref<2000xf32, #tpu.memory_space<vmem>>) target(%dma_start3A_40 : memref<2000xf32, #tpu.memory_space<vmem_shared>>) target_semaphore(%run_scoped3A : memref<!tpu.dma_semaphore, #tpu.memory_space<semaphore_mem>>)
          %dma_wait3A = tpu.memref_slice %arg10[%mul3A_39] : memref<100000xf32, #tpu.memory_space<vmem_shared>> -> memref<2000xf32, #tpu.memory_space<vmem_shared>>
          %dma_wait3A_41 = tpu.memref_slice %arg10[%mul3A_39] : memref<100000xf32, #tpu.memory_space<vmem_shared>> -> memref<2000xf32, #tpu.memory_space<vmem_shared>>
          tpu.wait_dma2 semaphore(%run_scoped3A : memref<!tpu.dma_semaphore, #tpu.memory_space<semaphore_mem>>) src(%arg9 : memref<2000xf32, #tpu.memory_space<vmem>>) dst(%dma_wait3A_41 : memref<2000xf32, #tpu.memory_space<vmem_shared>>)
          tpu.yield
        }) : () -> ()
      } else {
      }
      %scan3A_37 = arith.constant 0 : i32
      scf.yield %scan3A_37 : i32
    }
    %scan3A_14 = arith.constant 4 : i32
    %barrier3A = arith.constant 0 : index
    tpu.barrier barrier_id(%barrier3A)
    %iota3A = tpu.iota {dimensions = array<i32: 0>} : vector<16xi32>
    %mul3A_15 = arith.constant 4 : i32
    %mul3A_16 = vector.broadcast %mul3A_15 : i32 to vector<16xi32>
    %mul3A_17 = arith.muli %iota3A, %mul3A_16 : vector<16xi32>
    %scan3A_18 = arith.constant 0 : i32
    %scan3A_19 = arith.constant 0 : i32
    %scan3A_20 = arith.constant 50 : i32
    %scan3A_21 = arith.addi %scan3A_19, %scan3A_20 : i32
    %scan3A_22 = arith.constant 1 : i32
    %scan3A_23 = scf.for %scan3A_28 = %scan3A_19 to %scan3A_21 step %scan3A_22 iter_args(%scan3A_29 = %scan3A_18) -> (i32)  : i32 {
      %mul3A_30 = arith.constant 32 : i32
      %mul3A_31 = arith.muli %scan3A_28, %mul3A_30 : i32
      %add3A_32 = arith.addi %add3A, %mul3A_31 : i32
      %mul3A_33 = arith.constant 4000 : i32
      %mul3A_34 = arith.muli %add3A_32, %mul3A_33 : i32
      "tpu.region"() ({
        %run_scoped3A = tpu.sem_alloc : memref<!tpu.dma_semaphore, #tpu.memory_space<semaphore_mem>>
        %dma_start3A = tpu.memref_slice %arg3[%mul3A_34] : memref<6400000xi32, #tpu.memory_space<hbm>> -> memref<4000xi32, #tpu.memory_space<hbm>>
        %dma_start3A_49 = tpu.memref_slice %arg3[%mul3A_34] : memref<6400000xi32, #tpu.memory_space<hbm>> -> memref<4000xi32, #tpu.memory_space<hbm>>
        tpu.enqueue_dma source(%dma_start3A_49 : memref<4000xi32, #tpu.memory_space<hbm>>) target(%arg7 : memref<4000xi32, #tpu.memory_space<vmem>>) target_semaphore(%run_scoped3A : memref<!tpu.dma_semaphore, #tpu.memory_space<semaphore_mem>>)
        %dma_wait3A = tpu.memref_slice %arg3[%mul3A_34] : memref<6400000xi32, #tpu.memory_space<hbm>> -> memref<4000xi32, #tpu.memory_space<hbm>>
        %dma_wait3A_50 = tpu.memref_slice %arg3[%mul3A_34] : memref<6400000xi32, #tpu.memory_space<hbm>> -> memref<4000xi32, #tpu.memory_space<hbm>>
        tpu.wait_dma2 semaphore(%run_scoped3A : memref<!tpu.dma_semaphore, #tpu.memory_space<semaphore_mem>>) src(%dma_wait3A_50 : memref<4000xi32, #tpu.memory_space<hbm>>) dst(%arg7 : memref<4000xi32, #tpu.memory_space<vmem>>)
        tpu.yield
      }) : () -> ()
      %mul3A_35 = arith.constant 4000 : i32
      %mul3A_36 = arith.muli %add3A_32, %mul3A_35 : i32
      %mul3A_37 = arith.constant 4 : i32
      %mul3A_38 = arith.muli %mul3A_36, %mul3A_37 : i32
      "tpu.region"() ({
        %run_scoped3A = tpu.sem_alloc : memref<!tpu.dma_semaphore, #tpu.memory_space<semaphore_mem>>
        %dma_start3A = tpu.memref_slice %arg2[%mul3A_38] : memref<25600000xf32, #tpu.memory_space<hbm>> -> memref<16000xf32, #tpu.memory_space<hbm>>
        %dma_start3A_49 = tpu.memref_slice %arg2[%mul3A_38] : memref<25600000xf32, #tpu.memory_space<hbm>> -> memref<16000xf32, #tpu.memory_space<hbm>>
        tpu.enqueue_dma source(%dma_start3A_49 : memref<16000xf32, #tpu.memory_space<hbm>>) target(%arg6 : memref<16000xf32, #tpu.memory_space<vmem>>) target_semaphore(%run_scoped3A : memref<!tpu.dma_semaphore, #tpu.memory_space<semaphore_mem>>)
        %dma_wait3A = tpu.memref_slice %arg2[%mul3A_38] : memref<25600000xf32, #tpu.memory_space<hbm>> -> memref<16000xf32, #tpu.memory_space<hbm>>
        %dma_wait3A_50 = tpu.memref_slice %arg2[%mul3A_38] : memref<25600000xf32, #tpu.memory_space<hbm>> -> memref<16000xf32, #tpu.memory_space<hbm>>
        tpu.wait_dma2 semaphore(%run_scoped3A : memref<!tpu.dma_semaphore, #tpu.memory_space<semaphore_mem>>) src(%dma_wait3A_50 : memref<16000xf32, #tpu.memory_space<hbm>>) dst(%arg6 : memref<16000xf32, #tpu.memory_space<vmem>>)
        tpu.yield
      }) : () -> ()
      %scan3A_39 = arith.constant 0 : i32
      %scan3A_40 = arith.constant 0 : i32
      %scan3A_41 = arith.constant 250 : i32
      %scan3A_42 = arith.addi %scan3A_40, %scan3A_41 : i32
      %scan3A_43 = arith.constant 1 : i32
      %scan3A_44 = scf.for %scan3A_49 = %scan3A_40 to %scan3A_42 step %scan3A_43 iter_args(%scan3A_50 = %scan3A_39) -> (i32)  : i32 {
        %mul3A_51 = arith.constant 64 : i32
        %mul3A_52 = arith.muli %scan3A_49, %mul3A_51 : i32
        %add3A_53 = vector.broadcast %mul3A_52 : i32 to vector<16xi32>
        %add3A_54 = arith.addi %mul3A_17, %add3A_53 : vector<16xi32>
        %gather3A = tpu.vector_load_idx %arg6[%add3A_54] : memref<16000xf32, #tpu.memory_space<vmem>>[vector<16xi32>], vector<16xf32>,
        %mul3A_55 = arith.constant 16 : i32
        %mul3A_56 = arith.muli %scan3A_49, %mul3A_55 : i32
        %swap3A = arith.index_cast %mul3A_56 : i32 to index
        %swap3A_57 = tpu.vector_load %arg8[%swap3A] {strides = array<i32>} : memref<4000xf32, #tpu.memory_space<vmem>>, vector<16xf32>,
        tpu.vector_store %arg8[%swap3A], %gather3A {strides = array<i32>} : memref<4000xf32, #tpu.memory_space<vmem>>, vector<16xf32>,
        %scan3A_58 = arith.constant 0 : i32
        scf.yield %scan3A_58 : i32
      }
      %scan3A_45 = arith.constant 250 : i32
      %mul3A_46 = arith.constant 4000 : i32
      %mul3A_47 = arith.muli %add3A_32, %mul3A_46 : i32
      "tpu.region"() ({
        %run_scoped3A = tpu.sem_alloc : memref<!tpu.dma_semaphore, #tpu.memory_space<semaphore_mem>>
        %dma_start3A = tpu.memref_slice %arg5[%mul3A_47] : memref<6400000xf32, #tpu.memory_space<hbm>> -> memref<4000xf32, #tpu.memory_space<hbm>>
        %dma_start3A_49 = tpu.memref_slice %arg5[%mul3A_47] : memref<6400000xf32, #tpu.memory_space<hbm>> -> memref<4000xf32, #tpu.memory_space<hbm>>
        tpu.enqueue_dma source(%arg8 : memref<4000xf32, #tpu.memory_space<vmem>>) target(%dma_start3A_49 : memref<4000xf32, #tpu.memory_space<hbm>>) target_semaphore(%run_scoped3A : memref<!tpu.dma_semaphore, #tpu.memory_space<semaphore_mem>>)
        %dma_wait3A = tpu.memref_slice %arg5[%mul3A_47] : memref<6400000xf32, #tpu.memory_space<hbm>> -> memref<4000xf32, #tpu.memory_space<hbm>>
        %dma_wait3A_50 = tpu.memref_slice %arg5[%mul3A_47] : memref<6400000xf32, #tpu.memory_space<hbm>> -> memref<4000xf32, #tpu.memory_space<hbm>>
        tpu.wait_dma2 semaphore(%run_scoped3A : memref<!tpu.dma_semaphore, #tpu.memory_space<semaphore_mem>>) src(%arg8 : memref<4000xf32, #tpu.memory_space<vmem>>) dst(%dma_wait3A_50 : memref<4000xf32, #tpu.memory_space<hbm>>)
        tpu.yield
      }) : () -> ()
      "tpu.region"() ({
        %run_scoped3A = tpu.sem_alloc : memref<!tpu.dma_semaphore, #tpu.memory_space<semaphore_mem>>
        %dma_start3A = arith.constant 0 : i32
        %dma_start3A_49 = tpu.memref_slice %arg10[%dma_start3A] : memref<100000xf32, #tpu.memory_space<vmem_shared>> -> memref<100000xf32, #tpu.memory_space<vmem_shared>>
        tpu.enqueue_indirect_dma source(%arg8 : memref<4000xf32, #tpu.memory_space<vmem>>) target(%dma_start3A_49 : memref<100000xf32, #tpu.memory_space<vmem_shared>>) offsets(%arg7 : memref<4000xi32, #tpu.memory_space<vmem>>) semaphore(%run_scoped3A : memref<!tpu.dma_semaphore, #tpu.memory_space<semaphore_mem>>) {add = true}
        %dma_wait3A = arith.constant 0 : i32
        %dma_wait3A_50 = tpu.memref_slice %arg10[%dma_wait3A] : memref<100000xf32, #tpu.memory_space<vmem_shared>> -> memref<100000xf32, #tpu.memory_space<vmem_shared>>
        tpu.wait_indirect_dma semaphore(%run_scoped3A : memref<!tpu.dma_semaphore, #tpu.memory_space<semaphore_mem>>) src(%arg8 : memref<4000xf32, #tpu.memory_space<vmem>>) dst(%dma_wait3A_50 : memref<100000xf32, #tpu.memory_space<vmem_shared>>)
        tpu.yield
      }) : () -> ()
      %scan3A_48 = arith.constant 0 : i32
      scf.yield %scan3A_48 : i32
    }
    %scan3A_24 = arith.constant 50 : i32
    %barrier3A_25 = arith.constant 0 : index
    tpu.barrier barrier_id(%barrier3A_25)
    %eq3A = arith.constant 0 : i32
    %eq3A_26 = arith.cmpi eq, %arg1, %eq3A : i32
    %convert_element_type3A = arith.extui %eq3A_26 : i1 to i32
    %cond3A = arith.constant 0 : i32
    %cond3A_27 = arith.cmpi ne, %convert_element_type3A, %cond3A : i32
    scf.if %cond3A_27 {
      "tpu.region"() ({
        %run_scoped3A = tpu.sem_alloc : memref<!tpu.dma_semaphore, #tpu.memory_space<semaphore_mem>>
        %dma_start3A = arith.constant 0 : i32
        %dma_start3A_28 = tpu.memref_slice %arg4[%arg0, %dma_start3A] : memref<2x100000xf32, #tpu.memory_space<hbm>> -> memref<1x100000xf32, #tpu.memory_space<hbm>>
        %dma_start3A_29 = tpu.memref_squeeze %dma_start3A_28 : memref<1x100000xf32, #tpu.memory_space<hbm>> -> memref<100000xf32, #tpu.memory_space<hbm>>
        tpu.enqueue_dma source(%arg10 : memref<100000xf32, #tpu.memory_space<vmem_shared>>) target(%dma_start3A_29 : memref<100000xf32, #tpu.memory_space<hbm>>) target_semaphore(%run_scoped3A : memref<!tpu.dma_semaphore, #tpu.memory_space<semaphore_mem>>)
        %dma_wait3A = arith.constant 0 : i32
        %dma_wait3A_30 = tpu.memref_slice %arg4[%arg0, %dma_wait3A] : memref<2x100000xf32, #tpu.memory_space<hbm>> -> memref<1x100000xf32, #tpu.memory_space<hbm>>
        %dma_wait3A_31 = tpu.memref_squeeze %dma_wait3A_30 : memref<1x100000xf32, #tpu.memory_space<hbm>> -> memref<100000xf32, #tpu.memory_space<hbm>>
        tpu.wait_dma2 semaphore(%run_scoped3A : memref<!tpu.dma_semaphore, #tpu.memory_space<semaphore_mem>>) src(%arg10 : memref<100000xf32, #tpu.memory_space<vmem_shared>>) dst(%dma_wait3A_31 : memref<100000xf32, #tpu.memory_space<hbm>>)
        tpu.yield
      }) : () -> ()
    } else {
    }
    return
  }
}

#map = affine_map<(d0, d1) -> (0)>
module attributes {stable_mosaic.version = 14 : i64} {
  func.func @body(%arg0: i32, %arg1: i32, %arg2: memref<6400000xi32, #tpu.memory_space<hbm>>, %arg3: memref<6400000xi32, #tpu.memory_space<hbm>>, %arg4: memref<6400000xf32, #tpu.memory_space<hbm>>, %arg5: memref<200000xf32, #tpu.memory_space<hbm>>, %arg6: memref<400000xf32, #tpu.memory_space<hbm>>, %arg7: memref<4000xi32, #tpu.memory_space<vmem>>, %arg8: memref<4000xi32, #tpu.memory_space<vmem>>, %arg9: memref<4000xf32, #tpu.memory_space<vmem>>, %arg10: memref<4000xf32, #tpu.memory_space<vmem>>, %arg11: memref<2000xf32, #tpu.memory_space<vmem>>, %arg12: memref<100000xf32, #tpu.memory_space<vmem_shared>>, %arg13: memref<100000xf32, #tpu.memory_space<vmem_shared>>, %arg14: memref<100000xf32, #tpu.memory_space<vmem_shared>>, %arg15: memref<100000xf32, #tpu.memory_space<vmem_shared>>, %arg16: memref<!tpu.dma_semaphore, #tpu.memory_space<semaphore_mem>>) attributes {dimension_semantics = [#tpu.dimension_semantics<core_parallel>, #tpu.dimension_semantics<subcore_parallel>], iteration_bounds = array<i64: 2, 16>, scalar_prefetch = 0 : i64, scratch_operands = 10 : i64, tpu.core_type = #tpu.core_type<sc_vector_subcore>, window_params = [{transform_indices = #map}, {transform_indices = #map}, {transform_indices = #map}, {transform_indices = #map}, {transform_indices = #map}]} {
    %mul3A = arith.constant 2 : i32
    %mul3A_0 = arith.muli %arg1, %mul3A : i32
    %add3A = arith.addi %mul3A_0, %arg0 : i32
    %broadcast_in_dim3A = arith.constant 0.000000e+00 : f32
    %broadcast_in_dim3A_1 = vector.broadcast %broadcast_in_dim3A : f32 to vector<16xf32>
    %scan3A = arith.constant 0 : i32
    %scan3A_2 = arith.constant 0 : i32
    %scan3A_3 = arith.constant 125 : i32
    %scan3A_4 = arith.addi %scan3A_2, %scan3A_3 : i32
    %scan3A_5 = arith.constant 1 : i32
    %scan3A_6 = scf.for %scan3A_30 = %scan3A_2 to %scan3A_4 step %scan3A_5 iter_args(%scan3A_31 = %scan3A) -> (i32)  : i32 {
      %mul3A_32 = arith.constant 16 : i32
      %mul3A_33 = arith.muli %scan3A_30, %mul3A_32 : i32
      %swap3A = arith.index_cast %mul3A_33 : i32 to index
      %swap3A_34 = tpu.vector_load %arg11[%swap3A] {strides = array<i32>} : memref<2000xf32, #tpu.memory_space<vmem>>, vector<16xf32>,
      tpu.vector_store %arg11[%swap3A], %broadcast_in_dim3A_1 {strides = array<i32>} : memref<2000xf32, #tpu.memory_space<vmem>>, vector<16xf32>,
      %scan3A_35 = arith.constant 0 : i32
      scf.yield %scan3A_35 : i32
    }
    %scan3A_7 = arith.constant 125 : i32
    %scan3A_8 = arith.constant 0 : i32
    %scan3A_9 = arith.constant 0 : i32
    %scan3A_10 = arith.constant 4 : i32
    %scan3A_11 = arith.addi %scan3A_9, %scan3A_10 : i32
    %scan3A_12 = arith.constant 1 : i32
    %scan3A_13 = scf.for %scan3A_30 = %scan3A_9 to %scan3A_11 step %scan3A_12 iter_args(%scan3A_31 = %scan3A_8) -> (i32)  : i32 {
      %mul3A_32 = arith.constant 16 : i32
      %mul3A_33 = arith.muli %scan3A_30, %mul3A_32 : i32
      %add3A_34 = arith.addi %arg1, %mul3A_33 : i32
      %lt3A = arith.constant 50 : i32
      %lt3A_35 = arith.cmpi slt, %add3A_34, %lt3A : i32
      %convert_element_type3A = arith.extui %lt3A_35 : i1 to i32
      %cond3A = arith.constant 0 : i32
      %cond3A_36 = arith.cmpi ne, %convert_element_type3A, %cond3A : i32
      scf.if %cond3A_36 {
        %mul3A_38 = arith.constant 2000 : i32
        %mul3A_39 = arith.muli %add3A_34, %mul3A_38 : i32
        %mul3A_40 = arith.constant 2000 : i32
        %mul3A_41 = arith.muli %add3A_34, %mul3A_40 : i32
        %add3A_42 = arith.constant 0 : i32
        %add3A_43 = arith.addi %add3A_42, %mul3A_41 : i32
        "tpu.region"() ({
          %run_scoped3A = tpu.sem_alloc : memref<!tpu.dma_semaphore, #tpu.memory_space<semaphore_mem>>
          %dma_start3A = tpu.memref_slice %arg12[%mul3A_39] : memref<100000xf32, #tpu.memory_space<vmem_shared>> -> memref<2000xf32, #tpu.memory_space<vmem_shared>>
          %dma_start3A_48 = tpu.memref_slice %arg5[%add3A_43] : memref<200000xf32, #tpu.memory_space<hbm>> -> memref<2000xf32, #tpu.memory_space<hbm>>
          tpu.enqueue_dma source(%dma_start3A_48 : memref<2000xf32, #tpu.memory_space<hbm>>) target(%dma_start3A : memref<2000xf32, #tpu.memory_space<vmem_shared>>) target_semaphore(%run_scoped3A : memref<!tpu.dma_semaphore, #tpu.memory_space<semaphore_mem>>)
          %dma_wait3A = tpu.memref_slice %arg12[%mul3A_39] : memref<100000xf32, #tpu.memory_space<vmem_shared>> -> memref<2000xf32, #tpu.memory_space<vmem_shared>>
          %dma_wait3A_49 = tpu.memref_slice %arg5[%add3A_43] : memref<200000xf32, #tpu.memory_space<hbm>> -> memref<2000xf32, #tpu.memory_space<hbm>>
          tpu.wait_dma2 semaphore(%run_scoped3A : memref<!tpu.dma_semaphore, #tpu.memory_space<semaphore_mem>>) src(%dma_wait3A_49 : memref<2000xf32, #tpu.memory_space<hbm>>) dst(%dma_wait3A : memref<2000xf32, #tpu.memory_space<vmem_shared>>)
          tpu.yield
        }) : () -> ()
        "tpu.region"() ({
          %run_scoped3A = tpu.sem_alloc : memref<!tpu.dma_semaphore, #tpu.memory_space<semaphore_mem>>
          %dma_start3A = tpu.memref_slice %arg14[%mul3A_39] : memref<100000xf32, #tpu.memory_space<vmem_shared>> -> memref<2000xf32, #tpu.memory_space<vmem_shared>>
          %dma_start3A_48 = tpu.memref_slice %arg14[%mul3A_39] : memref<100000xf32, #tpu.memory_space<vmem_shared>> -> memref<2000xf32, #tpu.memory_space<vmem_shared>>
          tpu.enqueue_dma source(%arg11 : memref<2000xf32, #tpu.memory_space<vmem>>) target(%dma_start3A_48 : memref<2000xf32, #tpu.memory_space<vmem_shared>>) target_semaphore(%run_scoped3A : memref<!tpu.dma_semaphore, #tpu.memory_space<semaphore_mem>>)
          %dma_wait3A = tpu.memref_slice %arg14[%mul3A_39] : memref<100000xf32, #tpu.memory_space<vmem_shared>> -> memref<2000xf32, #tpu.memory_space<vmem_shared>>
          %dma_wait3A_49 = tpu.memref_slice %arg14[%mul3A_39] : memref<100000xf32, #tpu.memory_space<vmem_shared>> -> memref<2000xf32, #tpu.memory_space<vmem_shared>>
          tpu.wait_dma2 semaphore(%run_scoped3A : memref<!tpu.dma_semaphore, #tpu.memory_space<semaphore_mem>>) src(%arg11 : memref<2000xf32, #tpu.memory_space<vmem>>) dst(%dma_wait3A_49 : memref<2000xf32, #tpu.memory_space<vmem_shared>>)
          tpu.yield
        }) : () -> ()
        %mul3A_44 = arith.constant 2000 : i32
        %mul3A_45 = arith.muli %add3A_34, %mul3A_44 : i32
        %add3A_46 = arith.constant 100000 : i32
        %add3A_47 = arith.addi %add3A_46, %mul3A_45 : i32
        "tpu.region"() ({
          %run_scoped3A = tpu.sem_alloc : memref<!tpu.dma_semaphore, #tpu.memory_space<semaphore_mem>>
          %dma_start3A = tpu.memref_slice %arg13[%mul3A_39] : memref<100000xf32, #tpu.memory_space<vmem_shared>> -> memref<2000xf32, #tpu.memory_space<vmem_shared>>
          %dma_start3A_48 = tpu.memref_slice %arg5[%add3A_47] : memref<200000xf32, #tpu.memory_space<hbm>> -> memref<2000xf32, #tpu.memory_space<hbm>>
          tpu.enqueue_dma source(%dma_start3A_48 : memref<2000xf32, #tpu.memory_space<hbm>>) target(%dma_start3A : memref<2000xf32, #tpu.memory_space<vmem_shared>>) target_semaphore(%run_scoped3A : memref<!tpu.dma_semaphore, #tpu.memory_space<semaphore_mem>>)
          %dma_wait3A = tpu.memref_slice %arg13[%mul3A_39] : memref<100000xf32, #tpu.memory_space<vmem_shared>> -> memref<2000xf32, #tpu.memory_space<vmem_shared>>
          %dma_wait3A_49 = tpu.memref_slice %arg5[%add3A_47] : memref<200000xf32, #tpu.memory_space<hbm>> -> memref<2000xf32, #tpu.memory_space<hbm>>
          tpu.wait_dma2 semaphore(%run_scoped3A : memref<!tpu.dma_semaphore, #tpu.memory_space<semaphore_mem>>) src(%dma_wait3A_49 : memref<2000xf32, #tpu.memory_space<hbm>>) dst(%dma_wait3A : memref<2000xf32, #tpu.memory_space<vmem_shared>>)
          tpu.yield
        }) : () -> ()
        "tpu.region"() ({
          %run_scoped3A = tpu.sem_alloc : memref<!tpu.dma_semaphore, #tpu.memory_space<semaphore_mem>>
          %dma_start3A = tpu.memref_slice %arg15[%mul3A_39] : memref<100000xf32, #tpu.memory_space<vmem_shared>> -> memref<2000xf32, #tpu.memory_space<vmem_shared>>
          %dma_start3A_48 = tpu.memref_slice %arg15[%mul3A_39] : memref<100000xf32, #tpu.memory_space<vmem_shared>> -> memref<2000xf32, #tpu.memory_space<vmem_shared>>
          tpu.enqueue_dma source(%arg11 : memref<2000xf32, #tpu.memory_space<vmem>>) target(%dma_start3A_48 : memref<2000xf32, #tpu.memory_space<vmem_shared>>) target_semaphore(%run_scoped3A : memref<!tpu.dma_semaphore, #tpu.memory_space<semaphore_mem>>)
          %dma_wait3A = tpu.memref_slice %arg15[%mul3A_39] : memref<100000xf32, #tpu.memory_space<vmem_shared>> -> memref<2000xf32, #tpu.memory_space<vmem_shared>>
          %dma_wait3A_49 = tpu.memref_slice %arg15[%mul3A_39] : memref<100000xf32, #tpu.memory_space<vmem_shared>> -> memref<2000xf32, #tpu.memory_space<vmem_shared>>
          tpu.wait_dma2 semaphore(%run_scoped3A : memref<!tpu.dma_semaphore, #tpu.memory_space<semaphore_mem>>) src(%arg11 : memref<2000xf32, #tpu.memory_space<vmem>>) dst(%dma_wait3A_49 : memref<2000xf32, #tpu.memory_space<vmem_shared>>)
          tpu.yield
        }) : () -> ()
      } else {
      }
      %scan3A_37 = arith.constant 0 : i32
      scf.yield %scan3A_37 : i32
    }
    %scan3A_14 = arith.constant 4 : i32
    %barrier3A = arith.constant 0 : index
    tpu.barrier barrier_id(%barrier3A)
    %scan3A_15 = arith.constant 0 : i32
    %scan3A_16 = arith.constant 0 : i32
    %scan3A_17 = arith.constant 50 : i32
    %scan3A_18 = arith.addi %scan3A_16, %scan3A_17 : i32
    %scan3A_19 = arith.constant 1 : i32
    %scan3A_20 = scf.for %scan3A_30 = %scan3A_16 to %scan3A_18 step %scan3A_19 iter_args(%scan3A_31 = %scan3A_15) -> (i32)  : i32 {
      %mul3A_32 = arith.constant 32 : i32
      %mul3A_33 = arith.muli %scan3A_30, %mul3A_32 : i32
      %add3A_34 = arith.addi %add3A, %mul3A_33 : i32
      %mul3A_35 = arith.constant 4000 : i32
      %mul3A_36 = arith.muli %add3A_34, %mul3A_35 : i32
      "tpu.region"() ({
        %run_scoped3A = tpu.sem_alloc : memref<!tpu.dma_semaphore, #tpu.memory_space<semaphore_mem>>
        %dma_start3A_62 = tpu.memref_slice %arg2[%mul3A_36] : memref<6400000xi32, #tpu.memory_space<hbm>> -> memref<4000xi32, #tpu.memory_space<hbm>>
        %dma_start3A_63 = tpu.memref_slice %arg2[%mul3A_36] : memref<6400000xi32, #tpu.memory_space<hbm>> -> memref<4000xi32, #tpu.memory_space<hbm>>
        tpu.enqueue_dma source(%dma_start3A_63 : memref<4000xi32, #tpu.memory_space<hbm>>) target(%arg7 : memref<4000xi32, #tpu.memory_space<vmem>>) target_semaphore(%run_scoped3A : memref<!tpu.dma_semaphore, #tpu.memory_space<semaphore_mem>>)
        %dma_wait3A_64 = tpu.memref_slice %arg2[%mul3A_36] : memref<6400000xi32, #tpu.memory_space<hbm>> -> memref<4000xi32, #tpu.memory_space<hbm>>
        %dma_wait3A_65 = tpu.memref_slice %arg2[%mul3A_36] : memref<6400000xi32, #tpu.memory_space<hbm>> -> memref<4000xi32, #tpu.memory_space<hbm>>
        tpu.wait_dma2 semaphore(%run_scoped3A : memref<!tpu.dma_semaphore, #tpu.memory_space<semaphore_mem>>) src(%dma_wait3A_65 : memref<4000xi32, #tpu.memory_space<hbm>>) dst(%arg7 : memref<4000xi32, #tpu.memory_space<vmem>>)
        tpu.yield
      }) : () -> ()
      %mul3A_37 = arith.constant 4000 : i32
      %mul3A_38 = arith.muli %add3A_34, %mul3A_37 : i32
      "tpu.region"() ({
        %run_scoped3A = tpu.sem_alloc : memref<!tpu.dma_semaphore, #tpu.memory_space<semaphore_mem>>
        %dma_start3A_62 = tpu.memref_slice %arg3[%mul3A_38] : memref<6400000xi32, #tpu.memory_space<hbm>> -> memref<4000xi32, #tpu.memory_space<hbm>>
        %dma_start3A_63 = tpu.memref_slice %arg3[%mul3A_38] : memref<6400000xi32, #tpu.memory_space<hbm>> -> memref<4000xi32, #tpu.memory_space<hbm>>
        tpu.enqueue_dma source(%dma_start3A_63 : memref<4000xi32, #tpu.memory_space<hbm>>) target(%arg8 : memref<4000xi32, #tpu.memory_space<vmem>>) target_semaphore(%run_scoped3A : memref<!tpu.dma_semaphore, #tpu.memory_space<semaphore_mem>>)
        %dma_wait3A_64 = tpu.memref_slice %arg3[%mul3A_38] : memref<6400000xi32, #tpu.memory_space<hbm>> -> memref<4000xi32, #tpu.memory_space<hbm>>
        %dma_wait3A_65 = tpu.memref_slice %arg3[%mul3A_38] : memref<6400000xi32, #tpu.memory_space<hbm>> -> memref<4000xi32, #tpu.memory_space<hbm>>
        tpu.wait_dma2 semaphore(%run_scoped3A : memref<!tpu.dma_semaphore, #tpu.memory_space<semaphore_mem>>) src(%dma_wait3A_65 : memref<4000xi32, #tpu.memory_space<hbm>>) dst(%arg8 : memref<4000xi32, #tpu.memory_space<vmem>>)
        tpu.yield
      }) : () -> ()
      %mul3A_39 = arith.constant 4000 : i32
      %mul3A_40 = arith.muli %add3A_34, %mul3A_39 : i32
      "tpu.region"() ({
        %run_scoped3A = tpu.sem_alloc : memref<!tpu.dma_semaphore, #tpu.memory_space<semaphore_mem>>
        %dma_start3A_62 = tpu.memref_slice %arg4[%mul3A_40] : memref<6400000xf32, #tpu.memory_space<hbm>> -> memref<4000xf32, #tpu.memory_space<hbm>>
        %dma_start3A_63 = tpu.memref_slice %arg4[%mul3A_40] : memref<6400000xf32, #tpu.memory_space<hbm>> -> memref<4000xf32, #tpu.memory_space<hbm>>
        tpu.enqueue_dma source(%dma_start3A_63 : memref<4000xf32, #tpu.memory_space<hbm>>) target(%arg9 : memref<4000xf32, #tpu.memory_space<vmem>>) target_semaphore(%run_scoped3A : memref<!tpu.dma_semaphore, #tpu.memory_space<semaphore_mem>>)
        %dma_wait3A_64 = tpu.memref_slice %arg4[%mul3A_40] : memref<6400000xf32, #tpu.memory_space<hbm>> -> memref<4000xf32, #tpu.memory_space<hbm>>
        %dma_wait3A_65 = tpu.memref_slice %arg4[%mul3A_40] : memref<6400000xf32, #tpu.memory_space<hbm>> -> memref<4000xf32, #tpu.memory_space<hbm>>
        tpu.wait_dma2 semaphore(%run_scoped3A : memref<!tpu.dma_semaphore, #tpu.memory_space<semaphore_mem>>) src(%dma_wait3A_65 : memref<4000xf32, #tpu.memory_space<hbm>>) dst(%arg9 : memref<4000xf32, #tpu.memory_space<vmem>>)
        tpu.yield
      }) : () -> ()
      %dma_start3A = arith.constant 0 : i32
      %dma_start3A_41 = tpu.memref_slice %arg12[%dma_start3A] : memref<100000xf32, #tpu.memory_space<vmem_shared>> -> memref<100000xf32, #tpu.memory_space<vmem_shared>>
      tpu.enqueue_indirect_dma source(%dma_start3A_41 : memref<100000xf32, #tpu.memory_space<vmem_shared>>) target(%arg10 : memref<4000xf32, #tpu.memory_space<vmem>>) offsets(%arg7 : memref<4000xi32, #tpu.memory_space<vmem>>) semaphore(%arg16 : memref<!tpu.dma_semaphore, #tpu.memory_space<semaphore_mem>>)
      %dma_wait3A = arith.constant 0 : i32
      %dma_wait3A_42 = tpu.memref_slice %arg12[%dma_wait3A] : memref<100000xf32, #tpu.memory_space<vmem_shared>> -> memref<100000xf32, #tpu.memory_space<vmem_shared>>
      tpu.wait_indirect_dma semaphore(%arg16 : memref<!tpu.dma_semaphore, #tpu.memory_space<semaphore_mem>>) src(%dma_wait3A_42 : memref<100000xf32, #tpu.memory_space<vmem_shared>>) dst(%arg10 : memref<4000xf32, #tpu.memory_space<vmem>>)
      %scan3A_43 = arith.constant 0 : i32
      %scan3A_44 = arith.constant 0 : i32
      %scan3A_45 = arith.constant 250 : i32
      %scan3A_46 = arith.addi %scan3A_44, %scan3A_45 : i32
      %scan3A_47 = arith.constant 1 : i32
      %scan3A_48 = scf.for %scan3A_62 = %scan3A_44 to %scan3A_46 step %scan3A_47 iter_args(%scan3A_63 = %scan3A_43) -> (i32)  : i32 {
        %mul3A_64 = arith.constant 16 : i32
        %mul3A_65 = arith.muli %scan3A_62, %mul3A_64 : i32
        %get3A = arith.index_cast %mul3A_65 : i32 to index
        %get3A_66 = tpu.vector_load %arg10[%get3A] {strides = array<i32>} : memref<4000xf32, #tpu.memory_space<vmem>>, vector<16xf32>,
        %get3A_67 = arith.index_cast %mul3A_65 : i32 to index
        %get3A_68 = tpu.vector_load %arg9[%get3A_67] {strides = array<i32>} : memref<4000xf32, #tpu.memory_space<vmem>>, vector<16xf32>,
        %mul3A_69 = arith.mulf %get3A_66, %get3A_68 : vector<16xf32>
        %swap3A = arith.index_cast %mul3A_65 : i32 to index
        %swap3A_70 = tpu.vector_load %arg10[%swap3A] {strides = array<i32>} : memref<4000xf32, #tpu.memory_space<vmem>>, vector<16xf32>,
        tpu.vector_store %arg10[%swap3A], %mul3A_69 {strides = array<i32>} : memref<4000xf32, #tpu.memory_space<vmem>>, vector<16xf32>,
        %scan3A_71 = arith.constant 0 : i32
        scf.yield %scan3A_71 : i32
      }
      %scan3A_49 = arith.constant 250 : i32
      "tpu.region"() ({
        %run_scoped3A = tpu.sem_alloc : memref<!tpu.dma_semaphore, #tpu.memory_space<semaphore_mem>>
        %dma_start3A_62 = arith.constant 0 : i32
        %dma_start3A_63 = tpu.memref_slice %arg14[%dma_start3A_62] : memref<100000xf32, #tpu.memory_space<vmem_shared>> -> memref<100000xf32, #tpu.memory_space<vmem_shared>>
        tpu.enqueue_indirect_dma source(%arg10 : memref<4000xf32, #tpu.memory_space<vmem>>) target(%dma_start3A_63 : memref<100000xf32, #tpu.memory_space<vmem_shared>>) offsets(%arg8 : memref<4000xi32, #tpu.memory_space<vmem>>) semaphore(%run_scoped3A : memref<!tpu.dma_semaphore, #tpu.memory_space<semaphore_mem>>) {add = true}
        %dma_wait3A_64 = arith.constant 0 : i32
        %dma_wait3A_65 = tpu.memref_slice %arg14[%dma_wait3A_64] : memref<100000xf32, #tpu.memory_space<vmem_shared>> -> memref<100000xf32, #tpu.memory_space<vmem_shared>>
        tpu.wait_indirect_dma semaphore(%run_scoped3A : memref<!tpu.dma_semaphore, #tpu.memory_space<semaphore_mem>>) src(%arg10 : memref<4000xf32, #tpu.memory_space<vmem>>) dst(%dma_wait3A_65 : memref<100000xf32, #tpu.memory_space<vmem_shared>>)
        tpu.yield
      }) : () -> ()
      %dma_start3A_50 = arith.constant 0 : i32
      %dma_start3A_51 = tpu.memref_slice %arg13[%dma_start3A_50] : memref<100000xf32, #tpu.memory_space<vmem_shared>> -> memref<100000xf32, #tpu.memory_space<vmem_shared>>
      tpu.enqueue_indirect_dma source(%dma_start3A_51 : memref<100000xf32, #tpu.memory_space<vmem_shared>>) target(%arg10 : memref<4000xf32, #tpu.memory_space<vmem>>) offsets(%arg7 : memref<4000xi32, #tpu.memory_space<vmem>>) semaphore(%arg16 : memref<!tpu.dma_semaphore, #tpu.memory_space<semaphore_mem>>)
      %dma_wait3A_52 = arith.constant 0 : i32
      %dma_wait3A_53 = tpu.memref_slice %arg13[%dma_wait3A_52] : memref<100000xf32, #tpu.memory_space<vmem_shared>> -> memref<100000xf32, #tpu.memory_space<vmem_shared>>
      tpu.wait_indirect_dma semaphore(%arg16 : memref<!tpu.dma_semaphore, #tpu.memory_space<semaphore_mem>>) src(%dma_wait3A_53 : memref<100000xf32, #tpu.memory_space<vmem_shared>>) dst(%arg10 : memref<4000xf32, #tpu.memory_space<vmem>>)
      %scan3A_54 = arith.constant 0 : i32
      %scan3A_55 = arith.constant 0 : i32
      %scan3A_56 = arith.constant 250 : i32
      %scan3A_57 = arith.addi %scan3A_55, %scan3A_56 : i32
      %scan3A_58 = arith.constant 1 : i32
      %scan3A_59 = scf.for %scan3A_62 = %scan3A_55 to %scan3A_57 step %scan3A_58 iter_args(%scan3A_63 = %scan3A_54) -> (i32)  : i32 {
        %mul3A_64 = arith.constant 16 : i32
        %mul3A_65 = arith.muli %scan3A_62, %mul3A_64 : i32
        %get3A = arith.index_cast %mul3A_65 : i32 to index
        %get3A_66 = tpu.vector_load %arg10[%get3A] {strides = array<i32>} : memref<4000xf32, #tpu.memory_space<vmem>>, vector<16xf32>,
        %get3A_67 = arith.index_cast %mul3A_65 : i32 to index
        %get3A_68 = tpu.vector_load %arg9[%get3A_67] {strides = array<i32>} : memref<4000xf32, #tpu.memory_space<vmem>>, vector<16xf32>,
        %mul3A_69 = arith.mulf %get3A_66, %get3A_68 : vector<16xf32>
        %swap3A = arith.index_cast %mul3A_65 : i32 to index
        %swap3A_70 = tpu.vector_load %arg10[%swap3A] {strides = array<i32>} : memref<4000xf32, #tpu.memory_space<vmem>>, vector<16xf32>,
        tpu.vector_store %arg10[%swap3A], %mul3A_69 {strides = array<i32>} : memref<4000xf32, #tpu.memory_space<vmem>>, vector<16xf32>,
        %scan3A_71 = arith.constant 0 : i32
        scf.yield %scan3A_71 : i32
      }
      %scan3A_60 = arith.constant 250 : i32
      "tpu.region"() ({
        %run_scoped3A = tpu.sem_alloc : memref<!tpu.dma_semaphore, #tpu.memory_space<semaphore_mem>>
        %dma_start3A_62 = arith.constant 0 : i32
        %dma_start3A_63 = tpu.memref_slice %arg15[%dma_start3A_62] : memref<100000xf32, #tpu.memory_space<vmem_shared>> -> memref<100000xf32, #tpu.memory_space<vmem_shared>>
        tpu.enqueue_indirect_dma source(%arg10 : memref<4000xf32, #tpu.memory_space<vmem>>) target(%dma_start3A_63 : memref<100000xf32, #tpu.memory_space<vmem_shared>>) offsets(%arg8 : memref<4000xi32, #tpu.memory_space<vmem>>) semaphore(%run_scoped3A : memref<!tpu.dma_semaphore, #tpu.memory_space<semaphore_mem>>) {add = true}
        %dma_wait3A_64 = arith.constant 0 : i32
        %dma_wait3A_65 = tpu.memref_slice %arg15[%dma_wait3A_64] : memref<100000xf32, #tpu.memory_space<vmem_shared>> -> memref<100000xf32, #tpu.memory_space<vmem_shared>>
        tpu.wait_indirect_dma semaphore(%run_scoped3A : memref<!tpu.dma_semaphore, #tpu.memory_space<semaphore_mem>>) src(%arg10 : memref<4000xf32, #tpu.memory_space<vmem>>) dst(%dma_wait3A_65 : memref<100000xf32, #tpu.memory_space<vmem_shared>>)
        tpu.yield
      }) : () -> ()
      %scan3A_61 = arith.constant 0 : i32
      scf.yield %scan3A_61 : i32
    }
    %scan3A_21 = arith.constant 50 : i32
    %barrier3A_22 = arith.constant 0 : index
    tpu.barrier barrier_id(%barrier3A_22)
    %scan3A_23 = arith.constant 0 : i32
    %scan3A_24 = arith.constant 0 : i32
    %scan3A_25 = arith.constant 4 : i32
    %scan3A_26 = arith.addi %scan3A_24, %scan3A_25 : i32
    %scan3A_27 = arith.constant 1 : i32
    %scan3A_28 = scf.for %scan3A_30 = %scan3A_24 to %scan3A_26 step %scan3A_27 iter_args(%scan3A_31 = %scan3A_23) -> (i32)  : i32 {
      %mul3A_32 = arith.constant 16 : i32
      %mul3A_33 = arith.muli %scan3A_30, %mul3A_32 : i32
      %add3A_34 = arith.addi %arg1, %mul3A_33 : i32
      %lt3A = arith.constant 50 : i32
      %lt3A_35 = arith.cmpi slt, %add3A_34, %lt3A : i32
      %convert_element_type3A = arith.extui %lt3A_35 : i1 to i32
      %cond3A = arith.constant 0 : i32
      %cond3A_36 = arith.cmpi ne, %convert_element_type3A, %cond3A : i32
      scf.if %cond3A_36 {
        %mul3A_38 = arith.constant 2000 : i32
        %mul3A_39 = arith.muli %add3A_34, %mul3A_38 : i32
        %mul3A_40 = arith.constant 2 : i32
        %mul3A_41 = arith.muli %arg0, %mul3A_40 : i32
        %mul3A_42 = arith.constant 100000 : i32
        %mul3A_43 = arith.muli %mul3A_41, %mul3A_42 : i32
        %add3A_44 = arith.constant 0 : i32
        %add3A_45 = arith.addi %mul3A_43, %add3A_44 : i32
        %mul3A_46 = arith.constant 2000 : i32
        %mul3A_47 = arith.muli %add3A_34, %mul3A_46 : i32
        %add3A_48 = arith.addi %add3A_45, %mul3A_47 : i32
        "tpu.region"() ({
          %run_scoped3A = tpu.sem_alloc : memref<!tpu.dma_semaphore, #tpu.memory_space<semaphore_mem>>
          %dma_start3A = tpu.memref_slice %arg6[%add3A_48] : memref<400000xf32, #tpu.memory_space<hbm>> -> memref<2000xf32, #tpu.memory_space<hbm>>
          %dma_start3A_60 = tpu.memref_slice %arg14[%mul3A_39] : memref<100000xf32, #tpu.memory_space<vmem_shared>> -> memref<2000xf32, #tpu.memory_space<vmem_shared>>
          tpu.enqueue_dma source(%dma_start3A_60 : memref<2000xf32, #tpu.memory_space<vmem_shared>>) target(%dma_start3A : memref<2000xf32, #tpu.memory_space<hbm>>) target_semaphore(%run_scoped3A : memref<!tpu.dma_semaphore, #tpu.memory_space<semaphore_mem>>)
          %dma_wait3A = tpu.memref_slice %arg6[%add3A_48] : memref<400000xf32, #tpu.memory_space<hbm>> -> memref<2000xf32, #tpu.memory_space<hbm>>
          %dma_wait3A_61 = tpu.memref_slice %arg14[%mul3A_39] : memref<100000xf32, #tpu.memory_space<vmem_shared>> -> memref<2000xf32, #tpu.memory_space<vmem_shared>>
          tpu.wait_dma2 semaphore(%run_scoped3A : memref<!tpu.dma_semaphore, #tpu.memory_space<semaphore_mem>>) src(%dma_wait3A_61 : memref<2000xf32, #tpu.memory_space<vmem_shared>>) dst(%dma_wait3A : memref<2000xf32, #tpu.memory_space<hbm>>)
          tpu.yield
        }) : () -> ()
        %mul3A_49 = arith.constant 2000 : i32
        %mul3A_50 = arith.muli %add3A_34, %mul3A_49 : i32
        %mul3A_51 = arith.constant 2 : i32
        %mul3A_52 = arith.muli %arg0, %mul3A_51 : i32
        %mul3A_53 = arith.constant 100000 : i32
        %mul3A_54 = arith.muli %mul3A_52, %mul3A_53 : i32
        %add3A_55 = arith.constant 100000 : i32
        %add3A_56 = arith.addi %mul3A_54, %add3A_55 : i32
        %mul3A_57 = arith.constant 2000 : i32
        %mul3A_58 = arith.muli %add3A_34, %mul3A_57 : i32
        %add3A_59 = arith.addi %add3A_56, %mul3A_58 : i32
        "tpu.region"() ({
          %run_scoped3A = tpu.sem_alloc : memref<!tpu.dma_semaphore, #tpu.memory_space<semaphore_mem>>
          %dma_start3A = tpu.memref_slice %arg6[%add3A_59] : memref<400000xf32, #tpu.memory_space<hbm>> -> memref<2000xf32, #tpu.memory_space<hbm>>
          %dma_start3A_60 = tpu.memref_slice %arg15[%mul3A_50] : memref<100000xf32, #tpu.memory_space<vmem_shared>> -> memref<2000xf32, #tpu.memory_space<vmem_shared>>
          tpu.enqueue_dma source(%dma_start3A_60 : memref<2000xf32, #tpu.memory_space<vmem_shared>>) target(%dma_start3A : memref<2000xf32, #tpu.memory_space<hbm>>) target_semaphore(%run_scoped3A : memref<!tpu.dma_semaphore, #tpu.memory_space<semaphore_mem>>)
          %dma_wait3A = tpu.memref_slice %arg6[%add3A_59] : memref<400000xf32, #tpu.memory_space<hbm>> -> memref<2000xf32, #tpu.memory_space<hbm>>
          %dma_wait3A_61 = tpu.memref_slice %arg15[%mul3A_50] : memref<100000xf32, #tpu.memory_space<vmem_shared>> -> memref<2000xf32, #tpu.memory_space<vmem_shared>>
          tpu.wait_dma2 semaphore(%run_scoped3A : memref<!tpu.dma_semaphore, #tpu.memory_space<semaphore_mem>>) src(%dma_wait3A_61 : memref<2000xf32, #tpu.memory_space<vmem_shared>>) dst(%dma_wait3A : memref<2000xf32, #tpu.memory_space<hbm>>)
          tpu.yield
        }) : () -> ()
      } else {
      }
      %scan3A_37 = arith.constant 0 : i32
      scf.yield %scan3A_37 : i32
    }
    %scan3A_29 = arith.constant 4 : i32
    return
  }
}

module attributes {stable_mosaic.version = 14 : i64} {
  func.func @_tc_prep_body(%arg0: memref<2x100000xf32, #tpu.memory_space<vmem>>, %arg1: memref<4x100000xf32, #tpu.memory_space<vmem>>, %arg2: memref<4x4xf32, #tpu.memory_space<vmem>>, %arg3: memref<100000xf32, #tpu.memory_space<vmem>>, %arg4: memref<4x100000xf32, #tpu.memory_space<vmem>>) attributes {dimension_semantics = [], scalar_prefetch = 0 : i64, scratch_operands = 0 : i64, tpu.core_type = #tpu.core_type<tc>} {
    %get3A = arith.constant 0 : index
    %get3A_0 = arith.constant 0 : index
    %get3A_1 = vector.load %arg0[%get3A, %get3A_0] : memref<2x100000xf32, #tpu.memory_space<vmem>>, vector<1x100000xf32>
    %get3A_2 = vector.shape_cast %get3A_1 : vector<1x100000xf32> to vector<100000xf32>
    %get3A_3 = arith.constant 1 : index
    %get3A_4 = arith.constant 0 : index
    %get3A_5 = vector.load %arg0[%get3A_3, %get3A_4] : memref<2x100000xf32, #tpu.memory_space<vmem>>, vector<1x100000xf32>
    %get3A_6 = vector.shape_cast %get3A_5 : vector<1x100000xf32> to vector<100000xf32>
    %add3A = arith.addf %get3A_2, %get3A_6 : vector<100000xf32>
    %add3A_7 = arith.constant 1.000000e+00 : f32
    %add3A_8 = vector.broadcast %add3A_7 : f32 to vector<100000xf32>
    %add3A_9 = arith.addf %add3A, %add3A_8 : vector<100000xf32>
    %gt3A = arith.constant 0.000000e+00 : f32
    %gt3A_10 = vector.broadcast %gt3A : f32 to vector<100000xf32>
    %gt3A_11 = arith.cmpf ogt, %add3A_9, %gt3A_10 : vector<100000xf32>
    %rsqrt3A = math.rsqrt %add3A_9 : vector<100000xf32>
    %jit3A = arith.constant 0.000000e+00 : f32
    %broadcast_in_dim3A = vector.broadcast %jit3A : f32 to vector<100000xf32>
    %select_n3A = arith.select %gt3A_11, %rsqrt3A, %broadcast_in_dim3A : vector<100000xi1>, vector<100000xf32>
    %get3A_12 = arith.constant 0 : index
    %get3A_13 = arith.constant 0 : index
    %get3A_14 = vector.load %arg1[%get3A_12, %get3A_13] : memref<4x100000xf32, #tpu.memory_space<vmem>>, vector<4x100000xf32>
    %get3A_15 = arith.constant 0 : index
    %get3A_16 = arith.constant 0 : index
    %get3A_17 = vector.load %arg2[%get3A_15, %get3A_16] : memref<4x4xf32, #tpu.memory_space<vmem>>, vector<4x4xf32>
    %swap3A = arith.constant 0 : index
    %swap3A_18 = vector.load %arg3[%swap3A] : memref<100000xf32, #tpu.memory_space<vmem>>, vector<100000xf32>
    tpu.vector_store %arg3[%swap3A], %select_n3A {strides = array<i32>} : memref<100000xf32, #tpu.memory_space<vmem>>, vector<100000xf32>,
    %slice3A = vector.extract_strided_slice %get3A_17 {offsets = [0, 0], sizes = [1, 1], strides = [1, 1]} : vector<4x4xf32> to vector<1x1xf32>
    %squeeze3A = vector.extract %slice3A[0, 0] : f32 from vector<1x1xf32>
    %slice3A_19 = vector.extract_strided_slice %get3A_14 {offsets = [0, 0], sizes = [1, 100000], strides = [1, 1]} : vector<4x100000xf32> to vector<1x100000xf32>
    %squeeze3A_20 = vector.shape_cast %slice3A_19 : vector<1x100000xf32> to vector<100000xf32>
    %mul3A = vector.broadcast %squeeze3A : f32 to vector<100000xf32>
    %mul3A_21 = arith.mulf %mul3A, %squeeze3A_20 : vector<100000xf32>
    %slice3A_22 = vector.extract_strided_slice %get3A_17 {offsets = [1, 0], sizes = [1, 1], strides = [1, 1]} : vector<4x4xf32> to vector<1x1xf32>
    %squeeze3A_23 = vector.extract %slice3A_22[0, 0] : f32 from vector<1x1xf32>
    %slice3A_24 = vector.extract_strided_slice %get3A_14 {offsets = [1, 0], sizes = [1, 100000], strides = [1, 1]} : vector<4x100000xf32> to vector<1x100000xf32>
    %squeeze3A_25 = vector.shape_cast %slice3A_24 : vector<1x100000xf32> to vector<100000xf32>
    %mul3A_26 = vector.broadcast %squeeze3A_23 : f32 to vector<100000xf32>
    %mul3A_27 = arith.mulf %mul3A_26, %squeeze3A_25 : vector<100000xf32>
    %add3A_28 = arith.addf %mul3A_21, %mul3A_27 : vector<100000xf32>
    %slice3A_29 = vector.extract_strided_slice %get3A_17 {offsets = [2, 0], sizes = [1, 1], strides = [1, 1]} : vector<4x4xf32> to vector<1x1xf32>
    %squeeze3A_30 = vector.extract %slice3A_29[0, 0] : f32 from vector<1x1xf32>
    %slice3A_31 = vector.extract_strided_slice %get3A_14 {offsets = [2, 0], sizes = [1, 100000], strides = [1, 1]} : vector<4x100000xf32> to vector<1x100000xf32>
    %squeeze3A_32 = vector.shape_cast %slice3A_31 : vector<1x100000xf32> to vector<100000xf32>
    %mul3A_33 = vector.broadcast %squeeze3A_30 : f32 to vector<100000xf32>
    %mul3A_34 = arith.mulf %mul3A_33, %squeeze3A_32 : vector<100000xf32>
    %add3A_35 = arith.addf %add3A_28, %mul3A_34 : vector<100000xf32>
    %slice3A_36 = vector.extract_strided_slice %get3A_17 {offsets = [3, 0], sizes = [1, 1], strides = [1, 1]} : vector<4x4xf32> to vector<1x1xf32>
    %squeeze3A_37 = vector.extract %slice3A_36[0, 0] : f32 from vector<1x1xf32>
    %slice3A_38 = vector.extract_strided_slice %get3A_14 {offsets = [3, 0], sizes = [1, 100000], strides = [1, 1]} : vector<4x100000xf32> to vector<1x100000xf32>
    %squeeze3A_39 = vector.shape_cast %slice3A_38 : vector<1x100000xf32> to vector<100000xf32>
    %mul3A_40 = vector.broadcast %squeeze3A_37 : f32 to vector<100000xf32>
    %mul3A_41 = arith.mulf %mul3A_40, %squeeze3A_39 : vector<100000xf32>
    %add3A_42 = arith.addf %add3A_35, %mul3A_41 : vector<100000xf32>
    %mul3A_43 = arith.mulf %select_n3A, %add3A_42 : vector<100000xf32>
    %swap3A_44 = arith.constant 0 : index
    %swap3A_45 = arith.constant 0 : index
    %swap3A_46 = vector.load %arg4[%swap3A_44, %swap3A_45] : memref<4x100000xf32, #tpu.memory_space<vmem>>, vector<1x100000xf32>
    %swap3A_47 = vector.shape_cast %swap3A_46 : vector<1x100000xf32> to vector<100000xf32>
    %swap3A_48 = vector.shape_cast %mul3A_43 : vector<100000xf32> to vector<1x100000xf32>
    tpu.vector_store %arg4[%swap3A_44, %swap3A_45], %swap3A_48 {strides = array<i32>} : memref<4x100000xf32, #tpu.memory_space<vmem>>, vector<1x100000xf32>,
    %slice3A_49 = vector.extract_strided_slice %get3A_17 {offsets = [0, 1], sizes = [1, 1], strides = [1, 1]} : vector<4x4xf32> to vector<1x1xf32>
    %squeeze3A_50 = vector.extract %slice3A_49[0, 0] : f32 from vector<1x1xf32>
    %slice3A_51 = vector.extract_strided_slice %get3A_14 {offsets = [0, 0], sizes = [1, 100000], strides = [1, 1]} : vector<4x100000xf32> to vector<1x100000xf32>
    %squeeze3A_52 = vector.shape_cast %slice3A_51 : vector<1x100000xf32> to vector<100000xf32>
    %mul3A_53 = vector.broadcast %squeeze3A_50 : f32 to vector<100000xf32>
    %mul3A_54 = arith.mulf %mul3A_53, %squeeze3A_52 : vector<100000xf32>
    %slice3A_55 = vector.extract_strided_slice %get3A_17 {offsets = [1, 1], sizes = [1, 1], strides = [1, 1]} : vector<4x4xf32> to vector<1x1xf32>
    %squeeze3A_56 = vector.extract %slice3A_55[0, 0] : f32 from vector<1x1xf32>
    %slice3A_57 = vector.extract_strided_slice %get3A_14 {offsets = [1, 0], sizes = [1, 100000], strides = [1, 1]} : vector<4x100000xf32> to vector<1x100000xf32>
    %squeeze3A_58 = vector.shape_cast %slice3A_57 : vector<1x100000xf32> to vector<100000xf32>
    %mul3A_59 = vector.broadcast %squeeze3A_56 : f32 to vector<100000xf32>
    %mul3A_60 = arith.mulf %mul3A_59, %squeeze3A_58 : vector<100000xf32>
    %add3A_61 = arith.addf %mul3A_54, %mul3A_60 : vector<100000xf32>
    %slice3A_62 = vector.extract_strided_slice %get3A_17 {offsets = [2, 1], sizes = [1, 1], strides = [1, 1]} : vector<4x4xf32> to vector<1x1xf32>
    %squeeze3A_63 = vector.extract %slice3A_62[0, 0] : f32 from vector<1x1xf32>
    %slice3A_64 = vector.extract_strided_slice %get3A_14 {offsets = [2, 0], sizes = [1, 100000], strides = [1, 1]} : vector<4x100000xf32> to vector<1x100000xf32>
    %squeeze3A_65 = vector.shape_cast %slice3A_64 : vector<1x100000xf32> to vector<100000xf32>
    %mul3A_66 = vector.broadcast %squeeze3A_63 : f32 to vector<100000xf32>
    %mul3A_67 = arith.mulf %mul3A_66, %squeeze3A_65 : vector<100000xf32>
    %add3A_68 = arith.addf %add3A_61, %mul3A_67 : vector<100000xf32>
    %slice3A_69 = vector.extract_strided_slice %get3A_17 {offsets = [3, 1], sizes = [1, 1], strides = [1, 1]} : vector<4x4xf32> to vector<1x1xf32>
    %squeeze3A_70 = vector.extract %slice3A_69[0, 0] : f32 from vector<1x1xf32>
    %slice3A_71 = vector.extract_strided_slice %get3A_14 {offsets = [3, 0], sizes = [1, 100000], strides = [1, 1]} : vector<4x100000xf32> to vector<1x100000xf32>
    %squeeze3A_72 = vector.shape_cast %slice3A_71 : vector<1x100000xf32> to vector<100000xf32>
    %mul3A_73 = vector.broadcast %squeeze3A_70 : f32 to vector<100000xf32>
    %mul3A_74 = arith.mulf %mul3A_73, %squeeze3A_72 : vector<100000xf32>
    %add3A_75 = arith.addf %add3A_68, %mul3A_74 : vector<100000xf32>
    %mul3A_76 = arith.mulf %select_n3A, %add3A_75 : vector<100000xf32>
    %swap3A_77 = arith.constant 1 : index
    %swap3A_78 = arith.constant 0 : index
    %swap3A_79 = vector.load %arg4[%swap3A_77, %swap3A_78] : memref<4x100000xf32, #tpu.memory_space<vmem>>, vector<1x100000xf32>
    %swap3A_80 = vector.shape_cast %swap3A_79 : vector<1x100000xf32> to vector<100000xf32>
    %swap3A_81 = vector.shape_cast %mul3A_76 : vector<100000xf32> to vector<1x100000xf32>
    tpu.vector_store %arg4[%swap3A_77, %swap3A_78], %swap3A_81 {strides = array<i32>} : memref<4x100000xf32, #tpu.memory_space<vmem>>, vector<1x100000xf32>,
    %slice3A_82 = vector.extract_strided_slice %get3A_17 {offsets = [0, 2], sizes = [1, 1], strides = [1, 1]} : vector<4x4xf32> to vector<1x1xf32>
    %squeeze3A_83 = vector.extract %slice3A_82[0, 0] : f32 from vector<1x1xf32>
    %slice3A_84 = vector.extract_strided_slice %get3A_14 {offsets = [0, 0], sizes = [1, 100000], strides = [1, 1]} : vector<4x100000xf32> to vector<1x100000xf32>
    %squeeze3A_85 = vector.shape_cast %slice3A_84 : vector<1x100000xf32> to vector<100000xf32>
    %mul3A_86 = vector.broadcast %squeeze3A_83 : f32 to vector<100000xf32>
    %mul3A_87 = arith.mulf %mul3A_86, %squeeze3A_85 : vector<100000xf32>
    %slice3A_88 = vector.extract_strided_slice %get3A_17 {offsets = [1, 2], sizes = [1, 1], strides = [1, 1]} : vector<4x4xf32> to vector<1x1xf32>
    %squeeze3A_89 = vector.extract %slice3A_88[0, 0] : f32 from vector<1x1xf32>
    %slice3A_90 = vector.extract_strided_slice %get3A_14 {offsets = [1, 0], sizes = [1, 100000], strides = [1, 1]} : vector<4x100000xf32> to vector<1x100000xf32>
    %squeeze3A_91 = vector.shape_cast %slice3A_90 : vector<1x100000xf32> to vector<100000xf32>
    %mul3A_92 = vector.broadcast %squeeze3A_89 : f32 to vector<100000xf32>
    %mul3A_93 = arith.mulf %mul3A_92, %squeeze3A_91 : vector<100000xf32>
    %add3A_94 = arith.addf %mul3A_87, %mul3A_93 : vector<100000xf32>
    %slice3A_95 = vector.extract_strided_slice %get3A_17 {offsets = [2, 2], sizes = [1, 1], strides = [1, 1]} : vector<4x4xf32> to vector<1x1xf32>
    %squeeze3A_96 = vector.extract %slice3A_95[0, 0] : f32 from vector<1x1xf32>
    %slice3A_97 = vector.extract_strided_slice %get3A_14 {offsets = [2, 0], sizes = [1, 100000], strides = [1, 1]} : vector<4x100000xf32> to vector<1x100000xf32>
    %squeeze3A_98 = vector.shape_cast %slice3A_97 : vector<1x100000xf32> to vector<100000xf32>
    %mul3A_99 = vector.broadcast %squeeze3A_96 : f32 to vector<100000xf32>
    %mul3A_100 = arith.mulf %mul3A_99, %squeeze3A_98 : vector<100000xf32>
    %add3A_101 = arith.addf %add3A_94, %mul3A_100 : vector<100000xf32>
    %slice3A_102 = vector.extract_strided_slice %get3A_17 {offsets = [3, 2], sizes = [1, 1], strides = [1, 1]} : vector<4x4xf32> to vector<1x1xf32>
    %squeeze3A_103 = vector.extract %slice3A_102[0, 0] : f32 from vector<1x1xf32>
    %slice3A_104 = vector.extract_strided_slice %get3A_14 {offsets = [3, 0], sizes = [1, 100000], strides = [1, 1]} : vector<4x100000xf32> to vector<1x100000xf32>
    %squeeze3A_105 = vector.shape_cast %slice3A_104 : vector<1x100000xf32> to vector<100000xf32>
    %mul3A_106 = vector.broadcast %squeeze3A_103 : f32 to vector<100000xf32>
    %mul3A_107 = arith.mulf %mul3A_106, %squeeze3A_105 : vector<100000xf32>
    %add3A_108 = arith.addf %add3A_101, %mul3A_107 : vector<100000xf32>
    %mul3A_109 = arith.mulf %select_n3A, %add3A_108 : vector<100000xf32>
    %swap3A_110 = arith.constant 2 : index
    %swap3A_111 = arith.constant 0 : index
    %swap3A_112 = vector.load %arg4[%swap3A_110, %swap3A_111] : memref<4x100000xf32, #tpu.memory_space<vmem>>, vector<1x100000xf32>
    %swap3A_113 = vector.shape_cast %swap3A_112 : vector<1x100000xf32> to vector<100000xf32>
    %swap3A_114 = vector.shape_cast %mul3A_109 : vector<100000xf32> to vector<1x100000xf32>
    tpu.vector_store %arg4[%swap3A_110, %swap3A_111], %swap3A_114 {strides = array<i32>} : memref<4x100000xf32, #tpu.memory_space<vmem>>, vector<1x100000xf32>,
    %slice3A_115 = vector.extract_strided_slice %get3A_17 {offsets = [0, 3], sizes = [1, 1], strides = [1, 1]} : vector<4x4xf32> to vector<1x1xf32>
    %squeeze3A_116 = vector.extract %slice3A_115[0, 0] : f32 from vector<1x1xf32>
    %slice3A_117 = vector.extract_strided_slice %get3A_14 {offsets = [0, 0], sizes = [1, 100000], strides = [1, 1]} : vector<4x100000xf32> to vector<1x100000xf32>
    %squeeze3A_118 = vector.shape_cast %slice3A_117 : vector<1x100000xf32> to vector<100000xf32>
    %mul3A_119 = vector.broadcast %squeeze3A_116 : f32 to vector<100000xf32>
    %mul3A_120 = arith.mulf %mul3A_119, %squeeze3A_118 : vector<100000xf32>
    %slice3A_121 = vector.extract_strided_slice %get3A_17 {offsets = [1, 3], sizes = [1, 1], strides = [1, 1]} : vector<4x4xf32> to vector<1x1xf32>
    %squeeze3A_122 = vector.extract %slice3A_121[0, 0] : f32 from vector<1x1xf32>
    %slice3A_123 = vector.extract_strided_slice %get3A_14 {offsets = [1, 0], sizes = [1, 100000], strides = [1, 1]} : vector<4x100000xf32> to vector<1x100000xf32>
    %squeeze3A_124 = vector.shape_cast %slice3A_123 : vector<1x100000xf32> to vector<100000xf32>
    %mul3A_125 = vector.broadcast %squeeze3A_122 : f32 to vector<100000xf32>
    %mul3A_126 = arith.mulf %mul3A_125, %squeeze3A_124 : vector<100000xf32>
    %add3A_127 = arith.addf %mul3A_120, %mul3A_126 : vector<100000xf32>
    %slice3A_128 = vector.extract_strided_slice %get3A_17 {offsets = [2, 3], sizes = [1, 1], strides = [1, 1]} : vector<4x4xf32> to vector<1x1xf32>
    %squeeze3A_129 = vector.extract %slice3A_128[0, 0] : f32 from vector<1x1xf32>
    %slice3A_130 = vector.extract_strided_slice %get3A_14 {offsets = [2, 0], sizes = [1, 100000], strides = [1, 1]} : vector<4x100000xf32> to vector<1x100000xf32>
    %squeeze3A_131 = vector.shape_cast %slice3A_130 : vector<1x100000xf32> to vector<100000xf32>
    %mul3A_132 = vector.broadcast %squeeze3A_129 : f32 to vector<100000xf32>
    %mul3A_133 = arith.mulf %mul3A_132, %squeeze3A_131 : vector<100000xf32>
    %add3A_134 = arith.addf %add3A_127, %mul3A_133 : vector<100000xf32>
    %slice3A_135 = vector.extract_strided_slice %get3A_17 {offsets = [3, 3], sizes = [1, 1], strides = [1, 1]} : vector<4x4xf32> to vector<1x1xf32>
    %squeeze3A_136 = vector.extract %slice3A_135[0, 0] : f32 from vector<1x1xf32>
    %slice3A_137 = vector.extract_strided_slice %get3A_14 {offsets = [3, 0], sizes = [1, 100000], strides = [1, 1]} : vector<4x100000xf32> to vector<1x100000xf32>
    %squeeze3A_138 = vector.shape_cast %slice3A_137 : vector<1x100000xf32> to vector<100000xf32>
    %mul3A_139 = vector.broadcast %squeeze3A_136 : f32 to vector<100000xf32>
    %mul3A_140 = arith.mulf %mul3A_139, %squeeze3A_138 : vector<100000xf32>
    %add3A_141 = arith.addf %add3A_134, %mul3A_140 : vector<100000xf32>
    %mul3A_142 = arith.mulf %select_n3A, %add3A_141 : vector<100000xf32>
    %swap3A_143 = arith.constant 3 : index
    %swap3A_144 = arith.constant 0 : index
    %swap3A_145 = vector.load %arg4[%swap3A_143, %swap3A_144] : memref<4x100000xf32, #tpu.memory_space<vmem>>, vector<1x100000xf32>
    %swap3A_146 = vector.shape_cast %swap3A_145 : vector<1x100000xf32> to vector<100000xf32>
    %swap3A_147 = vector.shape_cast %mul3A_142 : vector<100000xf32> to vector<1x100000xf32>
    tpu.vector_store %arg4[%swap3A_143, %swap3A_144], %swap3A_147 {strides = array<i32>} : memref<4x100000xf32, #tpu.memory_space<vmem>>, vector<1x100000xf32>,
    return
  }
}

module attributes {stable_mosaic.version = 14 : i64} {
  func.func @_tc_mid_body(%arg0: memref<2x4x100000xf32, #tpu.memory_space<vmem>>, %arg1: memref<4x100000xf32, #tpu.memory_space<vmem>>, %arg2: memref<100000xf32, #tpu.memory_space<vmem>>, %arg3: memref<4x2xf32, #tpu.memory_space<vmem>>, %arg4: memref<4xf32, #tpu.memory_space<vmem>>, %arg5: memref<2x100000xf32, #tpu.memory_space<vmem>>) attributes {dimension_semantics = [], scalar_prefetch = 0 : i64, scratch_operands = 0 : i64, tpu.core_type = #tpu.core_type<tc>} {
    %get3A = arith.constant 0 : index
    %get3A_0 = vector.load %arg2[%get3A] : memref<100000xf32, #tpu.memory_space<vmem>>, vector<100000xf32>
    %get3A_1 = arith.constant 0 : index
    %get3A_2 = arith.constant 0 : index
    %get3A_3 = vector.load %arg3[%get3A_1, %get3A_2] : memref<4x2xf32, #tpu.memory_space<vmem>>, vector<4x2xf32>
    %get3A_4 = arith.constant 0 : index
    %get3A_5 = arith.constant 0 : index
    %get3A_6 = arith.constant 0 : index
    %get3A_7 = vector.load %arg0[%get3A_4, %get3A_5, %get3A_6] : memref<2x4x100000xf32, #tpu.memory_space<vmem>>, vector<1x1x100000xf32>
    %get3A_8 = vector.shape_cast %get3A_7 : vector<1x1x100000xf32> to vector<100000xf32>
    %get3A_9 = arith.constant 1 : index
    %get3A_10 = arith.constant 0 : index
    %get3A_11 = arith.constant 0 : index
    %get3A_12 = vector.load %arg0[%get3A_9, %get3A_10, %get3A_11] : memref<2x4x100000xf32, #tpu.memory_space<vmem>>, vector<1x1x100000xf32>
    %get3A_13 = vector.shape_cast %get3A_12 : vector<1x1x100000xf32> to vector<100000xf32>
    %add3A = arith.addf %get3A_8, %get3A_13 : vector<100000xf32>
    %get3A_14 = arith.constant 0 : index
    %get3A_15 = arith.constant 0 : index
    %get3A_16 = vector.load %arg1[%get3A_14, %get3A_15] : memref<4x100000xf32, #tpu.memory_space<vmem>>, vector<1x100000xf32>
    %get3A_17 = vector.shape_cast %get3A_16 : vector<1x100000xf32> to vector<100000xf32>
    %add3A_18 = arith.addf %add3A, %get3A_17 : vector<100000xf32>
    %mul3A = arith.mulf %get3A_0, %add3A_18 : vector<100000xf32>
    %get3A_19 = arith.constant 0 : index
    %get3A_20 = vector.load %arg4[%get3A_19] : memref<4xf32, #tpu.memory_space<vmem>>, vector<1xf32>
    %get3A_21 = vector.extract %get3A_20[0] : f32 from vector<1xf32>
    %add3A_22 = vector.broadcast %get3A_21 : f32 to vector<100000xf32>
    %add3A_23 = arith.addf %mul3A, %add3A_22 : vector<100000xf32>
    %max3A = arith.constant 0.000000e+00 : f32
    %max3A_24 = vector.broadcast %max3A : f32 to vector<100000xf32>
    %max3A_25 = arith.maximumf %add3A_23, %max3A_24 : vector<100000xf32>
    %get3A_26 = arith.constant 0 : index
    %get3A_27 = arith.constant 1 : index
    %get3A_28 = arith.constant 0 : index
    %get3A_29 = vector.load %arg0[%get3A_26, %get3A_27, %get3A_28] : memref<2x4x100000xf32, #tpu.memory_space<vmem>>, vector<1x1x100000xf32>
    %get3A_30 = vector.shape_cast %get3A_29 : vector<1x1x100000xf32> to vector<100000xf32>
    %get3A_31 = arith.constant 1 : index
    %get3A_32 = arith.constant 1 : index
    %get3A_33 = arith.constant 0 : index
    %get3A_34 = vector.load %arg0[%get3A_31, %get3A_32, %get3A_33] : memref<2x4x100000xf32, #tpu.memory_space<vmem>>, vector<1x1x100000xf32>
    %get3A_35 = vector.shape_cast %get3A_34 : vector<1x1x100000xf32> to vector<100000xf32>
    %add3A_36 = arith.addf %get3A_30, %get3A_35 : vector<100000xf32>
    %get3A_37 = arith.constant 1 : index
    %get3A_38 = arith.constant 0 : index
    %get3A_39 = vector.load %arg1[%get3A_37, %get3A_38] : memref<4x100000xf32, #tpu.memory_space<vmem>>, vector<1x100000xf32>
    %get3A_40 = vector.shape_cast %get3A_39 : vector<1x100000xf32> to vector<100000xf32>
    %add3A_41 = arith.addf %add3A_36, %get3A_40 : vector<100000xf32>
    %mul3A_42 = arith.mulf %get3A_0, %add3A_41 : vector<100000xf32>
    %get3A_43 = arith.constant 1 : index
    %get3A_44 = vector.load %arg4[%get3A_43] : memref<4xf32, #tpu.memory_space<vmem>>, vector<1xf32>
    %get3A_45 = vector.extract %get3A_44[0] : f32 from vector<1xf32>
    %add3A_46 = vector.broadcast %get3A_45 : f32 to vector<100000xf32>
    %add3A_47 = arith.addf %mul3A_42, %add3A_46 : vector<100000xf32>
    %max3A_48 = arith.constant 0.000000e+00 : f32
    %max3A_49 = vector.broadcast %max3A_48 : f32 to vector<100000xf32>
    %max3A_50 = arith.maximumf %add3A_47, %max3A_49 : vector<100000xf32>
    %get3A_51 = arith.constant 0 : index
    %get3A_52 = arith.constant 2 : index
    %get3A_53 = arith.constant 0 : index
    %get3A_54 = vector.load %arg0[%get3A_51, %get3A_52, %get3A_53] : memref<2x4x100000xf32, #tpu.memory_space<vmem>>, vector<1x1x100000xf32>
    %get3A_55 = vector.shape_cast %get3A_54 : vector<1x1x100000xf32> to vector<100000xf32>
    %get3A_56 = arith.constant 1 : index
    %get3A_57 = arith.constant 2 : index
    %get3A_58 = arith.constant 0 : index
    %get3A_59 = vector.load %arg0[%get3A_56, %get3A_57, %get3A_58] : memref<2x4x100000xf32, #tpu.memory_space<vmem>>, vector<1x1x100000xf32>
    %get3A_60 = vector.shape_cast %get3A_59 : vector<1x1x100000xf32> to vector<100000xf32>
    %add3A_61 = arith.addf %get3A_55, %get3A_60 : vector<100000xf32>
    %get3A_62 = arith.constant 2 : index
    %get3A_63 = arith.constant 0 : index
    %get3A_64 = vector.load %arg1[%get3A_62, %get3A_63] : memref<4x100000xf32, #tpu.memory_space<vmem>>, vector<1x100000xf32>
    %get3A_65 = vector.shape_cast %get3A_64 : vector<1x100000xf32> to vector<100000xf32>
    %add3A_66 = arith.addf %add3A_61, %get3A_65 : vector<100000xf32>
    %mul3A_67 = arith.mulf %get3A_0, %add3A_66 : vector<100000xf32>
    %get3A_68 = arith.constant 2 : index
    %get3A_69 = vector.load %arg4[%get3A_68] : memref<4xf32, #tpu.memory_space<vmem>>, vector<1xf32>
    %get3A_70 = vector.extract %get3A_69[0] : f32 from vector<1xf32>
    %add3A_71 = vector.broadcast %get3A_70 : f32 to vector<100000xf32>
    %add3A_72 = arith.addf %mul3A_67, %add3A_71 : vector<100000xf32>
    %max3A_73 = arith.constant 0.000000e+00 : f32
    %max3A_74 = vector.broadcast %max3A_73 : f32 to vector<100000xf32>
    %max3A_75 = arith.maximumf %add3A_72, %max3A_74 : vector<100000xf32>
    %get3A_76 = arith.constant 0 : index
    %get3A_77 = arith.constant 3 : index
    %get3A_78 = arith.constant 0 : index
    %get3A_79 = vector.load %arg0[%get3A_76, %get3A_77, %get3A_78] : memref<2x4x100000xf32, #tpu.memory_space<vmem>>, vector<1x1x100000xf32>
    %get3A_80 = vector.shape_cast %get3A_79 : vector<1x1x100000xf32> to vector<100000xf32>
    %get3A_81 = arith.constant 1 : index
    %get3A_82 = arith.constant 3 : index
    %get3A_83 = arith.constant 0 : index
    %get3A_84 = vector.load %arg0[%get3A_81, %get3A_82, %get3A_83] : memref<2x4x100000xf32, #tpu.memory_space<vmem>>, vector<1x1x100000xf32>
    %get3A_85 = vector.shape_cast %get3A_84 : vector<1x1x100000xf32> to vector<100000xf32>
    %add3A_86 = arith.addf %get3A_80, %get3A_85 : vector<100000xf32>
    %get3A_87 = arith.constant 3 : index
    %get3A_88 = arith.constant 0 : index
    %get3A_89 = vector.load %arg1[%get3A_87, %get3A_88] : memref<4x100000xf32, #tpu.memory_space<vmem>>, vector<1x100000xf32>
    %get3A_90 = vector.shape_cast %get3A_89 : vector<1x100000xf32> to vector<100000xf32>
    %add3A_91 = arith.addf %add3A_86, %get3A_90 : vector<100000xf32>
    %mul3A_92 = arith.mulf %get3A_0, %add3A_91 : vector<100000xf32>
    %get3A_93 = arith.constant 3 : index
    %get3A_94 = vector.load %arg4[%get3A_93] : memref<4xf32, #tpu.memory_space<vmem>>, vector<1xf32>
    %get3A_95 = vector.extract %get3A_94[0] : f32 from vector<1xf32>
    %add3A_96 = vector.broadcast %get3A_95 : f32 to vector<100000xf32>
    %add3A_97 = arith.addf %mul3A_92, %add3A_96 : vector<100000xf32>
    %max3A_98 = arith.constant 0.000000e+00 : f32
    %max3A_99 = vector.broadcast %max3A_98 : f32 to vector<100000xf32>
    %max3A_100 = arith.maximumf %add3A_97, %max3A_99 : vector<100000xf32>
    %slice3A = vector.extract_strided_slice %get3A_3 {offsets = [0, 0], sizes = [1, 1], strides = [1, 1]} : vector<4x2xf32> to vector<1x1xf32>
    %squeeze3A = vector.extract %slice3A[0, 0] : f32 from vector<1x1xf32>
    %mul3A_101 = vector.broadcast %squeeze3A : f32 to vector<100000xf32>
    %mul3A_102 = arith.mulf %mul3A_101, %max3A_25 : vector<100000xf32>
    %slice3A_103 = vector.extract_strided_slice %get3A_3 {offsets = [1, 0], sizes = [1, 1], strides = [1, 1]} : vector<4x2xf32> to vector<1x1xf32>
    %squeeze3A_104 = vector.extract %slice3A_103[0, 0] : f32 from vector<1x1xf32>
    %mul3A_105 = vector.broadcast %squeeze3A_104 : f32 to vector<100000xf32>
    %mul3A_106 = arith.mulf %mul3A_105, %max3A_50 : vector<100000xf32>
    %add3A_107 = arith.addf %mul3A_102, %mul3A_106 : vector<100000xf32>
    %slice3A_108 = vector.extract_strided_slice %get3A_3 {offsets = [2, 0], sizes = [1, 1], strides = [1, 1]} : vector<4x2xf32> to vector<1x1xf32>
    %squeeze3A_109 = vector.extract %slice3A_108[0, 0] : f32 from vector<1x1xf32>
    %mul3A_110 = vector.broadcast %squeeze3A_109 : f32 to vector<100000xf32>
    %mul3A_111 = arith.mulf %mul3A_110, %max3A_75 : vector<100000xf32>
    %add3A_112 = arith.addf %add3A_107, %mul3A_111 : vector<100000xf32>
    %slice3A_113 = vector.extract_strided_slice %get3A_3 {offsets = [3, 0], sizes = [1, 1], strides = [1, 1]} : vector<4x2xf32> to vector<1x1xf32>
    %squeeze3A_114 = vector.extract %slice3A_113[0, 0] : f32 from vector<1x1xf32>
    %mul3A_115 = vector.broadcast %squeeze3A_114 : f32 to vector<100000xf32>
    %mul3A_116 = arith.mulf %mul3A_115, %max3A_100 : vector<100000xf32>
    %add3A_117 = arith.addf %add3A_112, %mul3A_116 : vector<100000xf32>
    %mul3A_118 = arith.mulf %get3A_0, %add3A_117 : vector<100000xf32>
    %swap3A = arith.constant 0 : index
    %swap3A_119 = arith.constant 0 : index
    %swap3A_120 = vector.load %arg5[%swap3A, %swap3A_119] : memref<2x100000xf32, #tpu.memory_space<vmem>>, vector<1x100000xf32>
    %swap3A_121 = vector.shape_cast %swap3A_120 : vector<1x100000xf32> to vector<100000xf32>
    %swap3A_122 = vector.shape_cast %mul3A_118 : vector<100000xf32> to vector<1x100000xf32>
    tpu.vector_store %arg5[%swap3A, %swap3A_119], %swap3A_122 {strides = array<i32>} : memref<2x100000xf32, #tpu.memory_space<vmem>>, vector<1x100000xf32>,
    %slice3A_123 = vector.extract_strided_slice %get3A_3 {offsets = [0, 1], sizes = [1, 1], strides = [1, 1]} : vector<4x2xf32> to vector<1x1xf32>
    %squeeze3A_124 = vector.extract %slice3A_123[0, 0] : f32 from vector<1x1xf32>
    %mul3A_125 = vector.broadcast %squeeze3A_124 : f32 to vector<100000xf32>
    %mul3A_126 = arith.mulf %mul3A_125, %max3A_25 : vector<100000xf32>
    %slice3A_127 = vector.extract_strided_slice %get3A_3 {offsets = [1, 1], sizes = [1, 1], strides = [1, 1]} : vector<4x2xf32> to vector<1x1xf32>
    %squeeze3A_128 = vector.extract %slice3A_127[0, 0] : f32 from vector<1x1xf32>
    %mul3A_129 = vector.broadcast %squeeze3A_128 : f32 to vector<100000xf32>
    %mul3A_130 = arith.mulf %mul3A_129, %max3A_50 : vector<100000xf32>
    %add3A_131 = arith.addf %mul3A_126, %mul3A_130 : vector<100000xf32>
    %slice3A_132 = vector.extract_strided_slice %get3A_3 {offsets = [2, 1], sizes = [1, 1], strides = [1, 1]} : vector<4x2xf32> to vector<1x1xf32>
    %squeeze3A_133 = vector.extract %slice3A_132[0, 0] : f32 from vector<1x1xf32>
    %mul3A_134 = vector.broadcast %squeeze3A_133 : f32 to vector<100000xf32>
    %mul3A_135 = arith.mulf %mul3A_134, %max3A_75 : vector<100000xf32>
    %add3A_136 = arith.addf %add3A_131, %mul3A_135 : vector<100000xf32>
    %slice3A_137 = vector.extract_strided_slice %get3A_3 {offsets = [3, 1], sizes = [1, 1], strides = [1, 1]} : vector<4x2xf32> to vector<1x1xf32>
    %squeeze3A_138 = vector.extract %slice3A_137[0, 0] : f32 from vector<1x1xf32>
    %mul3A_139 = vector.broadcast %squeeze3A_138 : f32 to vector<100000xf32>
    %mul3A_140 = arith.mulf %mul3A_139, %max3A_100 : vector<100000xf32>
    %add3A_141 = arith.addf %add3A_136, %mul3A_140 : vector<100000xf32>
    %mul3A_142 = arith.mulf %get3A_0, %add3A_141 : vector<100000xf32>
    %swap3A_143 = arith.constant 1 : index
    %swap3A_144 = arith.constant 0 : index
    %swap3A_145 = vector.load %arg5[%swap3A_143, %swap3A_144] : memref<2x100000xf32, #tpu.memory_space<vmem>>, vector<1x100000xf32>
    %swap3A_146 = vector.shape_cast %swap3A_145 : vector<1x100000xf32> to vector<100000xf32>
    %swap3A_147 = vector.shape_cast %mul3A_142 : vector<100000xf32> to vector<1x100000xf32>
    tpu.vector_store %arg5[%swap3A_143, %swap3A_144], %swap3A_147 {strides = array<i32>} : memref<2x100000xf32, #tpu.memory_space<vmem>>, vector<1x100000xf32>,
    return
  }
}

module attributes {stable_mosaic.version = 14 : i64} {
  func.func @_tc_final_body(%arg0: memref<2x2x100000xf32, #tpu.memory_space<vmem>>, %arg1: memref<2x100000xf32, #tpu.memory_space<vmem>>, %arg2: memref<100000xf32, #tpu.memory_space<vmem>>, %arg3: memref<2xf32, #tpu.memory_space<vmem>>, %arg4: memref<100000xi32, #tpu.memory_space<vmem>>, %arg5: memref<64x4xf32, #tpu.memory_space<vmem>>, %arg6: memref<6x1xf32, #tpu.memory_space<vmem>>, %arg7: memref<1xf32, #tpu.memory_space<vmem>>, %arg8: memref<64x1xf32, #tpu.memory_space<vmem>>) attributes {dimension_semantics = [], scalar_prefetch = 0 : i64, scratch_operands = 0 : i64, tpu.core_type = #tpu.core_type<tc>} {
    %get3A = arith.constant 0 : index
    %get3A_0 = vector.load %arg2[%get3A] : memref<100000xf32, #tpu.memory_space<vmem>>, vector<100000xf32>
    %get3A_1 = arith.constant 0 : index
    %get3A_2 = arith.constant 0 : index
    %get3A_3 = arith.constant 0 : index
    %get3A_4 = vector.load %arg0[%get3A_1, %get3A_2, %get3A_3] : memref<2x2x100000xf32, #tpu.memory_space<vmem>>, vector<1x1x100000xf32>
    %get3A_5 = vector.shape_cast %get3A_4 : vector<1x1x100000xf32> to vector<100000xf32>
    %get3A_6 = arith.constant 1 : index
    %get3A_7 = arith.constant 0 : index
    %get3A_8 = arith.constant 0 : index
    %get3A_9 = vector.load %arg0[%get3A_6, %get3A_7, %get3A_8] : memref<2x2x100000xf32, #tpu.memory_space<vmem>>, vector<1x1x100000xf32>
    %get3A_10 = vector.shape_cast %get3A_9 : vector<1x1x100000xf32> to vector<100000xf32>
    %add3A = arith.addf %get3A_5, %get3A_10 : vector<100000xf32>
    %get3A_11 = arith.constant 0 : index
    %get3A_12 = arith.constant 0 : index
    %get3A_13 = vector.load %arg1[%get3A_11, %get3A_12] : memref<2x100000xf32, #tpu.memory_space<vmem>>, vector<1x100000xf32>
    %get3A_14 = vector.shape_cast %get3A_13 : vector<1x100000xf32> to vector<100000xf32>
    %add3A_15 = arith.addf %add3A, %get3A_14 : vector<100000xf32>
    %mul3A = arith.mulf %get3A_0, %add3A_15 : vector<100000xf32>
    %get3A_16 = arith.constant 0 : index
    %get3A_17 = vector.load %arg3[%get3A_16] : memref<2xf32, #tpu.memory_space<vmem>>, vector<1xf32>
    %get3A_18 = vector.extract %get3A_17[0] : f32 from vector<1xf32>
    %add3A_19 = vector.broadcast %get3A_18 : f32 to vector<100000xf32>
    %add3A_20 = arith.addf %mul3A, %add3A_19 : vector<100000xf32>
    %max3A = arith.constant 0.000000e+00 : f32
    %max3A_21 = vector.broadcast %max3A : f32 to vector<100000xf32>
    %max3A_22 = arith.maximumf %add3A_20, %max3A_21 : vector<100000xf32>
    %get3A_23 = arith.constant 0 : index
    %get3A_24 = arith.constant 1 : index
    %get3A_25 = arith.constant 0 : index
    %get3A_26 = vector.load %arg0[%get3A_23, %get3A_24, %get3A_25] : memref<2x2x100000xf32, #tpu.memory_space<vmem>>, vector<1x1x100000xf32>
    %get3A_27 = vector.shape_cast %get3A_26 : vector<1x1x100000xf32> to vector<100000xf32>
    %get3A_28 = arith.constant 1 : index
    %get3A_29 = arith.constant 1 : index
    %get3A_30 = arith.constant 0 : index
    %get3A_31 = vector.load %arg0[%get3A_28, %get3A_29, %get3A_30] : memref<2x2x100000xf32, #tpu.memory_space<vmem>>, vector<1x1x100000xf32>
    %get3A_32 = vector.shape_cast %get3A_31 : vector<1x1x100000xf32> to vector<100000xf32>
    %add3A_33 = arith.addf %get3A_27, %get3A_32 : vector<100000xf32>
    %get3A_34 = arith.constant 1 : index
    %get3A_35 = arith.constant 0 : index
    %get3A_36 = vector.load %arg1[%get3A_34, %get3A_35] : memref<2x100000xf32, #tpu.memory_space<vmem>>, vector<1x100000xf32>
    %get3A_37 = vector.shape_cast %get3A_36 : vector<1x100000xf32> to vector<100000xf32>
    %add3A_38 = arith.addf %add3A_33, %get3A_37 : vector<100000xf32>
    %mul3A_39 = arith.mulf %get3A_0, %add3A_38 : vector<100000xf32>
    %get3A_40 = arith.constant 1 : index
    %get3A_41 = vector.load %arg3[%get3A_40] : memref<2xf32, #tpu.memory_space<vmem>>, vector<1xf32>
    %get3A_42 = vector.extract %get3A_41[0] : f32 from vector<1xf32>
    %add3A_43 = vector.broadcast %get3A_42 : f32 to vector<100000xf32>
    %add3A_44 = arith.addf %mul3A_39, %add3A_43 : vector<100000xf32>
    %max3A_45 = arith.constant 0.000000e+00 : f32
    %max3A_46 = vector.broadcast %max3A_45 : f32 to vector<100000xf32>
    %max3A_47 = arith.maximumf %add3A_44, %max3A_46 : vector<100000xf32>
    %iota3A = tpu.iota {dimensions = array<i32: 0>} : vector<64x1xi32>
    %broadcast_in_dim3A = arith.constant 0.000000e+00 : f32
    %broadcast_in_dim3A_48 = vector.broadcast %broadcast_in_dim3A : f32 to vector<64xf32>
    %broadcast_in_dim3A_49 = arith.constant 0.000000e+00 : f32
    %broadcast_in_dim3A_50 = vector.broadcast %broadcast_in_dim3A_49 : f32 to vector<64xf32>
    %broadcast_in_dim3A_51 = arith.constant 0.000000e+00 : f32
    %broadcast_in_dim3A_52 = vector.broadcast %broadcast_in_dim3A_51 : f32 to vector<64xf32>
    %get3A_53 = arith.constant 0 : index
    %get3A_54 = vector.load %arg4[%get3A_53] : memref<100000xi32, #tpu.memory_space<vmem>>, vector<100000xi32>
    %slice3A = vector.extract_strided_slice %get3A_54 {offsets = [0], sizes = [12800], strides = [1]} : vector<100000xi32> to vector<12800xi32>
    %broadcast_in_dim3A_55 = vector.shape_cast %slice3A : vector<12800xi32> to vector<1x12800xi32>
    %eq3A = vector.broadcast %broadcast_in_dim3A_55 : vector<1x12800xi32> to vector<64x12800xi32>
    %eq3A_56 = vector.broadcast %iota3A : vector<64x1xi32> to vector<64x12800xi32>
    %eq3A_57 = arith.cmpi eq, %eq3A, %eq3A_56 : vector<64x12800xi32>
    %convert_element_type3A = arith.extui %eq3A_57 : vector<64x12800xi1> to vector<64x12800xi32>
    %convert_element_type3A_58 = arith.sitofp %convert_element_type3A : vector<64x12800xi32> to vector<64x12800xf32>
    %reduce_sum3A = arith.constant dense<0.000000e+00> : vector<64xf32>
    %reduce_sum3A_59 = vector.multi_reduction <add>, %convert_element_type3A_58, %reduce_sum3A [1] : vector<64x12800xf32> to vector<64xf32>
    %add3A_60 = arith.addf %broadcast_in_dim3A_48, %reduce_sum3A_59 : vector<64xf32>
    %slice3A_61 = vector.extract_strided_slice %max3A_22 {offsets = [0], sizes = [12800], strides = [1]} : vector<100000xf32> to vector<12800xf32>
    %broadcast_in_dim3A_62 = vector.shape_cast %slice3A_61 : vector<12800xf32> to vector<1x12800xf32>
    %mul3A_63 = vector.broadcast %broadcast_in_dim3A_62 : vector<1x12800xf32> to vector<64x12800xf32>
    %mul3A_64 = arith.mulf %convert_element_type3A_58, %mul3A_63 : vector<64x12800xf32>
    %reduce_sum3A_65 = arith.constant dense<0.000000e+00> : vector<64xf32>
    %reduce_sum3A_66 = vector.multi_reduction <add>, %mul3A_64, %reduce_sum3A_65 [1] : vector<64x12800xf32> to vector<64xf32>
    %add3A_67 = arith.addf %broadcast_in_dim3A_50, %reduce_sum3A_66 : vector<64xf32>
    %slice3A_68 = vector.extract_strided_slice %max3A_47 {offsets = [0], sizes = [12800], strides = [1]} : vector<100000xf32> to vector<12800xf32>
    %broadcast_in_dim3A_69 = vector.shape_cast %slice3A_68 : vector<12800xf32> to vector<1x12800xf32>
    %mul3A_70 = vector.broadcast %broadcast_in_dim3A_69 : vector<1x12800xf32> to vector<64x12800xf32>
    %mul3A_71 = arith.mulf %convert_element_type3A_58, %mul3A_70 : vector<64x12800xf32>
    %reduce_sum3A_72 = arith.constant dense<0.000000e+00> : vector<64xf32>
    %reduce_sum3A_73 = vector.multi_reduction <add>, %mul3A_71, %reduce_sum3A_72 [1] : vector<64x12800xf32> to vector<64xf32>
    %add3A_74 = arith.addf %broadcast_in_dim3A_52, %reduce_sum3A_73 : vector<64xf32>
    %get3A_75 = arith.constant 0 : index
    %get3A_76 = vector.load %arg4[%get3A_75] : memref<100000xi32, #tpu.memory_space<vmem>>, vector<100000xi32>
    %slice3A_77 = vector.extract_strided_slice %get3A_76 {offsets = [12800], sizes = [12800], strides = [1]} : vector<100000xi32> to vector<12800xi32>
    %broadcast_in_dim3A_78 = vector.shape_cast %slice3A_77 : vector<12800xi32> to vector<1x12800xi32>
    %eq3A_79 = vector.broadcast %broadcast_in_dim3A_78 : vector<1x12800xi32> to vector<64x12800xi32>
    %eq3A_80 = vector.broadcast %iota3A : vector<64x1xi32> to vector<64x12800xi32>
    %eq3A_81 = arith.cmpi eq, %eq3A_79, %eq3A_80 : vector<64x12800xi32>
    %convert_element_type3A_82 = arith.extui %eq3A_81 : vector<64x12800xi1> to vector<64x12800xi32>
    %convert_element_type3A_83 = arith.sitofp %convert_element_type3A_82 : vector<64x12800xi32> to vector<64x12800xf32>
    %reduce_sum3A_84 = arith.constant dense<0.000000e+00> : vector<64xf32>
    %reduce_sum3A_85 = vector.multi_reduction <add>, %convert_element_type3A_83, %reduce_sum3A_84 [1] : vector<64x12800xf32> to vector<64xf32>
    %add3A_86 = arith.addf %add3A_60, %reduce_sum3A_85 : vector<64xf32>
    %slice3A_87 = vector.extract_strided_slice %max3A_22 {offsets = [12800], sizes = [12800], strides = [1]} : vector<100000xf32> to vector<12800xf32>
    %broadcast_in_dim3A_88 = vector.shape_cast %slice3A_87 : vector<12800xf32> to vector<1x12800xf32>
    %mul3A_89 = vector.broadcast %broadcast_in_dim3A_88 : vector<1x12800xf32> to vector<64x12800xf32>
    %mul3A_90 = arith.mulf %convert_element_type3A_83, %mul3A_89 : vector<64x12800xf32>
    %reduce_sum3A_91 = arith.constant dense<0.000000e+00> : vector<64xf32>
    %reduce_sum3A_92 = vector.multi_reduction <add>, %mul3A_90, %reduce_sum3A_91 [1] : vector<64x12800xf32> to vector<64xf32>
    %add3A_93 = arith.addf %add3A_67, %reduce_sum3A_92 : vector<64xf32>
    %slice3A_94 = vector.extract_strided_slice %max3A_47 {offsets = [12800], sizes = [12800], strides = [1]} : vector<100000xf32> to vector<12800xf32>
    %broadcast_in_dim3A_95 = vector.shape_cast %slice3A_94 : vector<12800xf32> to vector<1x12800xf32>
    %mul3A_96 = vector.broadcast %broadcast_in_dim3A_95 : vector<1x12800xf32> to vector<64x12800xf32>
    %mul3A_97 = arith.mulf %convert_element_type3A_83, %mul3A_96 : vector<64x12800xf32>
    %reduce_sum3A_98 = arith.constant dense<0.000000e+00> : vector<64xf32>
    %reduce_sum3A_99 = vector.multi_reduction <add>, %mul3A_97, %reduce_sum3A_98 [1] : vector<64x12800xf32> to vector<64xf32>
    %add3A_100 = arith.addf %add3A_74, %reduce_sum3A_99 : vector<64xf32>
    %get3A_101 = arith.constant 0 : index
    %get3A_102 = vector.load %arg4[%get3A_101] : memref<100000xi32, #tpu.memory_space<vmem>>, vector<100000xi32>
    %slice3A_103 = vector.extract_strided_slice %get3A_102 {offsets = [25600], sizes = [12800], strides = [1]} : vector<100000xi32> to vector<12800xi32>
    %broadcast_in_dim3A_104 = vector.shape_cast %slice3A_103 : vector<12800xi32> to vector<1x12800xi32>
    %eq3A_105 = vector.broadcast %broadcast_in_dim3A_104 : vector<1x12800xi32> to vector<64x12800xi32>
    %eq3A_106 = vector.broadcast %iota3A : vector<64x1xi32> to vector<64x12800xi32>
    %eq3A_107 = arith.cmpi eq, %eq3A_105, %eq3A_106 : vector<64x12800xi32>
    %convert_element_type3A_108 = arith.extui %eq3A_107 : vector<64x12800xi1> to vector<64x12800xi32>
    %convert_element_type3A_109 = arith.sitofp %convert_element_type3A_108 : vector<64x12800xi32> to vector<64x12800xf32>
    %reduce_sum3A_110 = arith.constant dense<0.000000e+00> : vector<64xf32>
    %reduce_sum3A_111 = vector.multi_reduction <add>, %convert_element_type3A_109, %reduce_sum3A_110 [1] : vector<64x12800xf32> to vector<64xf32>
    %add3A_112 = arith.addf %add3A_86, %reduce_sum3A_111 : vector<64xf32>
    %slice3A_113 = vector.extract_strided_slice %max3A_22 {offsets = [25600], sizes = [12800], strides = [1]} : vector<100000xf32> to vector<12800xf32>
    %broadcast_in_dim3A_114 = vector.shape_cast %slice3A_113 : vector<12800xf32> to vector<1x12800xf32>
    %mul3A_115 = vector.broadcast %broadcast_in_dim3A_114 : vector<1x12800xf32> to vector<64x12800xf32>
    %mul3A_116 = arith.mulf %convert_element_type3A_109, %mul3A_115 : vector<64x12800xf32>
    %reduce_sum3A_117 = arith.constant dense<0.000000e+00> : vector<64xf32>
    %reduce_sum3A_118 = vector.multi_reduction <add>, %mul3A_116, %reduce_sum3A_117 [1] : vector<64x12800xf32> to vector<64xf32>
    %add3A_119 = arith.addf %add3A_93, %reduce_sum3A_118 : vector<64xf32>
    %slice3A_120 = vector.extract_strided_slice %max3A_47 {offsets = [25600], sizes = [12800], strides = [1]} : vector<100000xf32> to vector<12800xf32>
    %broadcast_in_dim3A_121 = vector.shape_cast %slice3A_120 : vector<12800xf32> to vector<1x12800xf32>
    %mul3A_122 = vector.broadcast %broadcast_in_dim3A_121 : vector<1x12800xf32> to vector<64x12800xf32>
    %mul3A_123 = arith.mulf %convert_element_type3A_109, %mul3A_122 : vector<64x12800xf32>
    %reduce_sum3A_124 = arith.constant dense<0.000000e+00> : vector<64xf32>
    %reduce_sum3A_125 = vector.multi_reduction <add>, %mul3A_123, %reduce_sum3A_124 [1] : vector<64x12800xf32> to vector<64xf32>
    %add3A_126 = arith.addf %add3A_100, %reduce_sum3A_125 : vector<64xf32>
    %get3A_127 = arith.constant 0 : index
    %get3A_128 = vector.load %arg4[%get3A_127] : memref<100000xi32, #tpu.memory_space<vmem>>, vector<100000xi32>
    %slice3A_129 = vector.extract_strided_slice %get3A_128 {offsets = [38400], sizes = [12800], strides = [1]} : vector<100000xi32> to vector<12800xi32>
    %broadcast_in_dim3A_130 = vector.shape_cast %slice3A_129 : vector<12800xi32> to vector<1x12800xi32>
    %eq3A_131 = vector.broadcast %broadcast_in_dim3A_130 : vector<1x12800xi32> to vector<64x12800xi32>
    %eq3A_132 = vector.broadcast %iota3A : vector<64x1xi32> to vector<64x12800xi32>
    %eq3A_133 = arith.cmpi eq, %eq3A_131, %eq3A_132 : vector<64x12800xi32>
    %convert_element_type3A_134 = arith.extui %eq3A_133 : vector<64x12800xi1> to vector<64x12800xi32>
    %convert_element_type3A_135 = arith.sitofp %convert_element_type3A_134 : vector<64x12800xi32> to vector<64x12800xf32>
    %reduce_sum3A_136 = arith.constant dense<0.000000e+00> : vector<64xf32>
    %reduce_sum3A_137 = vector.multi_reduction <add>, %convert_element_type3A_135, %reduce_sum3A_136 [1] : vector<64x12800xf32> to vector<64xf32>
    %add3A_138 = arith.addf %add3A_112, %reduce_sum3A_137 : vector<64xf32>
    %slice3A_139 = vector.extract_strided_slice %max3A_22 {offsets = [38400], sizes = [12800], strides = [1]} : vector<100000xf32> to vector<12800xf32>
    %broadcast_in_dim3A_140 = vector.shape_cast %slice3A_139 : vector<12800xf32> to vector<1x12800xf32>
    %mul3A_141 = vector.broadcast %broadcast_in_dim3A_140 : vector<1x12800xf32> to vector<64x12800xf32>
    %mul3A_142 = arith.mulf %convert_element_type3A_135, %mul3A_141 : vector<64x12800xf32>
    %reduce_sum3A_143 = arith.constant dense<0.000000e+00> : vector<64xf32>
    %reduce_sum3A_144 = vector.multi_reduction <add>, %mul3A_142, %reduce_sum3A_143 [1] : vector<64x12800xf32> to vector<64xf32>
    %add3A_145 = arith.addf %add3A_119, %reduce_sum3A_144 : vector<64xf32>
    %slice3A_146 = vector.extract_strided_slice %max3A_47 {offsets = [38400], sizes = [12800], strides = [1]} : vector<100000xf32> to vector<12800xf32>
    %broadcast_in_dim3A_147 = vector.shape_cast %slice3A_146 : vector<12800xf32> to vector<1x12800xf32>
    %mul3A_148 = vector.broadcast %broadcast_in_dim3A_147 : vector<1x12800xf32> to vector<64x12800xf32>
    %mul3A_149 = arith.mulf %convert_element_type3A_135, %mul3A_148 : vector<64x12800xf32>
    %reduce_sum3A_150 = arith.constant dense<0.000000e+00> : vector<64xf32>
    %reduce_sum3A_151 = vector.multi_reduction <add>, %mul3A_149, %reduce_sum3A_150 [1] : vector<64x12800xf32> to vector<64xf32>
    %add3A_152 = arith.addf %add3A_126, %reduce_sum3A_151 : vector<64xf32>
    %get3A_153 = arith.constant 0 : index
    %get3A_154 = vector.load %arg4[%get3A_153] : memref<100000xi32, #tpu.memory_space<vmem>>, vector<100000xi32>
    %slice3A_155 = vector.extract_strided_slice %get3A_154 {offsets = [51200], sizes = [12800], strides = [1]} : vector<100000xi32> to vector<12800xi32>
    %broadcast_in_dim3A_156 = vector.shape_cast %slice3A_155 : vector<12800xi32> to vector<1x12800xi32>
    %eq3A_157 = vector.broadcast %broadcast_in_dim3A_156 : vector<1x12800xi32> to vector<64x12800xi32>
    %eq3A_158 = vector.broadcast %iota3A : vector<64x1xi32> to vector<64x12800xi32>
    %eq3A_159 = arith.cmpi eq, %eq3A_157, %eq3A_158 : vector<64x12800xi32>
    %convert_element_type3A_160 = arith.extui %eq3A_159 : vector<64x12800xi1> to vector<64x12800xi32>
    %convert_element_type3A_161 = arith.sitofp %convert_element_type3A_160 : vector<64x12800xi32> to vector<64x12800xf32>
    %reduce_sum3A_162 = arith.constant dense<0.000000e+00> : vector<64xf32>
    %reduce_sum3A_163 = vector.multi_reduction <add>, %convert_element_type3A_161, %reduce_sum3A_162 [1] : vector<64x12800xf32> to vector<64xf32>
    %add3A_164 = arith.addf %add3A_138, %reduce_sum3A_163 : vector<64xf32>
    %slice3A_165 = vector.extract_strided_slice %max3A_22 {offsets = [51200], sizes = [12800], strides = [1]} : vector<100000xf32> to vector<12800xf32>
    %broadcast_in_dim3A_166 = vector.shape_cast %slice3A_165 : vector<12800xf32> to vector<1x12800xf32>
    %mul3A_167 = vector.broadcast %broadcast_in_dim3A_166 : vector<1x12800xf32> to vector<64x12800xf32>
    %mul3A_168 = arith.mulf %convert_element_type3A_161, %mul3A_167 : vector<64x12800xf32>
    %reduce_sum3A_169 = arith.constant dense<0.000000e+00> : vector<64xf32>
    %reduce_sum3A_170 = vector.multi_reduction <add>, %mul3A_168, %reduce_sum3A_169 [1] : vector<64x12800xf32> to vector<64xf32>
    %add3A_171 = arith.addf %add3A_145, %reduce_sum3A_170 : vector<64xf32>
    %slice3A_172 = vector.extract_strided_slice %max3A_47 {offsets = [51200], sizes = [12800], strides = [1]} : vector<100000xf32> to vector<12800xf32>
    %broadcast_in_dim3A_173 = vector.shape_cast %slice3A_172 : vector<12800xf32> to vector<1x12800xf32>
    %mul3A_174 = vector.broadcast %broadcast_in_dim3A_173 : vector<1x12800xf32> to vector<64x12800xf32>
    %mul3A_175 = arith.mulf %convert_element_type3A_161, %mul3A_174 : vector<64x12800xf32>
    %reduce_sum3A_176 = arith.constant dense<0.000000e+00> : vector<64xf32>
    %reduce_sum3A_177 = vector.multi_reduction <add>, %mul3A_175, %reduce_sum3A_176 [1] : vector<64x12800xf32> to vector<64xf32>
    %add3A_178 = arith.addf %add3A_152, %reduce_sum3A_177 : vector<64xf32>
    %get3A_179 = arith.constant 0 : index
    %get3A_180 = vector.load %arg4[%get3A_179] : memref<100000xi32, #tpu.memory_space<vmem>>, vector<100000xi32>
    %slice3A_181 = vector.extract_strided_slice %get3A_180 {offsets = [64000], sizes = [12800], strides = [1]} : vector<100000xi32> to vector<12800xi32>
    %broadcast_in_dim3A_182 = vector.shape_cast %slice3A_181 : vector<12800xi32> to vector<1x12800xi32>
    %eq3A_183 = vector.broadcast %broadcast_in_dim3A_182 : vector<1x12800xi32> to vector<64x12800xi32>
    %eq3A_184 = vector.broadcast %iota3A : vector<64x1xi32> to vector<64x12800xi32>
    %eq3A_185 = arith.cmpi eq, %eq3A_183, %eq3A_184 : vector<64x12800xi32>
    %convert_element_type3A_186 = arith.extui %eq3A_185 : vector<64x12800xi1> to vector<64x12800xi32>
    %convert_element_type3A_187 = arith.sitofp %convert_element_type3A_186 : vector<64x12800xi32> to vector<64x12800xf32>
    %reduce_sum3A_188 = arith.constant dense<0.000000e+00> : vector<64xf32>
    %reduce_sum3A_189 = vector.multi_reduction <add>, %convert_element_type3A_187, %reduce_sum3A_188 [1] : vector<64x12800xf32> to vector<64xf32>
    %add3A_190 = arith.addf %add3A_164, %reduce_sum3A_189 : vector<64xf32>
    %slice3A_191 = vector.extract_strided_slice %max3A_22 {offsets = [64000], sizes = [12800], strides = [1]} : vector<100000xf32> to vector<12800xf32>
    %broadcast_in_dim3A_192 = vector.shape_cast %slice3A_191 : vector<12800xf32> to vector<1x12800xf32>
    %mul3A_193 = vector.broadcast %broadcast_in_dim3A_192 : vector<1x12800xf32> to vector<64x12800xf32>
    %mul3A_194 = arith.mulf %convert_element_type3A_187, %mul3A_193 : vector<64x12800xf32>
    %reduce_sum3A_195 = arith.constant dense<0.000000e+00> : vector<64xf32>
    %reduce_sum3A_196 = vector.multi_reduction <add>, %mul3A_194, %reduce_sum3A_195 [1] : vector<64x12800xf32> to vector<64xf32>
    %add3A_197 = arith.addf %add3A_171, %reduce_sum3A_196 : vector<64xf32>
    %slice3A_198 = vector.extract_strided_slice %max3A_47 {offsets = [64000], sizes = [12800], strides = [1]} : vector<100000xf32> to vector<12800xf32>
    %broadcast_in_dim3A_199 = vector.shape_cast %slice3A_198 : vector<12800xf32> to vector<1x12800xf32>
    %mul3A_200 = vector.broadcast %broadcast_in_dim3A_199 : vector<1x12800xf32> to vector<64x12800xf32>
    %mul3A_201 = arith.mulf %convert_element_type3A_187, %mul3A_200 : vector<64x12800xf32>
    %reduce_sum3A_202 = arith.constant dense<0.000000e+00> : vector<64xf32>
    %reduce_sum3A_203 = vector.multi_reduction <add>, %mul3A_201, %reduce_sum3A_202 [1] : vector<64x12800xf32> to vector<64xf32>
    %add3A_204 = arith.addf %add3A_178, %reduce_sum3A_203 : vector<64xf32>
    %get3A_205 = arith.constant 0 : index
    %get3A_206 = vector.load %arg4[%get3A_205] : memref<100000xi32, #tpu.memory_space<vmem>>, vector<100000xi32>
    %slice3A_207 = vector.extract_strided_slice %get3A_206 {offsets = [76800], sizes = [12800], strides = [1]} : vector<100000xi32> to vector<12800xi32>
    %broadcast_in_dim3A_208 = vector.shape_cast %slice3A_207 : vector<12800xi32> to vector<1x12800xi32>
    %eq3A_209 = vector.broadcast %broadcast_in_dim3A_208 : vector<1x12800xi32> to vector<64x12800xi32>
    %eq3A_210 = vector.broadcast %iota3A : vector<64x1xi32> to vector<64x12800xi32>
    %eq3A_211 = arith.cmpi eq, %eq3A_209, %eq3A_210 : vector<64x12800xi32>
    %convert_element_type3A_212 = arith.extui %eq3A_211 : vector<64x12800xi1> to vector<64x12800xi32>
    %convert_element_type3A_213 = arith.sitofp %convert_element_type3A_212 : vector<64x12800xi32> to vector<64x12800xf32>
    %reduce_sum3A_214 = arith.constant dense<0.000000e+00> : vector<64xf32>
    %reduce_sum3A_215 = vector.multi_reduction <add>, %convert_element_type3A_213, %reduce_sum3A_214 [1] : vector<64x12800xf32> to vector<64xf32>
    %add3A_216 = arith.addf %add3A_190, %reduce_sum3A_215 : vector<64xf32>
    %slice3A_217 = vector.extract_strided_slice %max3A_22 {offsets = [76800], sizes = [12800], strides = [1]} : vector<100000xf32> to vector<12800xf32>
    %broadcast_in_dim3A_218 = vector.shape_cast %slice3A_217 : vector<12800xf32> to vector<1x12800xf32>
    %mul3A_219 = vector.broadcast %broadcast_in_dim3A_218 : vector<1x12800xf32> to vector<64x12800xf32>
    %mul3A_220 = arith.mulf %convert_element_type3A_213, %mul3A_219 : vector<64x12800xf32>
    %reduce_sum3A_221 = arith.constant dense<0.000000e+00> : vector<64xf32>
    %reduce_sum3A_222 = vector.multi_reduction <add>, %mul3A_220, %reduce_sum3A_221 [1] : vector<64x12800xf32> to vector<64xf32>
    %add3A_223 = arith.addf %add3A_197, %reduce_sum3A_222 : vector<64xf32>
    %slice3A_224 = vector.extract_strided_slice %max3A_47 {offsets = [76800], sizes = [12800], strides = [1]} : vector<100000xf32> to vector<12800xf32>
    %broadcast_in_dim3A_225 = vector.shape_cast %slice3A_224 : vector<12800xf32> to vector<1x12800xf32>
    %mul3A_226 = vector.broadcast %broadcast_in_dim3A_225 : vector<1x12800xf32> to vector<64x12800xf32>
    %mul3A_227 = arith.mulf %convert_element_type3A_213, %mul3A_226 : vector<64x12800xf32>
    %reduce_sum3A_228 = arith.constant dense<0.000000e+00> : vector<64xf32>
    %reduce_sum3A_229 = vector.multi_reduction <add>, %mul3A_227, %reduce_sum3A_228 [1] : vector<64x12800xf32> to vector<64xf32>
    %add3A_230 = arith.addf %add3A_204, %reduce_sum3A_229 : vector<64xf32>
    %get3A_231 = arith.constant 0 : index
    %get3A_232 = vector.load %arg4[%get3A_231] : memref<100000xi32, #tpu.memory_space<vmem>>, vector<100000xi32>
    %slice3A_233 = vector.extract_strided_slice %get3A_232 {offsets = [89600], sizes = [10400], strides = [1]} : vector<100000xi32> to vector<10400xi32>
    %broadcast_in_dim3A_234 = vector.shape_cast %slice3A_233 : vector<10400xi32> to vector<1x10400xi32>
    %eq3A_235 = vector.broadcast %broadcast_in_dim3A_234 : vector<1x10400xi32> to vector<64x10400xi32>
    %eq3A_236 = vector.broadcast %iota3A : vector<64x1xi32> to vector<64x10400xi32>
    %eq3A_237 = arith.cmpi eq, %eq3A_235, %eq3A_236 : vector<64x10400xi32>
    %convert_element_type3A_238 = arith.extui %eq3A_237 : vector<64x10400xi1> to vector<64x10400xi32>
    %convert_element_type3A_239 = arith.sitofp %convert_element_type3A_238 : vector<64x10400xi32> to vector<64x10400xf32>
    %reduce_sum3A_240 = arith.constant dense<0.000000e+00> : vector<64xf32>
    %reduce_sum3A_241 = vector.multi_reduction <add>, %convert_element_type3A_239, %reduce_sum3A_240 [1] : vector<64x10400xf32> to vector<64xf32>
    %add3A_242 = arith.addf %add3A_216, %reduce_sum3A_241 : vector<64xf32>
    %slice3A_243 = vector.extract_strided_slice %max3A_22 {offsets = [89600], sizes = [10400], strides = [1]} : vector<100000xf32> to vector<10400xf32>
    %broadcast_in_dim3A_244 = vector.shape_cast %slice3A_243 : vector<10400xf32> to vector<1x10400xf32>
    %mul3A_245 = vector.broadcast %broadcast_in_dim3A_244 : vector<1x10400xf32> to vector<64x10400xf32>
    %mul3A_246 = arith.mulf %convert_element_type3A_239, %mul3A_245 : vector<64x10400xf32>
    %reduce_sum3A_247 = arith.constant dense<0.000000e+00> : vector<64xf32>
    %reduce_sum3A_248 = vector.multi_reduction <add>, %mul3A_246, %reduce_sum3A_247 [1] : vector<64x10400xf32> to vector<64xf32>
    %add3A_249 = arith.addf %add3A_223, %reduce_sum3A_248 : vector<64xf32>
    %slice3A_250 = vector.extract_strided_slice %max3A_47 {offsets = [89600], sizes = [10400], strides = [1]} : vector<100000xf32> to vector<10400xf32>
    %broadcast_in_dim3A_251 = vector.shape_cast %slice3A_250 : vector<10400xf32> to vector<1x10400xf32>
    %mul3A_252 = vector.broadcast %broadcast_in_dim3A_251 : vector<1x10400xf32> to vector<64x10400xf32>
    %mul3A_253 = arith.mulf %convert_element_type3A_239, %mul3A_252 : vector<64x10400xf32>
    %reduce_sum3A_254 = arith.constant dense<0.000000e+00> : vector<64xf32>
    %reduce_sum3A_255 = vector.multi_reduction <add>, %mul3A_253, %reduce_sum3A_254 [1] : vector<64x10400xf32> to vector<64xf32>
    %add3A_256 = arith.addf %add3A_230, %reduce_sum3A_255 : vector<64xf32>
    %max3A_257 = arith.constant 1.000000e+00 : f32
    %max3A_258 = vector.broadcast %max3A_257 : f32 to vector<64xf32>
    %max3A_259 = arith.maximumf %add3A_242, %max3A_258 : vector<64xf32>
    %div3A = arith.divf %add3A_249, %max3A_259 : vector<64xf32>
    %div3A_260 = arith.divf %add3A_256, %max3A_259 : vector<64xf32>
    %get3A_261 = arith.constant 0 : index
    %get3A_262 = arith.constant 0 : index
    %get3A_263 = vector.load %arg5[%get3A_261, %get3A_262] : memref<64x4xf32, #tpu.memory_space<vmem>>, vector<64x4xf32>
    %get3A_264 = arith.constant 0 : index
    %get3A_265 = arith.constant 0 : index
    %get3A_266 = vector.load %arg6[%get3A_264, %get3A_265] : memref<6x1xf32, #tpu.memory_space<vmem>>, vector<6x1xf32>
    %broadcast_in_dim3A_267 = vector.shape_cast %div3A : vector<64xf32> to vector<64x1xf32>
    %slice3A_268 = vector.extract_strided_slice %get3A_266 {offsets = [0, 0], sizes = [1, 1], strides = [1, 1]} : vector<6x1xf32> to vector<1x1xf32>
    %mul3A_269 = vector.broadcast %slice3A_268 : vector<1x1xf32> to vector<64x1xf32>
    %mul3A_270 = arith.mulf %broadcast_in_dim3A_267, %mul3A_269 : vector<64x1xf32>
    %broadcast_in_dim3A_271 = vector.shape_cast %div3A_260 : vector<64xf32> to vector<64x1xf32>
    %slice3A_272 = vector.extract_strided_slice %get3A_266 {offsets = [1, 0], sizes = [1, 1], strides = [1, 1]} : vector<6x1xf32> to vector<1x1xf32>
    %mul3A_273 = vector.broadcast %slice3A_272 : vector<1x1xf32> to vector<64x1xf32>
    %mul3A_274 = arith.mulf %broadcast_in_dim3A_271, %mul3A_273 : vector<64x1xf32>
    %add3A_275 = arith.addf %mul3A_270, %mul3A_274 : vector<64x1xf32>
    %slice3A_276 = vector.extract_strided_slice %get3A_263 {offsets = [0, 0], sizes = [64, 1], strides = [1, 1]} : vector<64x4xf32> to vector<64x1xf32>
    %slice3A_277 = vector.extract_strided_slice %get3A_266 {offsets = [2, 0], sizes = [1, 1], strides = [1, 1]} : vector<6x1xf32> to vector<1x1xf32>
    %mul3A_278 = vector.broadcast %slice3A_277 : vector<1x1xf32> to vector<64x1xf32>
    %mul3A_279 = arith.mulf %slice3A_276, %mul3A_278 : vector<64x1xf32>
    %add3A_280 = arith.addf %add3A_275, %mul3A_279 : vector<64x1xf32>
    %slice3A_281 = vector.extract_strided_slice %get3A_263 {offsets = [0, 1], sizes = [64, 1], strides = [1, 1]} : vector<64x4xf32> to vector<64x1xf32>
    %slice3A_282 = vector.extract_strided_slice %get3A_266 {offsets = [3, 0], sizes = [1, 1], strides = [1, 1]} : vector<6x1xf32> to vector<1x1xf32>
    %mul3A_283 = vector.broadcast %slice3A_282 : vector<1x1xf32> to vector<64x1xf32>
    %mul3A_284 = arith.mulf %slice3A_281, %mul3A_283 : vector<64x1xf32>
    %add3A_285 = arith.addf %add3A_280, %mul3A_284 : vector<64x1xf32>
    %slice3A_286 = vector.extract_strided_slice %get3A_263 {offsets = [0, 2], sizes = [64, 1], strides = [1, 1]} : vector<64x4xf32> to vector<64x1xf32>
    %slice3A_287 = vector.extract_strided_slice %get3A_266 {offsets = [4, 0], sizes = [1, 1], strides = [1, 1]} : vector<6x1xf32> to vector<1x1xf32>
    %mul3A_288 = vector.broadcast %slice3A_287 : vector<1x1xf32> to vector<64x1xf32>
    %mul3A_289 = arith.mulf %slice3A_286, %mul3A_288 : vector<64x1xf32>
    %add3A_290 = arith.addf %add3A_285, %mul3A_289 : vector<64x1xf32>
    %slice3A_291 = vector.extract_strided_slice %get3A_263 {offsets = [0, 3], sizes = [64, 1], strides = [1, 1]} : vector<64x4xf32> to vector<64x1xf32>
    %slice3A_292 = vector.extract_strided_slice %get3A_266 {offsets = [5, 0], sizes = [1, 1], strides = [1, 1]} : vector<6x1xf32> to vector<1x1xf32>
    %mul3A_293 = vector.broadcast %slice3A_292 : vector<1x1xf32> to vector<64x1xf32>
    %mul3A_294 = arith.mulf %slice3A_291, %mul3A_293 : vector<64x1xf32>
    %add3A_295 = arith.addf %add3A_290, %mul3A_294 : vector<64x1xf32>
    %get3A_296 = arith.constant 0 : index
    %get3A_297 = vector.load %arg7[%get3A_296] : memref<1xf32, #tpu.memory_space<vmem>>, vector<1xf32>
    %broadcast_in_dim3A_298 = vector.shape_cast %get3A_297 : vector<1xf32> to vector<1x1xf32>
    %add3A_299 = vector.broadcast %broadcast_in_dim3A_298 : vector<1x1xf32> to vector<64x1xf32>
    %add3A_300 = arith.addf %add3A_295, %add3A_299 : vector<64x1xf32>
    %swap3A = arith.constant 0 : index
    %swap3A_301 = arith.constant 0 : index
    %swap3A_302 = vector.load %arg8[%swap3A, %swap3A_301] : memref<64x1xf32, #tpu.memory_space<vmem>>, vector<64x1xf32>
    tpu.vector_store %arg8[%swap3A, %swap3A_301], %add3A_300 {strides = array<i32>} : memref<64x1xf32, #tpu.memory_space<vmem>>, vector<64x1xf32>,
    return
  }
}

</mosaic_0001>

<sc_bundles>
// kernel: kernel.11.cloned.1.call-start
scs
__scs_entry_jumppad:
0x0: {  	(pc) =	sbr.rel $0x88, $3  }
0x1: {  	(tag) =	ssettag $0x0;
	lr =	simm.s32 $0x1  }
0x2: {  	[smem:$0x3F96] =	sst lr;
	_ =	strace $0xD0000000  }
0x3: {  	_ = 	snop  }
0x4: {  	_ = 	snop  }
0x5: {  	_ = 	snop  }
0x6: {  	_ = 	snop  }
0x7: {  	_ = 	snop  }
__scs_overlays_trampoline_lowered:
0x8: {  	[smem:$0x3FA5] =	sst s0  }
0x9: {  	[smem:$0x3FA6] =	sst s1  }
0xa: {  	[smem:$0x3FA7] =	sst s2  }
0xb: {  	[smem:$0x3FA8] =	sst s3  }
0xc: {  	[smem:$0x3FA9] =	sst s4  }
0xd: {  	[smem:$0x3FAA] =	sst s5  }
0xe: {  	[smem:$0x3FAB] =	sst s6  }
0xf: {  	[smem:$0x3FAC] =	sst s7  }
0x10: {  	[smem:$0x3FAD] =	sst s8  }
0x11: {  	[smem:$0x3FAE] =	sst s9;
	s0 =	simm.s32 @!p0 $0x0  }
0x12: {  	s1 =	sld [smem:$0x3F94];
	s0 =	simm.s32 @p0 $0x1  }
0x13: {  	[smem:$0x3FAF] =	sst s0;
	s0 =	simm.s32 @!p1 $0x0  }
0x14: {  	s2 =	sld [smem:$0x3F93];
	s0 =	simm.s32 @p1 $0x1  }
0x15: {  	[smem:$0x3FB0] =	sst s0;
	s0 =	simm.s32 @!p2 $0x0  }
0x16: {  	s3 =	sld [smem:$0x3FDB];
	s0 =	simm.s32 @p2 $0x1  }
0x17: {  	s4 =	simm.s32 $0x1BF5;
	[smem:$0x3FB2] =	sst s0  }
0x18: {  	s0 =	sld [smem:$0x3F95];
	_ =	swait.ge [sflag:s4], $0x0  }
0x19: {  	s7 =	sld [smem:$0x3F96]  }
0x1a: {  	s8 =	sadd.s32 $0xFFFFE003, lr  }
0x1b: {  	s9 =	sadd.s32 $0xFFFFFEF7, lr;
	s5 =	simm.s32 $0xFFFFFFFF;
	p2 =	slt.u32 s8, $0xFFFFF086  }
0x1c: {  	p1 =	slt.u32 s9, $0xF7A;
	s5 =	simm.s32 @!p2 $0x0  }
0x1d: {  	s5 =	simm.s32 @p1 $0x1;
	p0 =	seq.s32 s7, s2  }
0x1e: {  	s7 =	smul.u32 @!p0 $0xF7A, s2;
	p2 =	seq.s32 @!p0 s5, $0x0  }
0x1f: {  	s9 =	smul.u32 $0xF7A, s1;
	s8 =	simm.s32 @!p0 $0x1BF5;
	p2 =	por !p2, p0  }
0x20: {  	[sflag:s8] =	ssyncset.s32 @!p0 $0xFFFFF086;
	s6 =	sadd.s32 @!p0 s3, s7;
	s7 =	simm.s32 @!p0 $0x108  }
0x21: {  	s3 =	sadd.s32 s3, s9;
	s6 =	sadd.s32 @!p0 $0x88, s6;
	s7 =	simm.s32 @p2 $0x1082  }
0x22: {  	[simem:s7], [sflag:s8] =	dma.local @!p0 [hbm:s6], $0xF7A  }
0x23: {  	s9 =	sor.u32 $0xD0000000, s2;
	s6 =	simm.s32 $0x108;
	_ =	swait.ge @!p0 [sflag:s8], $0x0  }
0x24: {  	s3 =	sadd.s32 $0x88, s3;
	s6 =	simm.s32 @!p1 $0x1082;
	[sflag:s4] =	ssyncset.s32 $0xFFFFF086  }
0x25: {  	[simem:s6], [sflag:s4] =	dma.local [hbm:s3], $0xF7A  }
0x26: {  	[smem:$0x3F96] =	sst s1;
	(tag) =	ssettag s2;
	_ =	strace s9  }
0x27: {  	s1 =	sld [smem:$0x3FA6]  }
0x28: {  	s2 =	sld [smem:$0x3FA7]  }
0x29: {  	s4 =	sld [smem:$0x3FA9]  }
0x2a: {  	p0 =	seq.s32 s5, $0x0;
	s5 =	sld [smem:$0x3FAA]  }
0x2b: {  	s6 =	sld [smem:$0x3FAB]  }
0x2c: {  	s7 =	sld [smem:$0x3FAC]  }
0x2d: {  	s3 =	simm.s32 $0x108;
	s8 =	sld [smem:$0x3FAD]  }
0x2e: {  	s3 =	simm.s32 @!p0 $0x1082;
	s9 =	sld [smem:$0x3FAE]  }
0x2f: {  	lr =	sadd.s32 s0, s3;
	s0 =	sld [smem:$0x3FA5]  }
0x30: {  	s3 =	sld [smem:$0x3FA8]  }
0x31: {  	[smem:$0x3FB1] =	sst s10  }
0x32: {  	s10 =	sld [smem:$0x3FAF];
	_ =	sdelay $0x3  }
0x33: {  	p0 =	seq.s32 s10, $0x1;
	s10 =	sld [smem:$0x3FB1];
	_ =	sdelay $0x3  }
0x34: {  	[smem:$0x3FB1] =	sst s10  }
0x35: {  	s10 =	sld [smem:$0x3FB0];
	_ =	sdelay $0x3  }
0x36: {  	p1 =	seq.s32 s10, $0x1;
	s10 =	sld [smem:$0x3FB1];
	_ =	sdelay $0x3  }
0x37: {  	[smem:$0x3FB1] =	sst s10  }
0x38: {  	s10 =	sld [smem:$0x3FB2]  }
0x39: {  	_ = 	snop;
	(pc) =	sbr.ind lr, $3  }
0x3a: {  	_ = 	snop  }
0x3b: {  	_ = 	snop  }
0x3c: {  	p2 =	seq.s32 s10, $0x1;
	s10 =	sld [smem:$0x3FB1]  }
0x3d: {  	_ =	shalt  }
0x3e: {  	_ =	shalt  }
0x3f: {  	_ =	shalt  }
0x40: {  	_ =	shalt  }
0x41: {  	_ =	shalt  }
0x42: {  	_ =	shalt  }
0x43: {  	_ =	shalt  }
0x44: {  	_ =	shalt  }
0x45: {  	_ =	shalt  }
0x46: {  	_ =	shalt  }
0x47: {  	_ =	shalt  }
0x48: {  	_ =	shalt  }
0x49: {  	_ =	shalt  }
0x4a: {  	_ =	shalt  }
0x4b: {  	_ =	shalt  }
0x4c: {  	_ =	shalt  }
0x4d: {  	_ =	shalt  }
0x4e: {  	_ =	shalt  }
0x4f: {  	_ =	shalt  }
0x50: {  	_ =	shalt  }
0x51: {  	_ =	shalt  }
0x52: {  	_ =	shalt  }
0x53: {  	_ =	shalt  }
0x54: {  	_ =	shalt  }
0x55: {  	_ =	shalt  }
0x56: {  	_ =	shalt  }
0x57: {  	_ =	shalt  }
0x58: {  	_ =	shalt  }
0x59: {  	_ =	shalt  }
0x5a: {  	_ =	shalt  }
0x5b: {  	_ =	shalt  }
0x5c: {  	_ =	shalt  }
0x5d: {  	_ =	shalt  }
0x5e: {  	_ =	shalt  }
0x5f: {  	_ =	shalt  }
0x60: {  	_ =	shalt  }
0x61: {  	_ =	shalt  }
0x62: {  	_ =	shalt  }
0x63: {  	_ =	shalt  }
0x64: {  	_ =	shalt  }
0x65: {  	_ =	shalt  }
0x66: {  	_ =	shalt  }
0x67: {  	_ =	shalt  }
0x68: {  	_ =	shalt  }
0x69: {  	_ =	shalt  }
0x6a: {  	_ =	shalt  }
0x6b: {  	_ =	shalt  }
0x6c: {  	_ =	shalt  }
0x6d: {  	_ =	shalt  }
0x6e: {  	_ =	shalt  }
0x6f: {  	_ =	shalt  }
0x70: {  	_ =	shalt  }
0x71: {  	_ =	shalt  }
0x72: {  	_ =	shalt  }
0x73: {  	_ =	shalt  }
0x74: {  	_ =	shalt  }
0x75: {  	_ =	shalt  }
0x76: {  	_ =	shalt  }
0x77: {  	_ =	shalt  }
0x78: {  	_ =	shalt  }
0x79: {  	_ =	shalt  }
0x7a: {  	_ =	shalt  }
0x7b: {  	_ =	shalt  }
0x7c: {  	_ =	shalt  }
0x7d: {  	_ =	shalt  }
0x7e: {  	_ =	shalt  }
0x7f: {  	_ =	shalt  }
0x80: {  	_ =	shalt  }
0x81: {  	_ =	shalt  }
0x82: {  	_ =	shalt  }
0x83: {  	_ =	shalt  }
0x84: {  	_ =	shalt  }
0x85: {  	_ =	shalt  }
0x86: {  	_ =	shalt  }
0x87: {  	_ =	shalt  }
.Lfunc_end0:
.L_simem_size_0:
called_computation.1_lowered:
.L_overlay_start_0:
0x88: {  	s2 =	sld [smem:$0x3FD9]  }
0x89: {  	s3 =	sld [smem:$0x3FFE];
	_ =	sdelay $0x1  }
0x8a: {  	s1 =	srdreg.scid  }
0x8b: {  	s0 =	sand.u32 $0x1, s1  }
0x8c: {  	s16 =	sshll.u32 s0, $0xA;
	s2 =	sadd.s32 s3, s2  }
0x8d: {  	s2 =	sadd.s32 s2, s16  }
0x8e: {  	[smem:$0x3FBD] =	sst s2  }
0x8f: {  	_ = 	snop  }
0x90: {  	(tm) =	ssettm $0x1  }
0x91: {  	s17 =	sld [smem:$0x3FFB];
	_ =	sdelay $0x3  }
0x92: {  	_ =	strace s17  }
0x93: {  	s2 =	sld [smem:$0x3FFC];
	_ =	sdelay $0x3  }
0x94: {  	_ =	strace s2  }
0x95: {  	s2 =	sld [smem:$0x3FFD];
	_ =	sdelay $0x3  }
0x96: {  	_ =	strace s2  }
0x97: {  	_ =	strace $0x8FFFFFFF  }
0x98: {  	s18 =	sld [smem:$0x3FDB];
	_ =	sdelay $0x1  }
0x99: {  	s19 =	simm.s32 $_scs_section_size  }
0x9a: {  	s4 =	simm.s32 $_size__tile_overlayer_lowered;
	s5 =	simm.s32 $_tile_overlayer_lowered  }
0x9b: {  	s22 =	simm.s32 $0x1BFF;
	s21 =	sshll.u32 s5, $0x1;
	s2 =	sadd.s32 s19, s18  }
0x9c: {  	s6 =	simm.s32 $0x0;
	s20 =	sshll.u32 s4, $0x1;
	s4 =	sadd.s32 s21, s2  }
0x9d: {  	[timem:s6], [sflag:s22] =	dma.local [hbm:s4], s20  }
0x9e: {  	_ =	swait.ge [sflag:s22], s20  }
0x9f: {  	s3 =	ssub.s32 $0x0, s20;
	[sflag:s22] =	ssyncset.done $0x0  }
0xa0: {  	[sflag:s22] =	ssyncadd.s32 s3;
	_ =	sdelay $0x1  }
0xa1: {  	s23 =	simm.s32 $0x1B8B  }
0xa2: {  	_ =	swait.ge [sflag:s23], $0x1  }
0xa3: {  	[sflag:s23] =	ssyncset.done $0x0  }
0xa4: {  	s25 =	simm.s32 $0x1B8E;
	s24 =	sld [smem:$0x3FFE];
	[sflag:s23] =	ssyncadd.s32 $0xFFFFFFFF  }
0xa5: {  	s26 =	simm.s32 $execute0_lowered;
	[smem:$0x3FD2] =	sst s25  }
0xa6: {  	s4 =	sshll.u32 s26, $0x1;
	_ =	strace $0x80000049;
	[dreg:$0x1] =	wrdreg $0xFFFFFFFF  }
0xa7: {  	s28 =	simm.s32 $_size_execute0_lowered;
	s2 =	sadd.s32 s2, s4;
	[dreg:$0x0] =	wrdreg $0x0  }
0xa8: {  	s4 =	sshll.u32 s28, $0x1;
	[dreg:$0x2] =	wrdreg s2  }
0xa9: {  	[dreg:$0x3] =	wrdreg s4  }
0xaa: {  	[dreg:$0x4] =	wrdreg $0xC0  }
0xab: {  	_ =	task [dreg:s6], $0x5FFFF  }
0xac: {  	[dreg:$0x1] =	wrdreg $0xFFFFFFFF  }
0xad: {  	[dreg:$0x0] =	wrdreg $0x60  }
0xae: {  	[dreg:$0x2] =	wrdreg s24  }
0xaf: {  	[dreg:$0x3] =	wrdreg $0x46500  }
0xb0: {  	[dreg:$0x4] =	wrdreg $0xA8100  }
0xb1: {  	[dreg:$0x5] =	wrdreg $0x5EC00  }
0xb2: {  	[dreg:$0x6] =	wrdreg $0xC0800  }
0xb3: {  	[dreg:$0x7] =	wrdreg $0x77300  }
0xb4: {  	[dreg:$0x8] =	wrdreg $0xD8F00  }
0xb5: {  	[dreg:$0x9] =	wrdreg $0x8FA00  }
0xb6: {  	[dreg:$0xa] =	wrdreg $0xF1600  }
0xb7: {  	[dreg:$0xb] =	wrdreg $0x9  }
0xb8: {  	_ =	task.clear_ibuf [dreg:s6], $0xCFFFF;
	_ =	strace $0x90000049  }
0xb9: {  	s29 =	simm.s32 $0x9;
	_ =	strace $0x8000004B  }
0xba: {  	_ =	swait.ge [sflag:s29], $0x1  }
0xbb: {  	[sflag:s29] =	ssyncadd.s32 $0xFFFFFFFF  }
0xbc: {  	_ =	strace $0x9000004B  }
0xbd: {  	_ =	sfence  }
0xbe: {  	s30 =	sld [smem:$0x0];
	_ =	sdelay $0x2  }
0xbf: {  	s31 =	sshll.u32 s1, $0xD;
	s1 =	sshrl.u32 s1, $0x2  }
0xc0: {  	s3 =	sand.u32 $0x4000, s31;
	s1 =	sadd.s32 s1, s30  }
0xc1: {  	s0 =	sor.u32 s3, s0;
	s1 =	sshll.u32 s1, $0x11  }
0xc2: {  	s0 =	sor.u32 s1, s0  }
0xc3: {  	s0 =	sadd.s32 $0x8F2B, s0  }
0xc4: {  	[sflag:s0] =	ssyncadd.remote.s32 $0x1  }
0xc5: {  	_ =	sfence.sel $0xFFFF  }
0xc6: {  	[dreg:$0x0] =	wrdreg $0xFFFFFFFF;
	(pc) =	sbr.abs _section_cstart, $3  }
0xc7: {  	[dreg:$0x1] =	wrdreg $0xFFFFFFFF  }
0xc8: {  	_ =	task.clear_ibuf [dreg:s6], $0x2FFFF;
	_ =	strace $0x9FFFFFFF  }
0xc9: {  	(tm) =	ssettm $0x7FFFFFFF  }
tec
execute0_lowered:
.L_overlay_start_1:
0x0: {  	(tag) =	ssettag $0x1  }
0x1: {  	s0 =	rddreg [dreg:$0x0]  }
0x2: {  	s29 =	rddreg [dreg:$0x1]  }
0x3: {  	s6 =	rddreg [dreg:$0x2]  }
0x4: {  	s7 =	rddreg [dreg:$0x3]  }
0x5: {  	s8 =	rddreg [dreg:$0x4]  }
0x6: {  	s10 =	rddreg [dreg:$0x5]  }
0x7: {  	s11 =	rddreg [dreg:$0x6]  }
0x8: {  	s12 =	rddreg [dreg:$0x7]  }
0x9: {  	s13 =	rddreg [dreg:$0x8]  }
0xa: {  	s14 =	simm.s32 $0x0;
	s9 =	stileid.u32;
	s21 =	srdreg.scid  }
0xb: {  	s30 =	simm.s32 $0x2;
	s31 =	simm.s32 $0xFA0;
	[smem:$0x7FF] =	sst s14  }
0xc: {  	s1 =	sadd.s32 $0xC5C00, s0;
	s2 =	sadd.s32 $0x2600, s0;
	s22 =	smul.u32 $0xFA, s9  }
0xd: {  	s5 =	sand.u32 $0x1, s21;
	_ =	strace $0x8000004A;
	[dreg:$0xc] =	wrdreg s1  }
0xe: {  	s23 =	sadd.s32 $0x18F400, s0;
	s3 =	smul.u32 $0x1F40, s9;
	[dreg:$0xd] =	wrdreg s2  }
0xf: {  	s25 =	smul.u32 $0x7D0, s9;
	s16 =	sshll.u32 s9, $0x1;
	[dreg:$0xf] =	wrdreg s23  }
0x10: {  	s24 =	ssub.s32 $0x2, s5;
	[dreg:$0xe] =	wrdreg s5;
	s5 =	smul.u32 $0x61A80, s5  }
0x11: {  	[dreg:$0x12] =	wrdreg s16;
	s16 =	simm.s32 $0x1;
	s2 =	sadd.s32 s22, s0  }
0x12: {  	s4 =	sshrl.u32 s24, $0x1;
	s3 =	sshrl.u32 s3, $0x2;
	s0 =	sadd.s32 $0x25EE00, s0  }
0x13: {  	s1 =	ssub.s32 s24, s4;
	s26 =	sadd.s32 s3, s29;
	s2 =	sadd.s32 $0x252A00, s2  }
0x14: {  	s5 =	sadd.s32 s25, s5;
	s17 =	sadd.s32 s3, s6;
	s18 =	sadd.s32 s3, s7  }
0x15: {  	s19 =	sadd.s32 s3, s8;
	s24 =	sadd.s32 s3, s10;
	s25 =	sadd.s32 s3, s11  }
0x16: {  	s28 =	sadd.s32 s3, s13;
	s1 =	smax.u32 s1, $0x1;
	[dreg:$0xa] =	wrdreg s26  }
0x17: {  	[dreg:$0x11] =	wrdreg s2;
	s6 =	sadd.s32 $0x493E0, s5;
	s4 =	sadd.s32 $0x30D40, s5  }
0x18: {  	s8 =	sadd.s32 $0x186A0, s5;
	s26 =	sadd.s32 s3, s12;
	[dreg:$0x10] =	wrdreg s1  }
0x19: {  	s2 =	sshrl.u32 s6, $0x3;
	s7 =	sshrl.u32 s4, $0x3;
	s15 =	sshrl.u32 s8, $0x3  }
0x1a: {  	s1 =	sshrl.u32 s5, $0x3;
	s20 =	sadd.s32 s2, s0;
	s21 =	sadd.s32 s7, s0  }
0x1b: {  	v0 =	vimm.f32 $0.0e+00;
	s22 =	sadd.s32 s15, s0;
	s23 =	sadd.s32 s1, s0;
	s15 =	simm.s32 $0x2EE0  }
.LBB2_1:
0x1c: {  	s0 =	simm.s32 $0x0  }
.LBB2_2:
0x1d: {  	p0 =	sne.s32 s0, $0x1F00  }
.Ltmp0:
0x1e: {  	_ = 	snop;
	(pc) =	sbr.rel @p0 .LBB2_2-.Ltmp0, $3  }
0x1f: {  	_ =	sdelay $0x1  }
0x20: {  	s1 =	sshra.s32 s0, $0x2  }
0x21: {  	s0 =	sadd.s32 $0x40, s0;
	[tilespmem:s1+$0x3E80] =	vst v0  }
0x22: {  	[dreg:$0xb] =	wrdreg s14  }
0x23: {  	s0 =	rddreg [dreg:$0xa];
	p0 =	sgt.u32 s9, $0x31  }
0x24: {  	s5 =	rddreg [dreg:$0x11];
	s0 =	sadd.s32 @!p0 $0x0, s0;
	s1 =	sshll.u32 @!p0 s9, $0x6  }
0x25: {  	s2 =	simm.s32 @!p0 $0x3;
	s1 =	sor.u32 @!p0 $0x1C03, s1;
	s0 =	sshrl.u32 @!p0 s0, $0x3  }
0x26: {  	[spmem:s0], [sflag:s1] =	dma.local @!p0 [hbm:s5], $0xFA  }
0x27: {  	_ =	swait.ge @!p0 [sflag:s2], $0xFA  }
0x28: {  	[sflag:s2] =	ssyncset.done @!p0 $0x0  }
0x29: {  	s3 =	simm.s32 @!p0 $0x3E80;
	s0 =	sadd.s32 @!p0 $0x0, s17;
	[sflag:s2] =	ssyncadd.s32 @!p0 $0xFFFFFF06  }
0x2a: {  	[spmem:s0] =	stream.linear.scatter @!p0 [tilespmem:s3], [sflag:$0x3], $0x7D0, $0x38;
	[tilespmem:$0x109D0] =	vst v63  }
0x2b: {  	_ =	swait.ge @!p0 [sflag:s2], $0x7D0  }
0x2c: {  	s0 =	sadd.s32 @!p0 $0x0, s18;
	[sflag:s2] =	ssyncset.done @!p0 $0x0  }
0x2d: {  	s4 =	sadd.s32 @!p0 $0x30D4, s5;
	s0 =	sshrl.u32 @!p0 s0, $0x3;
	[sflag:s2] =	ssyncadd.s32 @!p0 $0xFFFFF830  }
0x2e: {  	[spmem:s0], [sflag:s1] =	dma.local @!p0 [hbm:s4], $0xFA  }
0x2f: {  	_ =	swait.ge @!p0 [sflag:s2], $0xFA  }
0x30: {  	[sflag:s2] =	ssyncset.done @!p0 $0x0  }
0x31: {  	s0 =	sadd.s32 @!p0 $0x0, s19;
	[sflag:s2] =	ssyncadd.s32 @!p0 $0xFFFFFF06  }
0x32: {  	[spmem:s0] =	stream.linear.scatter @!p0 [tilespmem:s3], [sflag:$0x3], $0x7D0, $0x38;
	[tilespmem:$0x109D0] =	vst v63  }
0x33: {  	_ =	swait.ge @!p0 [sflag:s2], $0x7D0  }
0x34: {  	s0 =	sadd.s32 @!p0 $0x0, s24;
	[sflag:s2] =	ssyncset.done @!p0 $0x0  }
0x35: {  	s4 =	sadd.s32 @!p0 $0x61A8, s5;
	s0 =	sshrl.u32 @!p0 s0, $0x3;
	[sflag:s2] =	ssyncadd.s32 @!p0 $0xFFFFF830  }
0x36: {  	[spmem:s0], [sflag:s1] =	dma.local @!p0 [hbm:s4], $0xFA  }
0x37: {  	_ =	swait.ge @!p0 [sflag:s2], $0xFA  }
0x38: {  	[sflag:s2] =	ssyncset.done @!p0 $0x0  }
0x39: {  	s0 =	sadd.s32 @!p0 $0x0, s25;
	[sflag:s2] =	ssyncadd.s32 @!p0 $0xFFFFFF06  }
0x3a: {  	[spmem:s0] =	stream.linear.scatter @!p0 [tilespmem:s3], [sflag:$0x3], $0x7D0, $0x38;
	[tilespmem:$0x109D0] =	vst v63  }
0x3b: {  	_ =	swait.ge @!p0 [sflag:s2], $0x7D0  }
0x3c: {  	s0 =	sadd.s32 @!p0 $0x0, s26;
	[sflag:s2] =	ssyncset.done @!p0 $0x0  }
0x3d: {  	s4 =	sadd.s32 @!p0 $0x927C, s5;
	s0 =	sshrl.u32 @!p0 s0, $0x3;
	[sflag:s2] =	ssyncadd.s32 @!p0 $0xFFFFF830  }
0x3e: {  	[spmem:s0], [sflag:s1] =	dma.local @!p0 [hbm:s4], $0xFA  }
0x3f: {  	_ =	swait.ge @!p0 [sflag:s2], $0xFA  }
0x40: {  	s10 =	simm.s32 $0x1F400;
	[sflag:s2] =	ssyncset.done @!p0 $0x0  }
0x41: {  	s0 =	sadd.s32 @!p0 $0x0, s28;
	[sflag:s2] =	ssyncadd.s32 @!p0 $0xFFFFFF06;
	s2 =	simm.s32 @!p0 $0x2  }
0x42: {  	[spmem:s0] =	stream.linear.scatter @!p0 [tilespmem:s3], [sflag:$0x2], $0x7D0, $0x38;
	[tilespmem:$0x109D0] =	vst v63  }
0x43: {  	s1 =	simm.s32 $0x3E800;
	s0 =	sadd.s32 $0xFA0, s5;
	_ =	swait.ge @!p0 [sflag:s2], $0x7D0  }
0x44: {  	s3 =	sadd.s32 $0x10, s9;
	s4 =	rddreg [dreg:$0xa];
	[sflag:s2] =	ssyncset.done @!p0 $0x0  }
.LBB2_4:
0x45: {  	[sflag:s2] =	ssyncadd.s32 @!p0 $0xFFFFF830;
	p0 =	sgt.u32 s3, $0x31  }
0x46: {  	s6 =	sshra.s32 @!p0 s10, $0x2  }
0x47: {  	s2 =	sadd.s32 @!p0 s6, s4;
	s4 =	sshll.u32 @!p0 s9, $0x6  }
0x48: {  	s5 =	sor.u32 @!p0 $0x1C03, s4;
	s2 =	sshrl.u32 @!p0 s2, $0x3;
	s4 =	simm.s32 @!p0 $0x3  }
0x49: {  	[spmem:s2], [sflag:s5] =	dma.local @!p0 [hbm:s0], $0xFA  }
0x4a: {  	_ =	swait.ge @!p0 [sflag:s4], $0xFA  }
0x4b: {  	[sflag:s4] =	ssyncset.done @!p0 $0x0  }
0x4c: {  	s12 =	simm.s32 @!p0 $0x3E80;
	s7 =	sadd.s32 @!p0 s6, s17;
	[sflag:s4] =	ssyncadd.s32 @!p0 $0xFFFFFF06  }
0x4d: {  	[spmem:s7] =	stream.linear.scatter @!p0 [tilespmem:s12], [sflag:$0x3], $0x7D0, $0x38;
	[tilespmem:$0x109D0] =	vst v63  }
0x4e: {  	_ =	swait.ge @!p0 [sflag:s4], $0x7D0  }
0x4f: {  	s2 =	sadd.s32 @!p0 s6, s18;
	[sflag:s4] =	ssyncset.done @!p0 $0x0  }
0x50: {  	s13 =	sadd.s32 @!p0 $0x30D4, s0;
	s2 =	sshrl.u32 @!p0 s2, $0x3;
	[sflag:s4] =	ssyncadd.s32 @!p0 $0xFFFFF830  }
0x51: {  	[spmem:s2], [sflag:s5] =	dma.local @!p0 [hbm:s13], $0xFA  }
0x52: {  	_ =	swait.ge @!p0 [sflag:s4], $0xFA  }
0x53: {  	[sflag:s4] =	ssyncset.done @!p0 $0x0  }
0x54: {  	s8 =	sadd.s32 @!p0 s6, s19;
	[sflag:s4] =	ssyncadd.s32 @!p0 $0xFFFFFF06  }
0x55: {  	[spmem:s8] =	stream.linear.scatter @!p0 [tilespmem:s12], [sflag:$0x3], $0x7D0, $0x38;
	[tilespmem:$0x109D0] =	vst v63  }
0x56: {  	_ =	swait.ge @!p0 [sflag:s4], $0x7D0  }
0x57: {  	s11 =	sadd.s32 @!p0 s6, s24;
	[sflag:s4] =	ssyncset.done @!p0 $0x0  }
0x58: {  	s11 =	sshrl.u32 @!p0 s11, $0x3;
	s2 =	sadd.s32 @!p0 $0x61A8, s0;
	[sflag:s4] =	ssyncadd.s32 @!p0 $0xFFFFF830  }
0x59: {  	[spmem:s11], [sflag:s5] =	dma.local @!p0 [hbm:s2], $0xFA  }
0x5a: {  	_ =	swait.ge @!p0 [sflag:s4], $0xFA  }
0x5b: {  	[sflag:s4] =	ssyncset.done @!p0 $0x0  }
0x5c: {  	s7 =	sadd.s32 @!p0 s6, s25;
	[sflag:s4] =	ssyncadd.s32 @!p0 $0xFFFFFF06  }
0x5d: {  	[spmem:s7] =	stream.linear.scatter @!p0 [tilespmem:s12], [sflag:$0x3], $0x7D0, $0x38;
	[tilespmem:$0x109D0] =	vst v63  }
0x5e: {  	s14 =	smov.u32 s1;
	s1 =	sadd.s32 $0x1F400, s1;
	_ =	swait.ge @!p0 [sflag:s4], $0x7D0  }
0x5f: {  	s10 =	smov.u32 s14;
	s14 =	sadd.s32 @!p0 s6, s26;
	[sflag:s4] =	ssyncset.done @!p0 $0x0  }
0x60: {  	s14 =	sshrl.u32 @!p0 s14, $0x3;
	s2 =	sadd.s32 @!p0 $0x927C, s0;
	[sflag:s4] =	ssyncadd.s32 @!p0 $0xFFFFF830  }
0x61: {  	[spmem:s14], [sflag:s5] =	dma.local @!p0 [hbm:s2], $0xFA  }
0x62: {  	p1 =	sne.s32 s1, $0x7D000;
	_ =	swait.ge @!p0 [sflag:s4], $0xFA  }
.Ltmp1:
0x63: {  	[sflag:s4] =	ssyncset.done @!p0 $0x0;
	(pc) =	sbr.rel @p1 .LBB2_4-.Ltmp1, $4  }
0x64: {  	s6 =	sadd.s32 @!p0 s6, s28;
	s2 =	simm.s32 @!p0 $0x2;
	[sflag:s4] =	ssyncadd.s32 @!p0 $0xFFFFFF06  }
0x65: {  	[spmem:s6] =	stream.linear.scatter @!p0 [tilespmem:s12], [sflag:$0x2], $0x7D0, $0x38;
	[tilespmem:$0x109D0] =	vst v63  }
0x66: {  	s3 =	sadd.s32 $0x10, s3;
	_ =	swait.ge @!p0 [sflag:s2], $0x7D0  }
0x67: {  	s0 =	sadd.s32 $0xFA0, s0;
	s4 =	rddreg [dreg:$0xa];
	[sflag:s2] =	ssyncset.done @!p0 $0x0  }
0x68: {  	p1 =	sgt.u32 s3, $0x31  }
0x69: {  	s1 =	sshra.s32 @!p1 s10, $0x2  }
0x6a: {  	[sflag:s2] =	ssyncadd.s32 @!p0 $0xFFFFF830;
	s3 =	sshll.u32 @!p1 s9, $0x6;
	s2 =	sadd.s32 @!p1 s1, s4  }
0x6b: {  	s3 =	sor.u32 @!p1 $0x1C03, s3;
	s4 =	simm.s32 @!p1 $0x3;
	s2 =	sshrl.u32 @!p1 s2, $0x3  }
0x6c: {  	[spmem:s2], [sflag:s3] =	dma.local @!p1 [hbm:s0], $0xFA  }
0x6d: {  	_ =	swait.ge @!p1 [sflag:s4], $0xFA  }
0x6e: {  	[sflag:s4] =	ssyncset.done @!p1 $0x0  }
0x6f: {  	s5 =	simm.s32 @!p1 $0x3E80;
	s2 =	sadd.s32 @!p1 s1, s17;
	[sflag:s4] =	ssyncadd.s32 @!p1 $0xFFFFFF06  }
0x70: {  	[spmem:s2] =	stream.linear.scatter @!p1 [tilespmem:s5], [sflag:$0x3], $0x7D0, $0x38;
	[tilespmem:$0x109D0] =	vst v63  }
0x71: {  	_ =	swait.ge @!p1 [sflag:s4], $0x7D0  }
0x72: {  	s2 =	sadd.s32 @!p1 s1, s18;
	[sflag:s4] =	ssyncset.done @!p1 $0x0  }
0x73: {  	s6 =	sadd.s32 @!p1 $0x30D4, s0;
	s2 =	sshrl.u32 @!p1 s2, $0x3;
	[sflag:s4] =	ssyncadd.s32 @!p1 $0xFFFFF830  }
0x74: {  	[spmem:s2], [sflag:s3] =	dma.local @!p1 [hbm:s6], $0xFA  }
0x75: {  	_ =	swait.ge @!p1 [sflag:s4], $0xFA  }
0x76: {  	[sflag:s4] =	ssyncset.done @!p1 $0x0  }
0x77: {  	s2 =	sadd.s32 @!p1 s1, s19;
	[sflag:s4] =	ssyncadd.s32 @!p1 $0xFFFFFF06  }
0x78: {  	[spmem:s2] =	stream.linear.scatter @!p1 [tilespmem:s5], [sflag:$0x3], $0x7D0, $0x38;
	[tilespmem:$0x109D0] =	vst v63  }
0x79: {  	_ =	swait.ge @!p1 [sflag:s4], $0x7D0  }
0x7a: {  	s2 =	sadd.s32 @!p1 s1, s24;
	[sflag:s4] =	ssyncset.done @!p1 $0x0  }
0x7b: {  	s6 =	sadd.s32 @!p1 $0x61A8, s0;
	s2 =	sshrl.u32 @!p1 s2, $0x3;
	[sflag:s4] =	ssyncadd.s32 @!p1 $0xFFFFF830  }
0x7c: {  	[spmem:s2], [sflag:s3] =	dma.local @!p1 [hbm:s6], $0xFA  }
0x7d: {  	_ =	swait.ge @!p1 [sflag:s4], $0xFA  }
0x7e: {  	[sflag:s4] =	ssyncset.done @!p1 $0x0  }
0x7f: {  	s2 =	sadd.s32 @!p1 s1, s25;
	[sflag:s4] =	ssyncadd.s32 @!p1 $0xFFFFFF06  }
0x80: {  	[spmem:s2] =	stream.linear.scatter @!p1 [tilespmem:s5], [sflag:$0x3], $0x7D0, $0x38;
	[tilespmem:$0x109D0] =	vst v63  }
0x81: {  	_ =	swait.ge @!p1 [sflag:s4], $0x7D0  }
0x82: {  	s2 =	sadd.s32 @!p1 s1, s26;
	[sflag:s4] =	ssyncset.done @!p1 $0x0  }
0x83: {  	s0 =	sadd.s32 @!p1 $0x927C, s0;
	s2 =	sshrl.u32 @!p1 s2, $0x3;
	[sflag:s4] =	ssyncadd.s32 @!p1 $0xFFFFF830  }
0x84: {  	[spmem:s2], [sflag:s3] =	dma.local @!p1 [hbm:s0], $0xFA  }
0x85: {  	_ =	swait.ge @!p1 [sflag:s4], $0xFA  }
0x86: {  	[sflag:s4] =	ssyncset.done @!p1 $0x0  }
0x87: {  	s0 =	sadd.s32 @!p1 s1, s28;
	s1 =	simm.s32 @!p1 $0x2;
	[sflag:s4] =	ssyncadd.s32 @!p1 $0xFFFFFF06  }
0x88: {  	[spmem:s0] =	stream.linear.scatter @!p1 [tilespmem:s5], [sflag:$0x2], $0x7D0, $0x38;
	[tilespmem:$0x109D0] =	vst v63  }
0x89: {  	_ =	swait.ge @!p1 [sflag:s1], $0x7D0  }
0x8a: {  	[sflag:s1] =	ssyncset.done @!p1 $0x0  }
0x8b: {  	[sflag:s1] =	ssyncadd.s32 @!p1 $0xFFFFF830  }
0x8c: {  	[bflag:$0x0] =	sbarrier.arrive $0xFFFF  }
0x8d: {  	s4 =	rddreg [dreg:$0x2]  }
0x8e: {  	s5 =	rddreg [dreg:$0x3]  }
0x8f: {  	s6 =	rddreg [dreg:$0x4]  }
0x90: {  	s7 =	rddreg [dreg:$0x5]  }
0x91: {  	s8 =	rddreg [dreg:$0x6]  }
0x92: {  	s11 =	rddreg [dreg:$0x7]  }
0x93: {  	s12 =	rddreg [dreg:$0x8]  }
0x94: {  	s13 =	rddreg [dreg:$0xc]  }
0x95: {  	s10 =	simm.s32 $0x0;
	s0 =	simm.s32 $0x0;
	s14 =	rddreg [dreg:$0xd]  }
.LBB2_6:
0x96: {  	s1 =	sshll.u32 s0, $0x5;
	s2 =	rddreg [dreg:$0x12]  }
0x97: {  	s3 =	rddreg [dreg:$0xe];
	s1 =	sor.u32 s1, s2  }
0x98: {  	s1 =	sor.u32 s3, s1  }
0x99: {  	s1 =	smul.u32 $0x1F4, s1;
	_ =	sdelay $0x1  }
0x9a: {  	s3 =	sadd.s32 s13, s1  }
0x9b: {  	[tilespmem:s10], [sflag:$0x2] =	stream.linear.gather [hbm4b:s3+s10], $0xFA0, $0x38;
	[tilespmem:$0x109D0] =	vst v63  }
0x9c: {  	_ =	swait.ge [sflag:s30], $0xFA0  }
0x9d: {  	[sflag:s30] =	ssyncset.done $0x0  }
0x9e: {  	s3 =	sadd.s32 s14, s1;
	[sflag:s30] =	ssyncadd.s32 $0xFFFFF060  }
0x9f: {  	[tilespmem:s31], [sflag:$0x2] =	stream.linear.gather [hbm4b:s3+s10], $0xFA0, $0x38;
	[tilespmem:$0x109D0] =	vst v63  }
0xa0: {  	_ =	swait.ge [sflag:s30], $0xFA0  }
0xa1: {  	[sflag:s30] =	ssyncset.done $0x0;
	s3 =	rddreg [dreg:$0xf]  }
0xa2: {  	[sflag:s30] =	ssyncadd.s32 $0xFFFFF060;
	s1 =	sadd.s32 s3, s1;
	s3 =	simm.s32 $0x1F40  }
0xa3: {  	[tilespmem:s3], [sflag:$0x2] =	stream.linear.gather [hbm4b:s1+s10], $0xFA0, $0x38;
	[tilespmem:$0x109D0] =	vst v63  }
0xa4: {  	_ =	swait.ge [sflag:s30], $0xFA0  }
0xa5: {  	[sflag:s30] =	ssyncset.done $0x0  }
0xa6: {  	[sflag:s30] =	ssyncadd.s32 $0xFFFFF060  }
0xa7: {  	[tilespmem:s15], [sflag:$0x1] =	stream.indirect.gather [spmem:s29], $0x1, s10, s31, $0xb8;
	[tilespmem:$0x109D0] =	vst v63  }
0xa8: {  	_ =	swait.ge [sflag:s16], $0xFA0  }
0xa9: {  	[sflag:s16] =	ssyncset.done $0x0  }
0xaa: {  	s1 =	simm.s32 $0x0;
	[sflag:s16] =	ssyncadd.s32 $0xFFFFF060  }
0xab: {  	s2 =	simm.s32 $0x40;
	v1 =	vld [tilespmem:s1+$0x1F40]  }
.LBB2_7:
0xac: {  	p0 =	sne.s32 s2, $0x3E40;
	v2 =	vld [tilespmem:s1+$0x2EE0];
	_ =	sdelay $0x2  }
.Ltmp2:
0xad: {  	(pc) =	sbr.rel @p0 .LBB2_7-.Ltmp2, $4  }
0xae: {  	_ = 	snop  }
0xaf: {  	v2 =	vmul.f32 v1, v2  }
0xb0: {  	s3 =	sshra.s32 s2, $0x2  }
0xb1: {  	s2 =	sadd.s32 $0x40, s2;
	v1 =	vld [tilespmem:s3+$0x1F40];
	[tilespmem:s1+$0x2EE0] =	vst v2;
	s1 =	smov.u32 s3  }
0xb2: {  	v2 =	vld [tilespmem:s1+$0x2EE0];
	_ =	sdelay $0x4  }
0xb3: {  	v1 =	vmul.f32 v1, v2;
	_ =	sdelay $0x1  }
0xb4: {  	[tilespmem:s1+$0x2EE0] =	vst v1  }
0xb5: {  	[spmem:s4] =	stream.indirect.scatter.add.f32 [tilespmem:s15], [sflag:$0x2], $0x1, s31, s31, $0xb8;
	[tilespmem:$0x109D0] =	vst v63  }
0xb6: {  	_ =	swait.ge [sflag:s30], $0xFA0  }
0xb7: {  	[sflag:s30] =	ssyncset.done $0x0  }
0xb8: {  	s3 =	simm.s32 $0x0;
	[sflag:s30] =	ssyncadd.s32 $0xFFFFF060  }
0xb9: {  	[tilespmem:s15], [sflag:$0x1] =	stream.indirect.gather [spmem:s5], $0x1, s3, s31, $0xb8;
	[tilespmem:$0x109D0] =	vst v63  }
0xba: {  	_ =	swait.ge [sflag:s16], $0xFA0  }
0xbb: {  	[sflag:s16] =	ssyncset.done $0x0  }
0xbc: {  	s1 =	simm.s32 $0x0;
	[sflag:s16] =	ssyncadd.s32 $0xFFFFF060  }
0xbd: {  	s2 =	simm.s32 $0x40;
	v1 =	vld [tilespmem:s1+$0x1F40]  }
.LBB2_9:
0xbe: {  	p0 =	sne.s32 s2, $0x3E40;
	v2 =	vld [tilespmem:s1+$0x2EE0];
	_ =	sdelay $0x2  }
.Ltmp3:
0xbf: {  	(pc) =	sbr.rel @p0 .LBB2_9-.Ltmp3, $4  }
0xc0: {  	_ = 	snop  }
0xc1: {  	v2 =	vmul.f32 v1, v2  }
0xc2: {  	s3 =	sshra.s32 s2, $0x2  }
0xc3: {  	s2 =	sadd.s32 $0x40, s2;
	v1 =	vld [tilespmem:s3+$0x1F40];
	[tilespmem:s1+$0x2EE0] =	vst v2;
	s1 =	smov.u32 s3  }
0xc4: {  	v2 =	vld [tilespmem:s1+$0x2EE0];
	_ =	sdelay $0x4  }
0xc5: {  	v1 =	vmul.f32 v1, v2;
	_ =	sdelay $0x1  }
0xc6: {  	[tilespmem:s1+$0x2EE0] =	vst v1  }
0xc7: {  	[spmem:s6] =	stream.indirect.scatter.add.f32 [tilespmem:s15], [sflag:$0x2], $0x1, s31, s31, $0xb8;
	[tilespmem:$0x109D0] =	vst v63  }
0xc8: {  	_ =	swait.ge [sflag:s30], $0xFA0  }
0xc9: {  	[sflag:s30] =	ssyncset.done $0x0  }
0xca: {  	s3 =	simm.s32 $0x0;
	[sflag:s30] =	ssyncadd.s32 $0xFFFFF060  }
0xcb: {  	[tilespmem:s15], [sflag:$0x1] =	stream.indirect.gather [spmem:s7], $0x1, s3, s31, $0xb8;
	[tilespmem:$0x109D0] =	vst v63  }
0xcc: {  	_ =	swait.ge [sflag:s16], $0xFA0  }
0xcd: {  	[sflag:s16] =	ssyncset.done $0x0  }
0xce: {  	s1 =	simm.s32 $0x0;
	[sflag:s16] =	ssyncadd.s32 $0xFFFFF060  }
0xcf: {  	s2 =	simm.s32 $0x40;
	v1 =	vld [tilespmem:s1+$0x1F40]  }
.LBB2_11:
0xd0: {  	p0 =	sne.s32 s2, $0x3E40;
	v2 =	vld [tilespmem:s1+$0x2EE0];
	_ =	sdelay $0x2  }
.Ltmp4:
0xd1: {  	(pc) =	sbr.rel @p0 .LBB2_11-.Ltmp4, $4  }
0xd2: {  	_ = 	snop  }
0xd3: {  	v2 =	vmul.f32 v1, v2  }
0xd4: {  	s3 =	sshra.s32 s2, $0x2  }
0xd5: {  	s2 =	sadd.s32 $0x40, s2;
	v1 =	vld [tilespmem:s3+$0x1F40];
	[tilespmem:s1+$0x2EE0] =	vst v2;
	s1 =	smov.u32 s3  }
0xd6: {  	v2 =	vld [tilespmem:s1+$0x2EE0];
	_ =	sdelay $0x4  }
0xd7: {  	v1 =	vmul.f32 v1, v2;
	_ =	sdelay $0x1  }
0xd8: {  	[tilespmem:s1+$0x2EE0] =	vst v1  }
0xd9: {  	[spmem:s8] =	stream.indirect.scatter.add.f32 [tilespmem:s15], [sflag:$0x2], $0x1, s31, s31, $0xb8;
	[tilespmem:$0x109D0] =	vst v63  }
0xda: {  	_ =	swait.ge [sflag:s30], $0xFA0  }
0xdb: {  	[sflag:s30] =	ssyncset.done $0x0  }
0xdc: {  	s3 =	simm.s32 $0x0;
	[sflag:s30] =	ssyncadd.s32 $0xFFFFF060  }
0xdd: {  	[tilespmem:s15], [sflag:$0x1] =	stream.indirect.gather [spmem:s11], $0x1, s3, s31, $0xb8;
	[tilespmem:$0x109D0] =	vst v63  }
0xde: {  	_ =	swait.ge [sflag:s16], $0xFA0  }
0xdf: {  	[sflag:s16] =	ssyncset.done $0x0  }
0xe0: {  	s1 =	simm.s32 $0x0;
	[sflag:s16] =	ssyncadd.s32 $0xFFFFF060  }
0xe1: {  	s2 =	simm.s32 $0x40;
	v1 =	vld [tilespmem:s1+$0x1F40]  }
.LBB2_13:
0xe2: {  	p0 =	sne.s32 s2, $0x3E40;
	v2 =	vld [tilespmem:s1+$0x2EE0];
	_ =	sdelay $0x2  }
.Ltmp5:
0xe3: {  	(pc) =	sbr.rel @p0 .LBB2_13-.Ltmp5, $4  }
0xe4: {  	_ = 	snop  }
0xe5: {  	v2 =	vmul.f32 v1, v2  }
0xe6: {  	s3 =	sshra.s32 s2, $0x2  }
0xe7: {  	s2 =	sadd.s32 $0x40, s2;
	v1 =	vld [tilespmem:s3+$0x1F40];
	[tilespmem:s1+$0x2EE0] =	vst v2;
	s1 =	smov.u32 s3  }
0xe8: {  	v2 =	vld [tilespmem:s1+$0x2EE0];
	_ =	sdelay $0x4  }
0xe9: {  	s0 =	sadd.s32 $0x1, s0;
	v1 =	vmul.f32 v1, v2  }
0xea: {  	p0 =	sne.s32 s0, $0x32  }
.Ltmp6:
0xeb: {  	[tilespmem:s1+$0x2EE0] =	vst v1;
	(pc) =	sbr.rel @p0 .LBB2_6-.Ltmp6, $4  }
0xec: {  	[spmem:s12] =	stream.indirect.scatter.add.f32 [tilespmem:s15], [sflag:$0x2], $0x1, s31, s31, $0xb8;
	[tilespmem:$0x109D0] =	vst v63  }
0xed: {  	_ =	swait.ge [sflag:s30], $0xFA0  }
0xee: {  	[sflag:s30] =	ssyncset.done $0x0  }
0xef: {  	[sflag:s30] =	ssyncadd.s32 $0xFFFFF060  }
0xf0: {  	p0 =	sgt.u32 s9, $0x31  }
0xf1: {  	[bflag:$0x0] =	sbarrier.arrive $0xFFFF;
	s0 =	sadd.s32 @!p0 $0x0, s23;
	s2 =	sshll.u32 @!p0 s9, $0x6  }
0xf2: {  	s3 =	sshrl.u32 @!p0 s17, $0x3;
	s4 =	simm.s32 @!p0 $0x3;
	s1 =	sor.u32 @!p0 $0x1C03, s2  }
0xf3: {  	[hbm:s0], [sflag:s1] =	dma.local @!p0 [spmem:s3], $0xFA  }
0xf4: {  	_ =	swait.ge @!p0 [sflag:s4], $0xFA  }
0xf5: {  	[sflag:s4] =	ssyncset.done @!p0 $0x0;
	p0 =	por p0, p0  }
0xf6: {  	[sflag:s4] =	ssyncadd.s32 @!p0 $0xFFFFFF06;
	s0 =	sadd.s32 @!p0 $0x0, s22;
	s3 =	sshrl.u32 @!p0 s19, $0x3  }
0xf7: {  	[hbm:s0], [sflag:s1] =	dma.local @!p0 [spmem:s3], $0xFA  }
0xf8: {  	s5 =	simm.s32 $0x1F40;
	_ =	swait.ge @!p0 [sflag:s4], $0xFA  }
0xf9: {  	s10 =	sadd.s32 $0x7D00, s28;
	s6 =	sshrl.u32 @!p0 s25, $0x3;
	[sflag:s4] =	ssyncset.done @!p0 $0x0  }
0xfa: {  	s7 =	sadd.s32 @!p0 $0x0, s20;
	s3 =	sadd.s32 @!p0 $0x0, s21;
	[sflag:s4] =	ssyncadd.s32 @!p0 $0xFFFFFF06  }
0xfb: {  	[hbm:s3], [sflag:s1] =	dma.local @!p0 [spmem:s6], $0xFA  }
0xfc: {  	s8 =	sshrl.u32 @!p0 s28, $0x3;
	s2 =	sor.u32 @!p0 $0x1C02, s2;
	_ =	swait.ge @!p0 [sflag:s4], $0xFA  }
0xfd: {  	s0 =	simm.s32 $0xFA0;
	s6 =	sadd.s32 $0x10, s9;
	[sflag:s4] =	ssyncset.done @!p0 $0x0  }
0xfe: {  	s3 =	sadd.s32 $0x7D00, s19;
	p1 =	sgt.u32 s6, $0x31;
	[sflag:s4] =	ssyncadd.s32 @!p0 $0xFFFFFF06  }
0xff: {  	[hbm:s7], [sflag:s2] =	dma.local @!p0 [spmem:s8], $0xFA  }
0x100: {  	s1 =	sadd.s32 $0x7D00, s25;
	s4 =	sshll.u32 @!p1 s9, $0x6;
	s8 =	simm.s32 @!p0 $0x2  }
0x101: {  	s7 =	sadd.s32 $0x7D00, s17;
	s2 =	sadd.s32 @!p1 $0xFA0, s23;
	_ =	swait.ge @!p0 [sflag:s8], $0xFA  }
.LBB2_16:
0x102: {  	s11 =	sor.u32 @!p1 $0x1C03, s4;
	s12 =	sshrl.u32 @!p1 s7, $0x3;
	[sflag:s8] =	ssyncset.done @!p0 $0x0  }
0x103: {  	s13 =	smov.u32 s0;
	s0 =	smov.u32 s5;
	s14 =	smov.u32 s10  }
0x104: {  	s5 =	sadd.s32 $0xFA0, s5;
	s29 =	simm.s32 @!p1 $0x3;
	[sflag:s8] =	ssyncadd.s32 @!p0 $0xFFFFFF06  }
0x105: {  	[hbm:s2], [sflag:s11] =	dma.local @!p1 [spmem:s12], $0xFA  }
0x106: {  	p2 =	sne.s32 s5, $0x3E80;
	s2 =	smov.u32 s1;
	_ =	swait.ge @!p1 [sflag:s29], $0xFA  }
0x107: {  	s10 =	sadd.s32 $0x7D00, s10;
	p0 =	por p1, p1;
	[sflag:s29] =	ssyncset.done @!p1 $0x0  }
0x108: {  	s8 =	sadd.s32 @!p0 s13, s22;
	s12 =	sshrl.u32 @!p0 s3, $0x3;
	[sflag:s29] =	ssyncadd.s32 @!p0 $0xFFFFFF06  }
0x109: {  	[hbm:s8], [sflag:s11] =	dma.local @!p0 [spmem:s12], $0xFA  }
0x10a: {  	s3 =	sadd.s32 $0x7D00, s3;
	s1 =	sadd.s32 $0x7D00, s1;
	_ =	swait.ge @!p0 [sflag:s29], $0xFA  }
0x10b: {  	s7 =	sadd.s32 $0x7D00, s7;
	s6 =	sadd.s32 $0x10, s6;
	[sflag:s29] =	ssyncset.done @!p0 $0x0  }
0x10c: {  	s2 =	sshrl.u32 @!p0 s2, $0x3;
	s8 =	sadd.s32 @!p0 s13, s21;
	[sflag:s29] =	ssyncadd.s32 @!p0 $0xFFFFFF06  }
0x10d: {  	[hbm:s8], [sflag:s11] =	dma.local @!p0 [spmem:s2], $0xFA  }
.Ltmp7:
0x10e: {  	s8 =	simm.s32 @!p0 $0x2;
	_ =	swait.ge @!p0 [sflag:s29], $0xFA;
	(pc) =	sbr.rel @p2 .LBB2_16-.Ltmp7, $4  }
0x10f: {  	s2 =	sadd.s32 @!p0 s13, s20;
	s11 =	sshrl.u32 @!p0 s14, $0x3;
	[sflag:s29] =	ssyncset.done @!p0 $0x0  }
0x110: {  	s4 =	sor.u32 @!p0 $0x1C02, s4;
	p1 =	sgt.u32 s6, $0x31;
	[sflag:s29] =	ssyncadd.s32 @!p0 $0xFFFFFF06  }
0x111: {  	[hbm:s2], [sflag:s4] =	dma.local @!p0 [spmem:s11], $0xFA  }
0x112: {  	s2 =	sadd.s32 @!p1 s0, s23;
	s4 =	sshll.u32 @!p1 s9, $0x6;
	_ =	swait.ge @!p0 [sflag:s8], $0xFA  }
0x113: {  	s5 =	sor.u32 @!p1 $0x1C03, s4;
	[sflag:s8] =	ssyncset.done @!p0 $0x0  }
0x114: {  	s6 =	sshrl.u32 @!p1 s7, $0x3;
	s7 =	simm.s32 @!p1 $0x3;
	[sflag:s8] =	ssyncadd.s32 @!p0 $0xFFFFFF06  }
0x115: {  	[hbm:s2], [sflag:s5] =	dma.local @!p1 [spmem:s6], $0xFA  }
0x116: {  	_ =	swait.ge @!p1 [sflag:s7], $0xFA  }
0x117: {  	p0 =	por p1, p1;
	[sflag:s7] =	ssyncset.done @!p1 $0x0  }
0x118: {  	s2 =	sadd.s32 @!p0 s0, s22;
	s3 =	sshrl.u32 @!p0 s3, $0x3;
	[sflag:s7] =	ssyncadd.s32 @!p0 $0xFFFFFF06  }
0x119: {  	[hbm:s2], [sflag:s5] =	dma.local @!p0 [spmem:s3], $0xFA  }
0x11a: {  	_ =	swait.ge @!p0 [sflag:s7], $0xFA  }
0x11b: {  	[sflag:s7] =	ssyncset.done @!p0 $0x0  }
0x11c: {  	s1 =	sshrl.u32 @!p0 s1, $0x3;
	s2 =	sadd.s32 @!p0 s0, s21;
	[sflag:s7] =	ssyncadd.s32 @!p0 $0xFFFFFF06  }
0x11d: {  	[hbm:s2], [sflag:s5] =	dma.local @!p0 [spmem:s1], $0xFA  }
0x11e: {  	_ =	swait.ge @!p0 [sflag:s7], $0xFA  }
0x11f: {  	s0 =	sadd.s32 @!p0 s0, s20;
	s3 =	sor.u32 @!p0 $0x1C02, s4;
	[sflag:s7] =	ssyncset.done @!p0 $0x0  }
0x120: {  	s1 =	simm.s32 @!p0 $0x2;
	s2 =	sshrl.u32 @!p0 s10, $0x3;
	[sflag:s7] =	ssyncadd.s32 @!p0 $0xFFFFFF06  }
0x121: {  	[hbm:s0], [sflag:s3] =	dma.local @!p0 [spmem:s2], $0xFA  }
0x122: {  	_ =	swait.ge @!p0 [sflag:s1], $0xFA  }
0x123: {  	s14 =	rddreg [dreg:$0xb]  }
0x124: {  	s13 =	rddreg [dreg:$0x10];
	s14 =	sadd.s32 $0x1, s14  }
0x125: {  	p1 =	sne.s32 s14, s13  }
.Ltmp8:
0x126: {  	_ = 	snop;
	(pc) =	sbr.rel @p1 .LBB2_1-.Ltmp8, $4  }
0x127: {  	_ = 	snop  }
0x128: {  	[sflag:s1] =	ssyncset.done @!p0 $0x0  }
0x129: {  	[sflag:s1] =	ssyncadd.s32 @!p0 $0xFFFFFF06  }
0x12a: {  	s29 =	rddreg [dreg:$0x1]  }
0x12b: {  	_ =	sfence.sel $0x180000  }
0x12c: {  	[bflag:$0x0] =	sbarrier.arrive $0xFFFF  }
0x12d: {  	_ =	strace $0x9000004A  }
0x12e: {  	[bflag:$0x2] =	sbarrier.arrive $0xFFFF  }
0x12f: {  	p0 =	sne.s32 s9, $0x0;
	s0 =	rddreg [dreg:$0x9]  }
0x130: {  	s0 =	sadd.s32 @!p0 $0x100000, s0  }
0x131: {  	[sflag:s0] =	ssyncadd.tile.s32 @!p0 $0x1;
	_ =	shalt  }
.Lfunc_end2:
_tile_overlayer_lowered:
.L_overlay_start_2:
0x132: {  	(tag) =	ssettag $0x2  }
0x133: {  	s0 =	rddreg [dreg:$0x0];
	s2 =	stileid.u32  }
0x134: {  	s1 =	rddreg [dreg:$0x1];
	p0 =	sne.s32 s2, $0x0  }
0x135: {  	s3 =	rddreg [dreg:$0x2];
	[bflag:$0x3] =	sbarrier.arrive $0xFFFF;
	s2 =	simm.s32 @!p0 $0x1C02  }
0x136: {  	[timem:s3], [sflag:s2] =	dma.local @!p0 [hbm:s0], s1  }
0x137: {  	s0 =	simm.s32 @!p0 $0x2  }
0x138: {  	_ =	swait.ge @!p0 [sflag:s0], s1  }
0x139: {  	s1 =	ssub.s32 @!p0 $0x0, s1;
	[sflag:s0] =	ssyncset.done @!p0 $0x0  }
0x13a: {  	[sflag:s0] =	ssyncadd.s32 @!p0 s1  }
0x13b: {  	[bflag:$0x3] =	sbarrier.arrive $0xFFFF  }
0x13c: {  	_ =	shalt  }

// kernel: kernel.14.cloned.1.call-start
scs
__scs_entry_jumppad:
0x0: {  	(pc) =	sbr.rel $0x88, $3  }
0x1: {  	(tag) =	ssettag $0x0;
	lr =	simm.s32 $0x1  }
0x2: {  	[smem:$0x3F96] =	sst lr;
	_ =	strace $0xD0000000  }
0x3: {  	_ = 	snop  }
0x4: {  	_ = 	snop  }
0x5: {  	_ = 	snop  }
0x6: {  	_ = 	snop  }
0x7: {  	_ = 	snop  }
__scs_overlays_trampoline_lowered:
0x8: {  	[smem:$0x3FA5] =	sst s0  }
0x9: {  	[smem:$0x3FA6] =	sst s1  }
0xa: {  	[smem:$0x3FA7] =	sst s2  }
0xb: {  	[smem:$0x3FA8] =	sst s3  }
0xc: {  	[smem:$0x3FA9] =	sst s4  }
0xd: {  	[smem:$0x3FAA] =	sst s5  }
0xe: {  	[smem:$0x3FAB] =	sst s6  }
0xf: {  	[smem:$0x3FAC] =	sst s7  }
0x10: {  	[smem:$0x3FAD] =	sst s8  }
0x11: {  	[smem:$0x3FAE] =	sst s9;
	s0 =	simm.s32 @!p0 $0x0  }
0x12: {  	s1 =	sld [smem:$0x3F94];
	s0 =	simm.s32 @p0 $0x1  }
0x13: {  	[smem:$0x3FAF] =	sst s0;
	s0 =	simm.s32 @!p1 $0x0  }
0x14: {  	s2 =	sld [smem:$0x3F93];
	s0 =	simm.s32 @p1 $0x1  }
0x15: {  	[smem:$0x3FB0] =	sst s0;
	s0 =	simm.s32 @!p2 $0x0  }
0x16: {  	s3 =	sld [smem:$0x3FDB];
	s0 =	simm.s32 @p2 $0x1  }
0x17: {  	s4 =	simm.s32 $0x1BF5;
	[smem:$0x3FB2] =	sst s0  }
0x18: {  	s0 =	sld [smem:$0x3F95];
	_ =	swait.ge [sflag:s4], $0x0  }
0x19: {  	s7 =	sld [smem:$0x3F96]  }
0x1a: {  	s8 =	sadd.s32 $0xFFFFE003, lr  }
0x1b: {  	s9 =	sadd.s32 $0xFFFFFEF7, lr;
	s5 =	simm.s32 $0xFFFFFFFF;
	p2 =	slt.u32 s8, $0xFFFFF086  }
0x1c: {  	p1 =	slt.u32 s9, $0xF7A;
	s5 =	simm.s32 @!p2 $0x0  }
0x1d: {  	s5 =	simm.s32 @p1 $0x1;
	p0 =	seq.s32 s7, s2  }
0x1e: {  	s7 =	smul.u32 @!p0 $0xF7A, s2;
	p2 =	seq.s32 @!p0 s5, $0x0  }
0x1f: {  	s9 =	smul.u32 $0xF7A, s1;
	s8 =	simm.s32 @!p0 $0x1BF5;
	p2 =	por !p2, p0  }
0x20: {  	[sflag:s8] =	ssyncset.s32 @!p0 $0xFFFFF086;
	s6 =	sadd.s32 @!p0 s3, s7;
	s7 =	simm.s32 @!p0 $0x108  }
0x21: {  	s3 =	sadd.s32 s3, s9;
	s6 =	sadd.s32 @!p0 $0x88, s6;
	s7 =	simm.s32 @p2 $0x1082  }
0x22: {  	[simem:s7], [sflag:s8] =	dma.local @!p0 [hbm:s6], $0xF7A  }
0x23: {  	s9 =	sor.u32 $0xD0000000, s2;
	s6 =	simm.s32 $0x108;
	_ =	swait.ge @!p0 [sflag:s8], $0x0  }
0x24: {  	s3 =	sadd.s32 $0x88, s3;
	s6 =	simm.s32 @!p1 $0x1082;
	[sflag:s4] =	ssyncset.s32 $0xFFFFF086  }
0x25: {  	[simem:s6], [sflag:s4] =	dma.local [hbm:s3], $0xF7A  }
0x26: {  	[smem:$0x3F96] =	sst s1;
	(tag) =	ssettag s2;
	_ =	strace s9  }
0x27: {  	s1 =	sld [smem:$0x3FA6]  }
0x28: {  	s2 =	sld [smem:$0x3FA7]  }
0x29: {  	s4 =	sld [smem:$0x3FA9]  }
0x2a: {  	p0 =	seq.s32 s5, $0x0;
	s5 =	sld [smem:$0x3FAA]  }
0x2b: {  	s6 =	sld [smem:$0x3FAB]  }
0x2c: {  	s7 =	sld [smem:$0x3FAC]  }
0x2d: {  	s3 =	simm.s32 $0x108;
	s8 =	sld [smem:$0x3FAD]  }
0x2e: {  	s3 =	simm.s32 @!p0 $0x1082;
	s9 =	sld [smem:$0x3FAE]  }
0x2f: {  	lr =	sadd.s32 s0, s3;
	s0 =	sld [smem:$0x3FA5]  }
0x30: {  	s3 =	sld [smem:$0x3FA8]  }
0x31: {  	[smem:$0x3FB1] =	sst s10  }
0x32: {  	s10 =	sld [smem:$0x3FAF];
	_ =	sdelay $0x3  }
0x33: {  	p0 =	seq.s32 s10, $0x1;
	s10 =	sld [smem:$0x3FB1];
	_ =	sdelay $0x3  }
0x34: {  	[smem:$0x3FB1] =	sst s10  }
0x35: {  	s10 =	sld [smem:$0x3FB0];
	_ =	sdelay $0x3  }
0x36: {  	p1 =	seq.s32 s10, $0x1;
	s10 =	sld [smem:$0x3FB1];
	_ =	sdelay $0x3  }
0x37: {  	[smem:$0x3FB1] =	sst s10  }
0x38: {  	s10 =	sld [smem:$0x3FB2]  }
0x39: {  	_ = 	snop;
	(pc) =	sbr.ind lr, $3  }
0x3a: {  	_ = 	snop  }
0x3b: {  	_ = 	snop  }
0x3c: {  	p2 =	seq.s32 s10, $0x1;
	s10 =	sld [smem:$0x3FB1]  }
0x3d: {  	_ =	shalt  }
0x3e: {  	_ =	shalt  }
0x3f: {  	_ =	shalt  }
0x40: {  	_ =	shalt  }
0x41: {  	_ =	shalt  }
0x42: {  	_ =	shalt  }
0x43: {  	_ =	shalt  }
0x44: {  	_ =	shalt  }
0x45: {  	_ =	shalt  }
0x46: {  	_ =	shalt  }
0x47: {  	_ =	shalt  }
0x48: {  	_ =	shalt  }
0x49: {  	_ =	shalt  }
0x4a: {  	_ =	shalt  }
0x4b: {  	_ =	shalt  }
0x4c: {  	_ =	shalt  }
0x4d: {  	_ =	shalt  }
0x4e: {  	_ =	shalt  }
0x4f: {  	_ =	shalt  }
0x50: {  	_ =	shalt  }
0x51: {  	_ =	shalt  }
0x52: {  	_ =	shalt  }
0x53: {  	_ =	shalt  }
0x54: {  	_ =	shalt  }
0x55: {  	_ =	shalt  }
0x56: {  	_ =	shalt  }
0x57: {  	_ =	shalt  }
0x58: {  	_ =	shalt  }
0x59: {  	_ =	shalt  }
0x5a: {  	_ =	shalt  }
0x5b: {  	_ =	shalt  }
0x5c: {  	_ =	shalt  }
0x5d: {  	_ =	shalt  }
0x5e: {  	_ =	shalt  }
0x5f: {  	_ =	shalt  }
0x60: {  	_ =	shalt  }
0x61: {  	_ =	shalt  }
0x62: {  	_ =	shalt  }
0x63: {  	_ =	shalt  }
0x64: {  	_ =	shalt  }
0x65: {  	_ =	shalt  }
0x66: {  	_ =	shalt  }
0x67: {  	_ =	shalt  }
0x68: {  	_ =	shalt  }
0x69: {  	_ =	shalt  }
0x6a: {  	_ =	shalt  }
0x6b: {  	_ =	shalt  }
0x6c: {  	_ =	shalt  }
0x6d: {  	_ =	shalt  }
0x6e: {  	_ =	shalt  }
0x6f: {  	_ =	shalt  }
0x70: {  	_ =	shalt  }
0x71: {  	_ =	shalt  }
0x72: {  	_ =	shalt  }
0x73: {  	_ =	shalt  }
0x74: {  	_ =	shalt  }
0x75: {  	_ =	shalt  }
0x76: {  	_ =	shalt  }
0x77: {  	_ =	shalt  }
0x78: {  	_ =	shalt  }
0x79: {  	_ =	shalt  }
0x7a: {  	_ =	shalt  }
0x7b: {  	_ =	shalt  }
0x7c: {  	_ =	shalt  }
0x7d: {  	_ =	shalt  }
0x7e: {  	_ =	shalt  }
0x7f: {  	_ =	shalt  }
0x80: {  	_ =	shalt  }
0x81: {  	_ =	shalt  }
0x82: {  	_ =	shalt  }
0x83: {  	_ =	shalt  }
0x84: {  	_ =	shalt  }
0x85: {  	_ =	shalt  }
0x86: {  	_ =	shalt  }
0x87: {  	_ =	shalt  }
.Lfunc_end0:
.L_simem_size_0:
called_computation.2_lowered:
.L_overlay_start_0:
0x88: {  	s2 =	sld [smem:$0x3FD9]  }
0x89: {  	s3 =	sld [smem:$0x3FFE];
	_ =	sdelay $0x1  }
0x8a: {  	s1 =	srdreg.scid  }
0x8b: {  	s0 =	sand.u32 $0x1, s1  }
0x8c: {  	s16 =	sshll.u32 s0, $0xA;
	s2 =	sadd.s32 s3, s2  }
0x8d: {  	s2 =	sadd.s32 s2, s16  }
0x8e: {  	[smem:$0x3FBD] =	sst s2  }
0x8f: {  	_ = 	snop  }
0x90: {  	(tm) =	ssettm $0x1  }
0x91: {  	s17 =	sld [smem:$0x3FFB];
	_ =	sdelay $0x3  }
0x92: {  	_ =	strace s17  }
0x93: {  	s2 =	sld [smem:$0x3FFC];
	_ =	sdelay $0x3  }
0x94: {  	_ =	strace s2  }
0x95: {  	s2 =	sld [smem:$0x3FFD];
	_ =	sdelay $0x3  }
0x96: {  	_ =	strace s2  }
0x97: {  	_ =	strace $0x8FFFFFFF  }
0x98: {  	s18 =	sld [smem:$0x3FDB];
	_ =	sdelay $0x1  }
0x99: {  	s19 =	simm.s32 $_scs_section_size  }
0x9a: {  	s4 =	simm.s32 $_size__tile_overlayer_lowered;
	s5 =	simm.s32 $_tile_overlayer_lowered  }
0x9b: {  	s22 =	simm.s32 $0x1BFF;
	s21 =	sshll.u32 s5, $0x1;
	s2 =	sadd.s32 s19, s18  }
0x9c: {  	s6 =	simm.s32 $0x0;
	s20 =	sshll.u32 s4, $0x1;
	s4 =	sadd.s32 s21, s2  }
0x9d: {  	[timem:s6], [sflag:s22] =	dma.local [hbm:s4], s20  }
0x9e: {  	_ =	swait.ge [sflag:s22], s20  }
0x9f: {  	s3 =	ssub.s32 $0x0, s20;
	[sflag:s22] =	ssyncset.done $0x0  }
0xa0: {  	[sflag:s22] =	ssyncadd.s32 s3;
	_ =	sdelay $0x1  }
0xa1: {  	s23 =	simm.s32 $0x1B8B  }
0xa2: {  	_ =	swait.ge [sflag:s23], $0x1  }
0xa3: {  	[sflag:s23] =	ssyncset.done $0x0  }
0xa4: {  	s25 =	simm.s32 $0x1B8E;
	s24 =	sld [smem:$0x3FFE];
	[sflag:s23] =	ssyncadd.s32 $0xFFFFFFFF  }
0xa5: {  	s26 =	simm.s32 $execute0_lowered;
	[smem:$0x3FD2] =	sst s25  }
0xa6: {  	s4 =	sshll.u32 s26, $0x1;
	_ =	strace $0x8000004C;
	[dreg:$0x1] =	wrdreg $0xFFFFFFFF  }
0xa7: {  	s28 =	simm.s32 $_size_execute0_lowered;
	s2 =	sadd.s32 s2, s4;
	[dreg:$0x0] =	wrdreg $0x0  }
0xa8: {  	s4 =	sshll.u32 s28, $0x1;
	[dreg:$0x2] =	wrdreg s2  }
0xa9: {  	[dreg:$0x3] =	wrdreg s4  }
0xaa: {  	[dreg:$0x4] =	wrdreg $0xC0  }
0xab: {  	_ =	task [dreg:s6], $0x5FFFF  }
0xac: {  	[dreg:$0x1] =	wrdreg $0xFFFFFFFF  }
0xad: {  	[dreg:$0x0] =	wrdreg $0x60  }
0xae: {  	[dreg:$0x2] =	wrdreg s24  }
0xaf: {  	[dreg:$0x3] =	wrdreg $0x46500  }
0xb0: {  	[dreg:$0x4] =	wrdreg $0x77300  }
0xb1: {  	[dreg:$0x5] =	wrdreg $0x5EC00  }
0xb2: {  	[dreg:$0x6] =	wrdreg $0x8FA00  }
0xb3: {  	[dreg:$0x7] =	wrdreg $0x9  }
0xb4: {  	_ =	task.clear_ibuf [dreg:s6], $0x8FFFF;
	_ =	strace $0x9000004C  }
0xb5: {  	s29 =	simm.s32 $0x9;
	_ =	strace $0x8000004E  }
0xb6: {  	_ =	swait.ge [sflag:s29], $0x1  }
0xb7: {  	[sflag:s29] =	ssyncadd.s32 $0xFFFFFFFF  }
0xb8: {  	_ =	strace $0x9000004E  }
0xb9: {  	_ =	sfence  }
0xba: {  	s30 =	sld [smem:$0x0];
	_ =	sdelay $0x2  }
0xbb: {  	s31 =	sshll.u32 s1, $0xD;
	s1 =	sshrl.u32 s1, $0x2  }
0xbc: {  	s3 =	sand.u32 $0x4000, s31;
	s1 =	sadd.s32 s1, s30  }
0xbd: {  	s0 =	sor.u32 s3, s0;
	s1 =	sshll.u32 s1, $0x11  }
0xbe: {  	s0 =	sor.u32 s1, s0  }
0xbf: {  	s0 =	sadd.s32 $0x8F2B, s0  }
0xc0: {  	[sflag:s0] =	ssyncadd.remote.s32 $0x1  }
0xc1: {  	_ =	sfence.sel $0xFFFF  }
0xc2: {  	[dreg:$0x0] =	wrdreg $0xFFFFFFFF;
	(pc) =	sbr.abs _section_cstart, $3  }
0xc3: {  	[dreg:$0x1] =	wrdreg $0xFFFFFFFF  }
0xc4: {  	_ =	task.clear_ibuf [dreg:s6], $0x2FFFF;
	_ =	strace $0x9FFFFFFF  }
0xc5: {  	(tm) =	ssettm $0x7FFFFFFF  }
tec
execute0_lowered:
.L_overlay_start_1:
0x0: {  	(tag) =	ssettag $0x1  }
0x1: {  	s4 =	rddreg [dreg:$0x0]  }
0x2: {  	s0 =	rddreg [dreg:$0x1]  }
0x3: {  	s1 =	rddreg [dreg:$0x2]  }
0x4: {  	s2 =	rddreg [dreg:$0x3]  }
0x5: {  	s3 =	simm.s32 $0x0;
	s5 =	srdreg.scid;
	s18 =	stileid.u32  }
0x6: {  	[smem:$0x7FF] =	sst s3;
	s5 =	sand.u32 $0x1, s5;
	s11 =	smul.u32 $0x7D0, s18  }
0x7: {  	s6 =	sadd.s32 $0x252A00, s4;
	s12 =	sor.u32 $0x30, s18;
	s8 =	smul.u32 $0x30D40, s5  }
0x8: {  	s9 =	sadd.s32 $0x258C00, s4;
	s7 =	ssub.s32 $0x2, s5;
	s15 =	smul.u32 $0x7D0, s12  }
0x9: {  	p0 =	sgt.u32 s12, $0x31;
	s10 =	sshrl.u32 s7, $0x1;
	s13 =	sshrl.u32 s11, $0x3  }
0xa: {  	s14 =	sadd.s32 $0x7D00, s11;
	s16 =	sadd.s32 $0xFA00, s11;
	s7 =	ssub.s32 s7, s10  }
0xb: {  	s10 =	sadd.s32 $0x186A0, s8;
	s19 =	sadd.s32 s6, s13;
	s22 =	sshrl.u32 s14, $0x3  }
0xc: {  	s23 =	sshrl.u32 s16, $0x3;
	s17 =	sshrl.u32 s15, $0x3;
	s24 =	sadd.s32 s8, s11  }
0xd: {  	s26 =	sadd.s32 s8, s14;
	s29 =	sadd.s32 s16, s1;
	s31 =	sadd.s32 s15, s1  }
0xe: {  	s12 =	sadd.s32 s15, s2;
	s13 =	sadd.s32 s6, s22;
	s25 =	sadd.s32 s10, s11  }
0xf: {  	s21 =	sshrl.u32 s26, $0x3;
	s26 =	sadd.s32 s10, s16;
	[dreg:$0x7] =	wrdreg s13  }
0x10: {  	s13 =	sadd.s32 s6, s23;
	s23 =	sadd.s32 s6, s17;
	s6 =	sshrl.u32 s24, $0x3  }
0x11: {  	s20 =	sshrl.u32 s25, $0x3;
	s22 =	sadd.s32 s9, s21;
	s17 =	rddreg [dreg:$0x4]  }
0x12: {  	s24 =	sadd.s32 s10, s14;
	s25 =	sadd.s32 s8, s16;
	[dreg:$0x8] =	wrdreg s13  }
0x13: {  	s21 =	sshrl.u32 s26, $0x3;
	s6 =	sadd.s32 s9, s6;
	[dreg:$0xc] =	wrdreg s22  }
0x14: {  	s22 =	sadd.s32 s9, s21;
	s28 =	sadd.s32 s14, s17;
	s13 =	sadd.s32 s16, s0  }
0x15: {  	s30 =	sadd.s32 s16, s17;
	[dreg:$0xa] =	wrdreg s6;
	s6 =	sadd.s32 s9, s20  }
0x16: {  	s20 =	sshrl.u32 s25, $0x3;
	[dreg:$0xb] =	wrdreg s6;
	s6 =	sshrl.u32 s24, $0x3  }
0x17: {  	[dreg:$0xf] =	wrdreg s22;
	s25 =	sadd.s32 s10, s15;
	s6 =	sadd.s32 s9, s6  }
0x18: {  	s24 =	sadd.s32 s8, s15;
	[dreg:$0xd] =	wrdreg s6;
	s6 =	sadd.s32 s9, s20  }
0x19: {  	s10 =	sadd.s32 s14, s2;
	[dreg:$0xe] =	wrdreg s6;
	s6 =	sshrl.u32 s24, $0x3  }
0x1a: {  	s26 =	sshrl.u32 s25, $0x3;
	s8 =	sadd.s32 s11, s2;
	s6 =	sadd.s32 s9, s6  }
0x1b: {  	s25 =	sadd.s32 s11, s17;
	s24 =	sadd.s32 s11, s1;
	[dreg:$0x10] =	wrdreg s6  }
0x1c: {  	s6 =	sadd.s32 s9, s26;
	s9 =	sadd.s32 s14, s0;
	s26 =	sadd.s32 s14, s1  }
0x1d: {  	s14 =	sadd.s32 s16, s2;
	s16 =	sadd.s32 s15, s17;
	[dreg:$0x11] =	wrdreg s6  }
0x1e: {  	s6 =	smax.u32 s7, $0x1;
	s7 =	sadd.s32 s11, s0;
	s11 =	sadd.s32 s15, s0  }
0x1f: {  	s15 =	sadd.s32 $0x30D4, s19;
	_ =	strace $0x8000004D;
	[dreg:$0x12] =	wrdreg s6  }
0x20: {  	[dreg:$0x1c] =	wrdreg s15  }
0x21: {  	s21 =	sadd.s32 $0x2600, s4;
	s22 =	sadd.s32 $0x18F400, s4;
	[dreg:$0x6] =	wrdreg s19  }
0x22: {  	s20 =	sadd.s32 $0xC5C00, s4;
	s4 =	sshrl.u32 s7, $0x3;
	[dreg:$0x9] =	wrdreg s23  }
0x23: {  	s6 =	sshrl.u32 s8, $0x3;
	[dreg:$0x13] =	wrdreg s4  }
0x24: {  	s7 =	sshrl.u32 s9, $0x3;
	[dreg:$0x14] =	wrdreg s6  }
0x25: {  	s8 =	sshrl.u32 s10, $0x3;
	[dreg:$0x15] =	wrdreg s7  }
0x26: {  	s9 =	sshrl.u32 s13, $0x3;
	[dreg:$0x16] =	wrdreg s8  }
0x27: {  	s10 =	sshrl.u32 s14, $0x3;
	[dreg:$0x17] =	wrdreg s9  }
0x28: {  	s13 =	sshll.u32 s18, $0x6;
	[dreg:$0x18] =	wrdreg s10  }
0x29: {  	s14 =	sshll.u32 s18, $0x1;
	s18 =	sadd.s32 $0x4074, s19;
	[dreg:$0x1b] =	wrdreg s13  }
0x2a: {  	s19 =	sadd.s32 $0x5014, s19;
	[dreg:$0x1d] =	wrdreg s18  }
0x2b: {  	s23 =	sadd.s32 $0x30D4, s23;
	s4 =	sshrl.u32 @!p0 s11, $0x3;
	[dreg:$0x1e] =	wrdreg s19  }
0x2c: {  	s6 =	sor.u32 $0x1C03, s13;
	[dreg:$0x1f] =	wrdreg s23;
	s7 =	simm.s32 $0x3  }
0x2d: {  	s8 =	simm.s32 $0x3E80;
	s10 =	simm.s32 $0x2;
	s11 =	simm.s32 $0xFA0  }
0x2e: {  	s9 =	simm.s32 $0x2EE0;
	[dreg:$0x19] =	wrdreg s4;
	s4 =	sshrl.u32 @!p0 s12, $0x3  }
0x2f: {  	v0 =	vimm.f32 $0.0e+00;
	s13 =	simm.s32 $0x1;
	s12 =	simm.s32 $0x1F40;
	[dreg:$0x1a] =	wrdreg s4  }
.LBB2_1:
0x30: {  	s4 =	simm.s32 $0x40;
	s18 =	simm.s32 $0x0  }
.LBB2_2:
0x31: {  	p1 =	sne.s32 s4, $0x1F00;
	[tilespmem:s18+$0x3E80] =	vst v0;
	s18 =	smov.u32 s4;
	s4 =	sadd.s32 $0x40, s4  }
.Ltmp0:
0x32: {  	(pc) =	sbr.rel @p1 .LBB2_2-.Ltmp0, $2  }
0x33: {  	_ =	sdelay $0x2  }
0x34: {  	s18 =	sshra.s32 s18, $0x2  }
0x35: {  	s4 =	rddreg [dreg:$0x6]  }
0x36: {  	[tilespmem:s18+$0x3E80] =	vst v0;
	s15 =	rddreg [dreg:$0x13]  }
0x37: {  	[spmem:s15], [sflag:s6] =	dma.local [hbm:s4], $0xFA  }
0x38: {  	_ =	swait.ge [sflag:s7], $0xFA  }
0x39: {  	[sflag:s7] =	ssyncset.done $0x0  }
0x3a: {  	[sflag:s7] =	ssyncadd.s32 $0xFFFFFF06  }
0x3b: {  	[spmem:s24] =	stream.linear.scatter [tilespmem:s8], [sflag:$0x3], $0x7D0, $0x38;
	[tilespmem:$0xA810] =	vst v63  }
0x3c: {  	_ =	swait.ge [sflag:s7], $0x7D0  }
0x3d: {  	[sflag:s7] =	ssyncset.done $0x0;
	s19 =	rddreg [dreg:$0x14]  }
0x3e: {  	s23 =	rddreg [dreg:$0x1c];
	[sflag:s7] =	ssyncadd.s32 $0xFFFFF830  }
0x3f: {  	[spmem:s19], [sflag:s6] =	dma.local [hbm:s23], $0xFA  }
0x40: {  	_ =	swait.ge [sflag:s7], $0xFA  }
0x41: {  	[sflag:s7] =	ssyncset.done $0x0  }
0x42: {  	[sflag:s7] =	ssyncadd.s32 $0xFFFFFF06  }
0x43: {  	[spmem:s25] =	stream.linear.scatter [tilespmem:s8], [sflag:$0x2], $0x7D0, $0x38;
	[tilespmem:$0xA810] =	vst v63  }
0x44: {  	_ =	swait.ge [sflag:s10], $0x7D0  }
0x45: {  	[sflag:s10] =	ssyncset.done $0x0;
	s15 =	rddreg [dreg:$0x7]  }
0x46: {  	s18 =	rddreg [dreg:$0x15];
	[sflag:s10] =	ssyncadd.s32 $0xFFFFF830  }
0x47: {  	[spmem:s18], [sflag:s6] =	dma.local [hbm:s15], $0xFA  }
0x48: {  	_ =	swait.ge [sflag:s7], $0xFA  }
0x49: {  	[sflag:s7] =	ssyncset.done $0x0  }
0x4a: {  	[sflag:s7] =	ssyncadd.s32 $0xFFFFFF06  }
0x4b: {  	[spmem:s26] =	stream.linear.scatter [tilespmem:s8], [sflag:$0x3], $0x7D0, $0x38;
	[tilespmem:$0xA810] =	vst v63  }
0x4c: {  	_ =	swait.ge [sflag:s7], $0x7D0  }
0x4d: {  	[sflag:s7] =	ssyncset.done $0x0;
	s19 =	rddreg [dreg:$0x16]  }
0x4e: {  	s23 =	rddreg [dreg:$0x1d];
	[sflag:s7] =	ssyncadd.s32 $0xFFFFF830  }
0x4f: {  	[spmem:s19], [sflag:s6] =	dma.local [hbm:s23], $0xFA  }
0x50: {  	_ =	swait.ge [sflag:s7], $0xFA  }
0x51: {  	[sflag:s7] =	ssyncset.done $0x0  }
0x52: {  	[sflag:s7] =	ssyncadd.s32 $0xFFFFFF06  }
0x53: {  	[spmem:s28] =	stream.linear.scatter [tilespmem:s8], [sflag:$0x2], $0x7D0, $0x38;
	[tilespmem:$0xA810] =	vst v63  }
0x54: {  	_ =	swait.ge [sflag:s10], $0x7D0  }
0x55: {  	[sflag:s10] =	ssyncset.done $0x0;
	s15 =	rddreg [dreg:$0x8]  }
0x56: {  	s18 =	rddreg [dreg:$0x17];
	[sflag:s10] =	ssyncadd.s32 $0xFFFFF830  }
0x57: {  	[spmem:s18], [sflag:s6] =	dma.local [hbm:s15], $0xFA  }
0x58: {  	_ =	swait.ge [sflag:s7], $0xFA  }
0x59: {  	[sflag:s7] =	ssyncset.done $0x0  }
0x5a: {  	[sflag:s7] =	ssyncadd.s32 $0xFFFFFF06  }
0x5b: {  	[spmem:s29] =	stream.linear.scatter [tilespmem:s8], [sflag:$0x3], $0x7D0, $0x38;
	[tilespmem:$0xA810] =	vst v63  }
0x5c: {  	_ =	swait.ge [sflag:s7], $0x7D0  }
0x5d: {  	[sflag:s7] =	ssyncset.done $0x0;
	s19 =	rddreg [dreg:$0x18]  }
0x5e: {  	s23 =	rddreg [dreg:$0x1e];
	[sflag:s7] =	ssyncadd.s32 $0xFFFFF830  }
0x5f: {  	[spmem:s19], [sflag:s6] =	dma.local [hbm:s23], $0xFA  }
0x60: {  	_ =	swait.ge [sflag:s7], $0xFA  }
0x61: {  	[sflag:s7] =	ssyncset.done $0x0  }
0x62: {  	[sflag:s7] =	ssyncadd.s32 $0xFFFFFF06  }
0x63: {  	[spmem:s30] =	stream.linear.scatter [tilespmem:s8], [sflag:$0x2], $0x7D0, $0x38;
	[tilespmem:$0xA810] =	vst v63  }
0x64: {  	_ =	swait.ge [sflag:s10], $0x7D0  }
0x65: {  	[sflag:s10] =	ssyncset.done $0x0;
	s4 =	rddreg [dreg:$0x9]  }
0x66: {  	s15 =	rddreg [dreg:$0x19];
	[sflag:s10] =	ssyncadd.s32 $0xFFFFF830  }
0x67: {  	[spmem:s15], [sflag:s6] =	dma.local @!p0 [hbm:s4], $0xFA  }
0x68: {  	s4 =	simm.s32 @!p0 $0x3  }
0x69: {  	_ =	swait.ge @!p0 [sflag:s4], $0xFA  }
0x6a: {  	[sflag:s4] =	ssyncset.done @!p0 $0x0  }
0x6b: {  	s18 =	simm.s32 @!p0 $0x3E80;
	[sflag:s4] =	ssyncadd.s32 @!p0 $0xFFFFFF06  }
0x6c: {  	[spmem:s31] =	stream.linear.scatter @!p0 [tilespmem:s18], [sflag:$0x3], $0x7D0, $0x38;
	[tilespmem:$0xA810] =	vst v63  }
0x6d: {  	_ =	swait.ge @!p0 [sflag:s4], $0x7D0  }
0x6e: {  	[sflag:s4] =	ssyncset.done @!p0 $0x0;
	s15 =	rddreg [dreg:$0x1a]  }
0x6f: {  	s19 =	rddreg [dreg:$0x1f];
	[sflag:s4] =	ssyncadd.s32 @!p0 $0xFFFFF830  }
0x70: {  	[spmem:s15], [sflag:s6] =	dma.local @!p0 [hbm:s19], $0xFA  }
0x71: {  	_ =	swait.ge @!p0 [sflag:s4], $0xFA  }
0x72: {  	[sflag:s4] =	ssyncset.done @!p0 $0x0  }
0x73: {  	[sflag:s4] =	ssyncadd.s32 @!p0 $0xFFFFFF06;
	s4 =	simm.s32 @!p0 $0x2  }
0x74: {  	[spmem:s16] =	stream.linear.scatter @!p0 [tilespmem:s18], [sflag:$0x2], $0x7D0, $0x38;
	[tilespmem:$0xA810] =	vst v63  }
0x75: {  	_ =	swait.ge @!p0 [sflag:s4], $0x7D0  }
0x76: {  	[sflag:s4] =	ssyncset.done @!p0 $0x0  }
0x77: {  	[sflag:s4] =	ssyncadd.s32 @!p0 $0xFFFFF830  }
0x78: {  	s19 =	simm.s32 $0x0;
	s18 =	simm.s32 $0x0;
	[bflag:$0x0] =	sbarrier.arrive $0xFFFF  }
.LBB2_4:
0x79: {  	s4 =	sshll.u32 s19, $0x5  }
0x7a: {  	s4 =	sor.u32 s4, s14  }
0x7b: {  	s4 =	sor.u32 s5, s4  }
0x7c: {  	s4 =	smul.u32 $0x1F4, s4;
	_ =	sdelay $0x1  }
0x7d: {  	s23 =	sadd.s32 s20, s4  }
0x7e: {  	[tilespmem:s18], [sflag:$0x2] =	stream.linear.gather [hbm4b:s23+s18], $0xFA0, $0x38;
	[tilespmem:$0xA810] =	vst v63  }
0x7f: {  	_ =	swait.ge [sflag:s10], $0xFA0  }
0x80: {  	[sflag:s10] =	ssyncset.done $0x0  }
0x81: {  	s15 =	sadd.s32 s21, s4;
	[sflag:s10] =	ssyncadd.s32 $0xFFFFF060  }
0x82: {  	[tilespmem:s11], [sflag:$0x2] =	stream.linear.gather [hbm4b:s15+s18], $0xFA0, $0x38;
	[tilespmem:$0xA810] =	vst v63  }
0x83: {  	_ =	swait.ge [sflag:s10], $0xFA0  }
0x84: {  	[sflag:s10] =	ssyncset.done $0x0  }
0x85: {  	s4 =	sadd.s32 s22, s4;
	[sflag:s10] =	ssyncadd.s32 $0xFFFFF060  }
0x86: {  	[tilespmem:s12], [sflag:$0x2] =	stream.linear.gather [hbm4b:s4+s18], $0xFA0, $0x38;
	[tilespmem:$0xA810] =	vst v63  }
0x87: {  	_ =	swait.ge [sflag:s10], $0xFA0  }
0x88: {  	[sflag:s10] =	ssyncset.done $0x0  }
0x89: {  	[sflag:s10] =	ssyncadd.s32 $0xFFFFF060  }
0x8a: {  	[tilespmem:s9], [sflag:$0x1] =	stream.indirect.gather [spmem:s0], $0x1, s18, s11, $0xb8;
	[tilespmem:$0xA810] =	vst v63  }
0x8b: {  	_ =	swait.ge [sflag:s13], $0xFA0  }
0x8c: {  	[sflag:s13] =	ssyncset.done $0x0  }
0x8d: {  	s23 =	simm.s32 $0x0;
	[sflag:s13] =	ssyncadd.s32 $0xFFFFF060  }
0x8e: {  	s4 =	simm.s32 $0x40;
	v1 =	vld [tilespmem:s23+$0x1F40]  }
.LBB2_5:
0x8f: {  	p1 =	sne.s32 s4, $0x3E40;
	v2 =	vld [tilespmem:s23+$0x2EE0];
	_ =	sdelay $0x2  }
.Ltmp1:
0x90: {  	(pc) =	sbr.rel @p1 .LBB2_5-.Ltmp1, $4  }
0x91: {  	_ = 	snop  }
0x92: {  	v2 =	vmul.f32 v1, v2  }
0x93: {  	s15 =	sshra.s32 s4, $0x2  }
0x94: {  	s4 =	sadd.s32 $0x40, s4;
	v1 =	vld [tilespmem:s15+$0x1F40];
	[tilespmem:s23+$0x2EE0] =	vst v2;
	s23 =	smov.u32 s15  }
0x95: {  	v2 =	vld [tilespmem:s23+$0x2EE0];
	_ =	sdelay $0x4  }
0x96: {  	v1 =	vmul.f32 v1, v2;
	_ =	sdelay $0x1  }
0x97: {  	[tilespmem:s23+$0x2EE0] =	vst v1  }
0x98: {  	[spmem:s1] =	stream.indirect.scatter.add.f32 [tilespmem:s9], [sflag:$0x2], $0x1, s11, s11, $0xb8;
	[tilespmem:$0xA810] =	vst v63  }
0x99: {  	_ =	swait.ge [sflag:s10], $0xFA0  }
0x9a: {  	[sflag:s10] =	ssyncset.done $0x0  }
0x9b: {  	s4 =	simm.s32 $0x0;
	[sflag:s10] =	ssyncadd.s32 $0xFFFFF060  }
0x9c: {  	[tilespmem:s9], [sflag:$0x1] =	stream.indirect.gather [spmem:s2], $0x1, s4, s11, $0xb8;
	[tilespmem:$0xA810] =	vst v63  }
0x9d: {  	_ =	swait.ge [sflag:s13], $0xFA0  }
0x9e: {  	[sflag:s13] =	ssyncset.done $0x0  }
0x9f: {  	s23 =	simm.s32 $0x0;
	[sflag:s13] =	ssyncadd.s32 $0xFFFFF060  }
0xa0: {  	s4 =	simm.s32 $0x40;
	v1 =	vld [tilespmem:s23+$0x1F40]  }
.LBB2_7:
0xa1: {  	p1 =	sne.s32 s4, $0x3E40;
	v2 =	vld [tilespmem:s23+$0x2EE0];
	_ =	sdelay $0x2  }
.Ltmp2:
0xa2: {  	(pc) =	sbr.rel @p1 .LBB2_7-.Ltmp2, $4  }
0xa3: {  	_ = 	snop  }
0xa4: {  	v2 =	vmul.f32 v1, v2  }
0xa5: {  	s15 =	sshra.s32 s4, $0x2  }
0xa6: {  	s4 =	sadd.s32 $0x40, s4;
	v1 =	vld [tilespmem:s15+$0x1F40];
	[tilespmem:s23+$0x2EE0] =	vst v2;
	s23 =	smov.u32 s15  }
0xa7: {  	v2 =	vld [tilespmem:s23+$0x2EE0];
	_ =	sdelay $0x4  }
0xa8: {  	s19 =	sadd.s32 $0x1, s19;
	v1 =	vmul.f32 v1, v2  }
0xa9: {  	p1 =	sne.s32 s19, $0x32  }
.Ltmp3:
0xaa: {  	[tilespmem:s23+$0x2EE0] =	vst v1;
	(pc) =	sbr.rel @p1 .LBB2_4-.Ltmp3, $4  }
0xab: {  	[spmem:s17] =	stream.indirect.scatter.add.f32 [tilespmem:s9], [sflag:$0x2], $0x1, s11, s11, $0xb8;
	[tilespmem:$0xA810] =	vst v63  }
0xac: {  	_ =	swait.ge [sflag:s10], $0xFA0  }
0xad: {  	[sflag:s10] =	ssyncset.done $0x0  }
0xae: {  	[sflag:s10] =	ssyncadd.s32 $0xFFFFF060  }
0xaf: {  	[bflag:$0x0] =	sbarrier.arrive $0xFFFF  }
0xb0: {  	s4 =	sshrl.u32 s24, $0x3;
	s15 =	rddreg [dreg:$0xa]  }
0xb1: {  	[hbm:s15], [sflag:s6] =	dma.local [spmem:s4], $0xFA  }
0xb2: {  	_ =	swait.ge [sflag:s7], $0xFA  }
0xb3: {  	s23 =	sshrl.u32 s25, $0x3;
	[sflag:s7] =	ssyncset.done $0x0;
	s19 =	rddreg [dreg:$0x1b]  }
0xb4: {  	s18 =	rddreg [dreg:$0xb];
	[sflag:s7] =	ssyncadd.s32 $0xFFFFFF06;
	s4 =	sor.u32 $0x1C02, s19  }
0xb5: {  	[hbm:s18], [sflag:s4] =	dma.local [spmem:s23], $0xFA  }
0xb6: {  	_ =	swait.ge [sflag:s10], $0xFA  }
0xb7: {  	[sflag:s10] =	ssyncset.done $0x0  }
0xb8: {  	s19 =	sshrl.u32 s26, $0x3;
	s23 =	rddreg [dreg:$0xc];
	[sflag:s10] =	ssyncadd.s32 $0xFFFFFF06  }
0xb9: {  	[hbm:s23], [sflag:s6] =	dma.local [spmem:s19], $0xFA  }
0xba: {  	_ =	swait.ge [sflag:s7], $0xFA  }
0xbb: {  	[sflag:s7] =	ssyncset.done $0x0  }
0xbc: {  	s19 =	sshrl.u32 s28, $0x3;
	s23 =	rddreg [dreg:$0xd];
	[sflag:s7] =	ssyncadd.s32 $0xFFFFFF06  }
0xbd: {  	[hbm:s23], [sflag:s4] =	dma.local [spmem:s19], $0xFA  }
0xbe: {  	_ =	swait.ge [sflag:s10], $0xFA  }
0xbf: {  	[sflag:s10] =	ssyncset.done $0x0  }
0xc0: {  	s19 =	sshrl.u32 s29, $0x3;
	s23 =	rddreg [dreg:$0xe];
	[sflag:s10] =	ssyncadd.s32 $0xFFFFFF06  }
0xc1: {  	[hbm:s23], [sflag:s6] =	dma.local [spmem:s19], $0xFA  }
0xc2: {  	_ =	swait.ge [sflag:s7], $0xFA  }
0xc3: {  	[sflag:s7] =	ssyncset.done $0x0  }
0xc4: {  	s18 =	sshrl.u32 s30, $0x3;
	s19 =	rddreg [dreg:$0xf];
	[sflag:s7] =	ssyncadd.s32 $0xFFFFFF06  }
0xc5: {  	[hbm:s19], [sflag:s4] =	dma.local [spmem:s18], $0xFA  }
0xc6: {  	_ =	swait.ge [sflag:s10], $0xFA  }
0xc7: {  	[sflag:s10] =	ssyncset.done $0x0  }
0xc8: {  	s15 =	sshrl.u32 @!p0 s31, $0x3;
	s18 =	rddreg [dreg:$0x10];
	[sflag:s10] =	ssyncadd.s32 $0xFFFFFF06  }
0xc9: {  	[hbm:s18], [sflag:s6] =	dma.local @!p0 [spmem:s15], $0xFA  }
0xca: {  	s15 =	simm.s32 @!p0 $0x3  }
0xcb: {  	_ =	swait.ge @!p0 [sflag:s15], $0xFA  }
0xcc: {  	[sflag:s15] =	ssyncset.done @!p0 $0x0  }
0xcd: {  	s18 =	rddreg [dreg:$0x11];
	[sflag:s15] =	ssyncadd.s32 @!p0 $0xFFFFFF06;
	s15 =	sshrl.u32 @!p0 s16, $0x3  }
0xce: {  	[hbm:s18], [sflag:s4] =	dma.local @!p0 [spmem:s15], $0xFA  }
0xcf: {  	s4 =	simm.s32 @!p0 $0x2  }
0xd0: {  	_ =	swait.ge @!p0 [sflag:s4], $0xFA  }
0xd1: {  	s3 =	sadd.s32 $0x1, s3;
	s23 =	rddreg [dreg:$0x12]  }
0xd2: {  	p1 =	sne.s32 s3, s23  }
.Ltmp4:
0xd3: {  	_ = 	snop;
	(pc) =	sbr.rel @p1 .LBB2_1-.Ltmp4, $3  }
0xd4: {  	_ =	sdelay $0x1  }
0xd5: {  	[sflag:s4] =	ssyncset.done @!p0 $0x0  }
0xd6: {  	[sflag:s4] =	ssyncadd.s32 @!p0 $0xFFFFFF06  }
0xd7: {  	_ =	sfence.sel $0x180000  }
0xd8: {  	[bflag:$0x0] =	sbarrier.arrive $0xFFFF  }
0xd9: {  	_ =	strace $0x9000004D  }
0xda: {  	s0 =	stileid.u32;
	[bflag:$0x2] =	sbarrier.arrive $0xFFFF  }
0xdb: {  	p0 =	sne.s32 s0, $0x0;
	s0 =	rddreg [dreg:$0x5]  }
0xdc: {  	s0 =	sadd.s32 @!p0 $0x100000, s0  }
0xdd: {  	[sflag:s0] =	ssyncadd.tile.s32 @!p0 $0x1;
	_ =	shalt  }
.Lfunc_end2:
_tile_overlayer_lowered:
.L_overlay_start_2:
0xde: {  	(tag) =	ssettag $0x2  }
0xdf: {  	s0 =	rddreg [dreg:$0x0];
	s2 =	stileid.u32  }
0xe0: {  	s1 =	rddreg [dreg:$0x1];
	p0 =	sne.s32 s2, $0x0  }
0xe1: {  	s3 =	rddreg [dreg:$0x2];
	[bflag:$0x3] =	sbarrier.arrive $0xFFFF;
	s2 =	simm.s32 @!p0 $0x1C02  }
0xe2: {  	[timem:s3], [sflag:s2] =	dma.local @!p0 [hbm:s0], s1  }
0xe3: {  	s0 =	simm.s32 @!p0 $0x2  }
0xe4: {  	_ =	swait.ge @!p0 [sflag:s0], s1  }
0xe5: {  	s1 =	ssub.s32 @!p0 $0x0, s1;
	[sflag:s0] =	ssyncset.done @!p0 $0x0  }
0xe6: {  	[sflag:s0] =	ssyncadd.s32 @!p0 s1  }
0xe7: {  	[bflag:$0x3] =	sbarrier.arrive $0xFFFF  }
0xe8: {  	_ =	shalt  }

// kernel: kernel.8.cloned.1.call-start
scs
__scs_entry_jumppad:
0x0: {  	(pc) =	sbr.rel $0x88, $3  }
0x1: {  	(tag) =	ssettag $0x0;
	lr =	simm.s32 $0x1  }
0x2: {  	[smem:$0x3F96] =	sst lr;
	_ =	strace $0xD0000000  }
0x3: {  	_ = 	snop  }
0x4: {  	_ = 	snop  }
0x5: {  	_ = 	snop  }
0x6: {  	_ = 	snop  }
0x7: {  	_ = 	snop  }
__scs_overlays_trampoline_lowered:
0x8: {  	[smem:$0x3FA5] =	sst s0  }
0x9: {  	[smem:$0x3FA6] =	sst s1  }
0xa: {  	[smem:$0x3FA7] =	sst s2  }
0xb: {  	[smem:$0x3FA8] =	sst s3  }
0xc: {  	[smem:$0x3FA9] =	sst s4  }
0xd: {  	[smem:$0x3FAA] =	sst s5  }
0xe: {  	[smem:$0x3FAB] =	sst s6  }
0xf: {  	[smem:$0x3FAC] =	sst s7  }
0x10: {  	[smem:$0x3FAD] =	sst s8  }
0x11: {  	[smem:$0x3FAE] =	sst s9;
	s0 =	simm.s32 @!p0 $0x0  }
0x12: {  	s1 =	sld [smem:$0x3F94];
	s0 =	simm.s32 @p0 $0x1  }
0x13: {  	[smem:$0x3FAF] =	sst s0;
	s0 =	simm.s32 @!p1 $0x0  }
0x14: {  	s2 =	sld [smem:$0x3F93];
	s0 =	simm.s32 @p1 $0x1  }
0x15: {  	[smem:$0x3FB0] =	sst s0;
	s0 =	simm.s32 @!p2 $0x0  }
0x16: {  	s3 =	sld [smem:$0x3FDB];
	s0 =	simm.s32 @p2 $0x1  }
0x17: {  	s4 =	simm.s32 $0x1BF5;
	[smem:$0x3FB2] =	sst s0  }
0x18: {  	s0 =	sld [smem:$0x3F95];
	_ =	swait.ge [sflag:s4], $0x0  }
0x19: {  	s7 =	sld [smem:$0x3F96]  }
0x1a: {  	s8 =	sadd.s32 $0xFFFFE003, lr  }
0x1b: {  	s9 =	sadd.s32 $0xFFFFFEF7, lr;
	s5 =	simm.s32 $0xFFFFFFFF;
	p2 =	slt.u32 s8, $0xFFFFF086  }
0x1c: {  	p1 =	slt.u32 s9, $0xF7A;
	s5 =	simm.s32 @!p2 $0x0  }
0x1d: {  	s5 =	simm.s32 @p1 $0x1;
	p0 =	seq.s32 s7, s2  }
0x1e: {  	s7 =	smul.u32 @!p0 $0xF7A, s2;
	p2 =	seq.s32 @!p0 s5, $0x0  }
0x1f: {  	s9 =	smul.u32 $0xF7A, s1;
	s8 =	simm.s32 @!p0 $0x1BF5;
	p2 =	por !p2, p0  }
0x20: {  	[sflag:s8] =	ssyncset.s32 @!p0 $0xFFFFF086;
	s6 =	sadd.s32 @!p0 s3, s7;
	s7 =	simm.s32 @!p0 $0x108  }
0x21: {  	s3 =	sadd.s32 s3, s9;
	s6 =	sadd.s32 @!p0 $0x88, s6;
	s7 =	simm.s32 @p2 $0x1082  }
0x22: {  	[simem:s7], [sflag:s8] =	dma.local @!p0 [hbm:s6], $0xF7A  }
0x23: {  	s9 =	sor.u32 $0xD0000000, s2;
	s6 =	simm.s32 $0x108;
	_ =	swait.ge @!p0 [sflag:s8], $0x0  }
0x24: {  	s3 =	sadd.s32 $0x88, s3;
	s6 =	simm.s32 @!p1 $0x1082;
	[sflag:s4] =	ssyncset.s32 $0xFFFFF086  }
0x25: {  	[simem:s6], [sflag:s4] =	dma.local [hbm:s3], $0xF7A  }
0x26: {  	[smem:$0x3F96] =	sst s1;
	(tag) =	ssettag s2;
	_ =	strace s9  }
0x27: {  	s1 =	sld [smem:$0x3FA6]  }
0x28: {  	s2 =	sld [smem:$0x3FA7]  }
0x29: {  	s4 =	sld [smem:$0x3FA9]  }
0x2a: {  	p0 =	seq.s32 s5, $0x0;
	s5 =	sld [smem:$0x3FAA]  }
0x2b: {  	s6 =	sld [smem:$0x3FAB]  }
0x2c: {  	s7 =	sld [smem:$0x3FAC]  }
0x2d: {  	s3 =	simm.s32 $0x108;
	s8 =	sld [smem:$0x3FAD]  }
0x2e: {  	s3 =	simm.s32 @!p0 $0x1082;
	s9 =	sld [smem:$0x3FAE]  }
0x2f: {  	lr =	sadd.s32 s0, s3;
	s0 =	sld [smem:$0x3FA5]  }
0x30: {  	s3 =	sld [smem:$0x3FA8]  }
0x31: {  	[smem:$0x3FB1] =	sst s10  }
0x32: {  	s10 =	sld [smem:$0x3FAF];
	_ =	sdelay $0x3  }
0x33: {  	p0 =	seq.s32 s10, $0x1;
	s10 =	sld [smem:$0x3FB1];
	_ =	sdelay $0x3  }
0x34: {  	[smem:$0x3FB1] =	sst s10  }
0x35: {  	s10 =	sld [smem:$0x3FB0];
	_ =	sdelay $0x3  }
0x36: {  	p1 =	seq.s32 s10, $0x1;
	s10 =	sld [smem:$0x3FB1];
	_ =	sdelay $0x3  }
0x37: {  	[smem:$0x3FB1] =	sst s10  }
0x38: {  	s10 =	sld [smem:$0x3FB2]  }
0x39: {  	_ = 	snop;
	(pc) =	sbr.ind lr, $3  }
0x3a: {  	_ = 	snop  }
0x3b: {  	_ = 	snop  }
0x3c: {  	p2 =	seq.s32 s10, $0x1;
	s10 =	sld [smem:$0x3FB1]  }
0x3d: {  	_ =	shalt  }
0x3e: {  	_ =	shalt  }
0x3f: {  	_ =	shalt  }
0x40: {  	_ =	shalt  }
0x41: {  	_ =	shalt  }
0x42: {  	_ =	shalt  }
0x43: {  	_ =	shalt  }
0x44: {  	_ =	shalt  }
0x45: {  	_ =	shalt  }
0x46: {  	_ =	shalt  }
0x47: {  	_ =	shalt  }
0x48: {  	_ =	shalt  }
0x49: {  	_ =	shalt  }
0x4a: {  	_ =	shalt  }
0x4b: {  	_ =	shalt  }
0x4c: {  	_ =	shalt  }
0x4d: {  	_ =	shalt  }
0x4e: {  	_ =	shalt  }
0x4f: {  	_ =	shalt  }
0x50: {  	_ =	shalt  }
0x51: {  	_ =	shalt  }
0x52: {  	_ =	shalt  }
0x53: {  	_ =	shalt  }
0x54: {  	_ =	shalt  }
0x55: {  	_ =	shalt  }
0x56: {  	_ =	shalt  }
0x57: {  	_ =	shalt  }
0x58: {  	_ =	shalt  }
0x59: {  	_ =	shalt  }
0x5a: {  	_ =	shalt  }
0x5b: {  	_ =	shalt  }
0x5c: {  	_ =	shalt  }
0x5d: {  	_ =	shalt  }
0x5e: {  	_ =	shalt  }
0x5f: {  	_ =	shalt  }
0x60: {  	_ =	shalt  }
0x61: {  	_ =	shalt  }
0x62: {  	_ =	shalt  }
0x63: {  	_ =	shalt  }
0x64: {  	_ =	shalt  }
0x65: {  	_ =	shalt  }
0x66: {  	_ =	shalt  }
0x67: {  	_ =	shalt  }
0x68: {  	_ =	shalt  }
0x69: {  	_ =	shalt  }
0x6a: {  	_ =	shalt  }
0x6b: {  	_ =	shalt  }
0x6c: {  	_ =	shalt  }
0x6d: {  	_ =	shalt  }
0x6e: {  	_ =	shalt  }
0x6f: {  	_ =	shalt  }
0x70: {  	_ =	shalt  }
0x71: {  	_ =	shalt  }
0x72: {  	_ =	shalt  }
0x73: {  	_ =	shalt  }
0x74: {  	_ =	shalt  }
0x75: {  	_ =	shalt  }
0x76: {  	_ =	shalt  }
0x77: {  	_ =	shalt  }
0x78: {  	_ =	shalt  }
0x79: {  	_ =	shalt  }
0x7a: {  	_ =	shalt  }
0x7b: {  	_ =	shalt  }
0x7c: {  	_ =	shalt  }
0x7d: {  	_ =	shalt  }
0x7e: {  	_ =	shalt  }
0x7f: {  	_ =	shalt  }
0x80: {  	_ =	shalt  }
0x81: {  	_ =	shalt  }
0x82: {  	_ =	shalt  }
0x83: {  	_ =	shalt  }
0x84: {  	_ =	shalt  }
0x85: {  	_ =	shalt  }
0x86: {  	_ =	shalt  }
0x87: {  	_ =	shalt  }
.Lfunc_end0:
.L_simem_size_0:
called_computation_lowered:
.L_overlay_start_0:
0x88: {  	s2 =	sld [smem:$0x3FD9]  }
0x89: {  	s3 =	sld [smem:$0x3FFE];
	_ =	sdelay $0x1  }
0x8a: {  	s1 =	srdreg.scid  }
0x8b: {  	s0 =	sand.u32 $0x1, s1  }
0x8c: {  	s16 =	sshll.u32 s0, $0xA;
	s2 =	sadd.s32 s3, s2  }
0x8d: {  	s2 =	sadd.s32 s2, s16  }
0x8e: {  	[smem:$0x3FBD] =	sst s2  }
0x8f: {  	_ = 	snop  }
0x90: {  	(tm) =	ssettm $0x1  }
0x91: {  	s17 =	sld [smem:$0x3FFB];
	_ =	sdelay $0x3  }
0x92: {  	_ =	strace s17  }
0x93: {  	s2 =	sld [smem:$0x3FFC];
	_ =	sdelay $0x3  }
0x94: {  	_ =	strace s2  }
0x95: {  	s2 =	sld [smem:$0x3FFD];
	_ =	sdelay $0x3  }
0x96: {  	_ =	strace s2  }
0x97: {  	_ =	strace $0x8FFFFFFF  }
0x98: {  	s18 =	sld [smem:$0x3FDB];
	_ =	sdelay $0x1  }
0x99: {  	s19 =	simm.s32 $_scs_section_size  }
0x9a: {  	s4 =	simm.s32 $_size__tile_overlayer_lowered;
	s5 =	simm.s32 $_tile_overlayer_lowered  }
0x9b: {  	s22 =	simm.s32 $0x1BFF;
	s21 =	sshll.u32 s5, $0x1;
	s2 =	sadd.s32 s19, s18  }
0x9c: {  	s6 =	simm.s32 $0x0;
	s20 =	sshll.u32 s4, $0x1;
	s4 =	sadd.s32 s21, s2  }
0x9d: {  	[timem:s6], [sflag:s22] =	dma.local [hbm:s4], s20  }
0x9e: {  	_ =	swait.ge [sflag:s22], s20  }
0x9f: {  	s3 =	ssub.s32 $0x0, s20;
	[sflag:s22] =	ssyncset.done $0x0  }
0xa0: {  	[sflag:s22] =	ssyncadd.s32 s3;
	_ =	sdelay $0x1  }
0xa1: {  	s23 =	simm.s32 $0x1B8B  }
0xa2: {  	_ =	swait.ge [sflag:s23], $0x1  }
0xa3: {  	[sflag:s23] =	ssyncset.done $0x0  }
0xa4: {  	s25 =	simm.s32 $0x1B8E;
	s24 =	sld [smem:$0x3FFE];
	[sflag:s23] =	ssyncadd.s32 $0xFFFFFFFF  }
0xa5: {  	s26 =	simm.s32 $execute0_lowered;
	[smem:$0x3FD2] =	sst s25  }
0xa6: {  	s4 =	sshll.u32 s26, $0x1;
	_ =	strace $0x80000046;
	[dreg:$0x1] =	wrdreg $0xFFFFFFFF  }
0xa7: {  	s28 =	simm.s32 $_size_execute0_lowered;
	s2 =	sadd.s32 s2, s4;
	[dreg:$0x0] =	wrdreg $0x0  }
0xa8: {  	s4 =	sshll.u32 s28, $0x1;
	[dreg:$0x2] =	wrdreg s2  }
0xa9: {  	[dreg:$0x3] =	wrdreg s4  }
0xaa: {  	[dreg:$0x4] =	wrdreg $0xC0  }
0xab: {  	_ =	task [dreg:s6], $0x5FFFF  }
0xac: {  	[dreg:$0x1] =	wrdreg $0xFFFFFFFF  }
0xad: {  	[dreg:$0x0] =	wrdreg $0x60  }
0xae: {  	[dreg:$0x2] =	wrdreg s24  }
0xaf: {  	[dreg:$0x3] =	wrdreg $0x66800  }
0xb0: {  	[dreg:$0x4] =	wrdreg $0x9  }
0xb1: {  	_ =	task.clear_ibuf [dreg:s6], $0x5FFFF;
	_ =	strace $0x90000046  }
0xb2: {  	s29 =	simm.s32 $0x9;
	_ =	strace $0x80000048  }
0xb3: {  	_ =	swait.ge [sflag:s29], $0x1  }
0xb4: {  	[sflag:s29] =	ssyncadd.s32 $0xFFFFFFFF  }
0xb5: {  	_ =	strace $0x90000048  }
0xb6: {  	_ =	sfence  }
0xb7: {  	s30 =	sld [smem:$0x0];
	_ =	sdelay $0x2  }
0xb8: {  	s31 =	sshll.u32 s1, $0xD;
	s1 =	sshrl.u32 s1, $0x2  }
0xb9: {  	s3 =	sand.u32 $0x4000, s31;
	s1 =	sadd.s32 s1, s30  }
0xba: {  	s0 =	sor.u32 s3, s0;
	s1 =	sshll.u32 s1, $0x11  }
0xbb: {  	s0 =	sor.u32 s1, s0  }
0xbc: {  	s0 =	sadd.s32 $0x8F2B, s0  }
0xbd: {  	[sflag:s0] =	ssyncadd.remote.s32 $0x1  }
0xbe: {  	_ =	sfence.sel $0xFFFF  }
0xbf: {  	[dreg:$0x0] =	wrdreg $0xFFFFFFFF;
	(pc) =	sbr.abs _section_cstart, $3  }
0xc0: {  	[dreg:$0x1] =	wrdreg $0xFFFFFFFF  }
0xc1: {  	_ =	task.clear_ibuf [dreg:s6], $0x2FFFF;
	_ =	strace $0x9FFFFFFF  }
0xc2: {  	(tm) =	ssettm $0x7FFFFFFF  }
0xc3: {  	_ =	shalt  }
tec
execute0_lowered:
.L_overlay_start_1:
0x0: {  	(tag) =	ssettag $0x1  }
0x1: {  	s6 =	rddreg [dreg:$0x0]  }
0x2: {  	s1 =	rddreg [dreg:$0x1]  }
0x3: {  	s0 =	rddreg [dreg:$0x2];
	s2 =	simm.s32 $0x0;
	s3 =	srdreg.scid  }
0x4: {  	s18 =	stileid.u32;
	s15 =	simm.s32 $0x1;
	s16 =	simm.s32 $0x3E80  }
0x5: {  	s17 =	simm.s32 $0x4E80;
	s20 =	simm.s32 $0x0;
	[smem:$0x7FF] =	sst s2  }
0x6: {  	s3 =	sand.u32 $0x1, s3;
	s4 =	sadd.s32 $0x6331200, s6;
	s5 =	sadd.s32 $0x2600, s6  }
0x7: {  	s10 =	smul.u32 $0x1F40, s18;
	s14 =	sor.u32 $0x30, s18;
	p0 =	sne.s32 s18, $0x0  }
0x8: {  	_ =	strace $0x80000047;
	s7 =	sshll.u32 s3, $0x4;
	s31 =	ssub.s32 $0x2, s3  }
0x9: {  	s11 =	smul.u32 $0x1F40, s14;
	p1 =	sgt.u32 s14, $0x31;
	s14 =	simm.s32 $0x5E80  }
0xa: {  	s19 =	sshrl.u32 @!p0 s1, $0x3;
	s8 =	sadd.s32 s7, s6;
	s9 =	sshrl.u32 s31, $0x1  }
0xb: {  	s6 =	sadd.s32 $0x18F400, s6;
	s7 =	sshll.u32 s18, $0x1;
	s10 =	sshrl.u32 s10, $0x2  }
0xc: {  	s18 =	simm.s32 $0xFA0;
	s9 =	ssub.s32 s31, s9;
	s8 =	sadd.s32 $0x189200, s8  }
0xd: {  	v1 =	vlaneseq.u32;
	s10 =	sadd.s32 s10, s1;
	s13 =	sshrl.u32 s11, $0x2;
	s9 =	smax.u32 s9, $0x1  }
0xe: {  	v0 =	vimm.f32 $0.0e+00;
	v1 =	vmul.u32 $0x4, v1;
	s11 =	sadd.s32 $0x7D00, s10;
	s12 =	sadd.s32 $0xFA00, s10;
	s13 =	sadd.s32 s13, s1  }
.LBB2_1:
0xf: {  	s21 =	simm.s32 $0x40;
	s22 =	simm.s32 $0x0  }
.LBB2_2:
0x10: {  	p2 =	sne.s32 s21, $0x1F00;
	[tilespmem:s22+$0x5E80] =	vst v0;
	s22 =	smov.u32 s21;
	s21 =	sadd.s32 $0x40, s21  }
.Ltmp0:
0x11: {  	(pc) =	sbr.rel @p2 .LBB2_2-.Ltmp0, $2  }
0x12: {  	_ =	sdelay $0x2  }
0x13: {  	s22 =	sshra.s32 s22, $0x2  }
0x14: {  	[tilespmem:s22+$0x5E80] =	vst v0  }
0x15: {  	[spmem:s10] =	stream.linear.scatter [tilespmem:s14], [sflag:$0x1], $0x7D0, $0x38;
	[tilespmem:$0x7EF0] =	vst v63  }
0x16: {  	_ =	swait.ge [sflag:s15], $0x7D0  }
0x17: {  	[sflag:s15] =	ssyncset.done $0x0  }
0x18: {  	[sflag:s15] =	ssyncadd.s32 $0xFFFFF830  }
0x19: {  	[spmem:s11] =	stream.linear.scatter [tilespmem:s14], [sflag:$0x1], $0x7D0, $0x38;
	[tilespmem:$0x7EF0] =	vst v63  }
0x1a: {  	_ =	swait.ge [sflag:s15], $0x7D0  }
0x1b: {  	[sflag:s15] =	ssyncset.done $0x0  }
0x1c: {  	[sflag:s15] =	ssyncadd.s32 $0xFFFFF830  }
0x1d: {  	[spmem:s12] =	stream.linear.scatter [tilespmem:s14], [sflag:$0x1], $0x7D0, $0x38;
	[tilespmem:$0x7EF0] =	vst v63  }
0x1e: {  	_ =	swait.ge [sflag:s15], $0x7D0  }
0x1f: {  	[sflag:s15] =	ssyncset.done $0x0  }
0x20: {  	s21 =	simm.s32 @!p1 $0x5E80;
	[sflag:s15] =	ssyncadd.s32 $0xFFFFF830  }
0x21: {  	[spmem:s13] =	stream.linear.scatter @!p1 [tilespmem:s21], [sflag:$0x1], $0x7D0, $0x38;
	[tilespmem:$0x7EF0] =	vst v63  }
0x22: {  	s21 =	simm.s32 @!p1 $0x1  }
0x23: {  	_ =	swait.ge @!p1 [sflag:s21], $0x7D0  }
0x24: {  	[sflag:s21] =	ssyncset.done @!p1 $0x0  }
0x25: {  	[sflag:s21] =	ssyncadd.s32 @!p1 $0xFFFFF830  }
0x26: {  	s22 =	simm.s32 $0x0;
	s21 =	simm.s32 $0x0;
	[bflag:$0x0] =	sbarrier.arrive $0xFFFF  }
.LBB2_4:
0x27: {  	s23 =	sshll.u32 s22, $0x5  }
0x28: {  	s23 =	sor.u32 s23, s7  }
0x29: {  	s24 =	sor.u32 s3, s23  }
0x2a: {  	s23 =	smul.u32 $0x1F4, s24;
	_ =	sdelay $0x1  }
0x2b: {  	s25 =	sadd.s32 s5, s23  }
0x2c: {  	[tilespmem:s16], [sflag:$0x1] =	stream.linear.gather [hbm4b:s25+s21], $0xFA0, $0x38;
	[tilespmem:$0x7EF0] =	vst v63  }
0x2d: {  	s24 =	smul.u32 $0x7D0, s24;
	_ =	swait.ge [sflag:s15], $0xFA0  }
0x2e: {  	[sflag:s15] =	ssyncset.done $0x0  }
0x2f: {  	v2 =	vor.u32 s21, v1;
	s24 =	sadd.s32 s4, s24;
	[sflag:s15] =	ssyncadd.s32 $0xFFFFF060  }
0x30: {  	[tilespmem:s21], [sflag:$0x1] =	stream.linear.gather [hbm4b:s24+s21], $0x3E80, $0x38;
	[tilespmem:$0x7EF0] =	vst v63  }
0x31: {  	_ =	swait.ge [sflag:s15], $0x3E80  }
0x32: {  	[sflag:s15] =	ssyncset.done $0x0  }
0x33: {  	[sflag:s15] =	ssyncadd.s32 $0xFFFFC180  }
0x34: {  	s24 =	simm.s32 $0x40;
	v2 =	vld.idx.msk [tilespmem:v2+s2+$0x0], $0xffff  }
0x35: {  	s26 =	simm.s32 $0x0;
	s25 =	simm.s32 $0x80;
	v3 =	vor.u32 s24, v1  }
.LBB2_5:
0x36: {  	p2 =	sne.s32 s25, $0x3E40;
	_ =	sdelay $0x1  }
.Ltmp1:
0x37: {  	s28 =	sshra.s32 s26, $0x2;
	s26 =	smov.u32 s24;
	(pc) =	sbr.rel @p2 .LBB2_5-.Ltmp1, $3  }
0x38: {  	s24 =	smov.u32 s25;
	[tilespmem:s28+$0x4E80] =	vst v2  }
0x39: {  	v2 =	vld.idx.msk [tilespmem:v3+s2+$0x0], $0xffff;
	_ =	sdelay $0x1  }
0x3a: {  	s25 =	sadd.s32 $0x40, s25;
	v3 =	vor.u32 s24, v1  }
0x3b: {  	_ =	sdelay $0x1  }
0x3c: {  	s25 =	sshra.s32 s26, $0x2  }
0x3d: {  	[tilespmem:s25+$0x4E80] =	vst v2  }
0x3e: {  	v2 =	vld.idx.msk [tilespmem:v3+s2+$0x0], $0xffff;
	_ =	sdelay $0x3  }
0x3f: {  	s24 =	sshra.s32 s24, $0x2  }
0x40: {  	s23 =	sadd.s32 s6, s23;
	[tilespmem:s24+$0x4E80] =	vst v2  }
0x41: {  	[hbm4b:s23+s2] =	stream.linear.scatter [tilespmem:s17], [sflag:$0x1], $0xFA0, $0x38;
	[tilespmem:$0x7EF0] =	vst v63  }
0x42: {  	s22 =	sadd.s32 $0x1, s22;
	_ =	swait.ge [sflag:s15], $0xFA0  }
0x43: {  	p2 =	sne.s32 s22, $0x32;
	[sflag:s15] =	ssyncset.done $0x0  }
.Ltmp2:
0x44: {  	[sflag:s15] =	ssyncadd.s32 $0xFFFFF060;
	(pc) =	sbr.rel @p2 .LBB2_4-.Ltmp2, $4  }
0x45: {  	[spmem:s1] =	stream.indirect.scatter.add.f32 [tilespmem:s17], [sflag:$0x1], $0x1, s16, s18, $0xb8;
	[tilespmem:$0x7EF0] =	vst v63  }
0x46: {  	_ =	swait.ge [sflag:s15], $0xFA0  }
0x47: {  	[sflag:s15] =	ssyncset.done $0x0  }
0x48: {  	[sflag:s15] =	ssyncadd.s32 $0xFFFFF060  }
0x49: {  	[bflag:$0x0] =	sbarrier.arrive $0xFFFF;
	s20 =	sadd.s32 $0x1, s20  }
0x4a: {  	s21 =	simm.s32 @!p0 $0x1;
	s22 =	simm.s32 @!p0 $0x20;
	p2 =	sne.s32 s20, s9  }
.Ltmp3:
0x4b: {  	s23 =	simm.s32 @!p0 $0x10;
	s24 =	simm.s32 @!p0 $0x1C01;
	(pc) =	sbr.rel @p2 .LBB2_1-.Ltmp3, $4  }
0x4c: {  	[hbm:s8@s22], [sflag:s24] =	dma.strided @!p0 [spmem:s19@s23], $0x30E0, s21, $0x10   }
0x4d: {  	_ =	swait.ge @!p0 [sflag:s21], $0x30E0  }
0x4e: {  	[sflag:s21] =	ssyncset.done @!p0 $0x0  }
0x4f: {  	[sflag:s21] =	ssyncadd.s32 @!p0 $0xFFFFCF20  }
0x50: {  	_ =	sfence.sel $0x180000  }
0x51: {  	[bflag:$0x0] =	sbarrier.arrive $0xFFFF  }
0x52: {  	_ =	strace $0x90000047  }
0x53: {  	s0 =	sadd.s32 @!p0 $0x100000, s0;
	[bflag:$0x2] =	sbarrier.arrive $0xFFFF  }
0x54: {  	[sflag:s0] =	ssyncadd.tile.s32 @!p0 $0x1;
	_ =	shalt  }
.Lfunc_end2:
_tile_overlayer_lowered:
.L_overlay_start_2:
0x55: {  	(tag) =	ssettag $0x2  }
0x56: {  	s0 =	rddreg [dreg:$0x0];
	s2 =	stileid.u32  }
0x57: {  	s1 =	rddreg [dreg:$0x1];
	p0 =	sne.s32 s2, $0x0  }
0x58: {  	s3 =	rddreg [dreg:$0x2];
	[bflag:$0x3] =	sbarrier.arrive $0xFFFF;
	s2 =	simm.s32 @!p0 $0x1C01  }
0x59: {  	[timem:s3], [sflag:s2] =	dma.local @!p0 [hbm:s0], s1  }
0x5a: {  	s0 =	simm.s32 @!p0 $0x1  }
0x5b: {  	_ =	swait.ge @!p0 [sflag:s0], s1  }
0x5c: {  	s1 =	ssub.s32 @!p0 $0x0, s1;
	[sflag:s0] =	ssyncset.done @!p0 $0x0  }
0x5d: {  	[sflag:s0] =	ssyncadd.s32 @!p0 s1  }
0x5e: {  	[bflag:$0x3] =	sbarrier.arrive $0xFFFF  }
0x5f: {  	_ =	shalt  }

</sc_bundles>
